<compile_context>
chip_gen: v7x
topology: tpu7x:2x2x1
jax: 0.10.2.dev20260603
libtpu: 0.0.44.dev20260713+nightly
codegen_flags: <defaults>
</compile_context>

<pallas_src>
import functools

import jax
import jax.numpy as jnp
from jax import lax
from jax.experimental import pallas as pl
from jax.experimental.pallas import tpu as pltpu
from jax.experimental.pallas import tpu_sc as plsc

VOC = 1000000
D = 64
B = 16384
SEQ = 5
H = 128

NC = 2
NS = 16
NW = NC * NS
N_IDX = B * SEQ
ROWS_PER_W = N_IDX // NW
CHUNK = 128
NCHUNK = ROWS_PER_W // CHUNK

TW = 4352
NTB = 115
H2 = TW * NTB


def _pair_table(ET):
    def body(a_ref, b_ref, o_ref):
        o_ref[...] = jnp.concatenate([a_ref[...].T, b_ref[...].T], axis=1)

    return pl.pallas_call(
        body,
        grid=(NTB,),
        in_specs=[pl.BlockSpec((D, TW), lambda i: (0, i)),
                  pl.BlockSpec((D, TW), lambda i: (0, i + NTB))],
        out_specs=pl.BlockSpec((TW, 2 * D), lambda i: (i, 0)),
        out_shape=jax.ShapeDtypeStruct((H2, 2 * D), jnp.float32),
    )(ET, ET)


def _sc_gather(idx_3d, table2):
    mesh = plsc.VectorSubcoreMesh(core_axis_name="c", subcore_axis_name="s")

    @functools.partial(
        pl.kernel,
        out_type=jax.ShapeDtypeStruct((N_IDX, 2 * D), jnp.float32),
        mesh=mesh,
        scratch_types=[
            pltpu.VMEM((NCHUNK, CHUNK), jnp.int32),
            pltpu.VMEM((2, CHUNK, 2 * D), jnp.float32),
            pltpu.SemaphoreType.DMA((2,)),
            pltpu.SemaphoreType.DMA((2,)),
        ],
        compiler_params=pltpu.CompilerParams(use_tc_tiling_on_sc=False),
    )
    def gather_kernel(idx_hbm, table_hbm, out_hbm, idx_v, rows_v, gsem, osem):
        wid = lax.axis_index("s") * NC + lax.axis_index("c")
        base = wid * ROWS_PER_W
        pltpu.sync_copy(idx_hbm.at[wid], idx_v)

        def start_gather(j, b):
            return pltpu.async_copy(
                table_hbm.at[idx_v.at[j]], rows_v.at[b], gsem.at[b]
            )

        def start_out(j, b):
            return pltpu.async_copy(
                rows_v.at[b], out_hbm.at[pl.ds(base + j * CHUNK, CHUNK)],
                osem.at[b],
            )

        copies = {}
        copies[("g", 0)] = start_gather(0, 0)
        for j in range(NCHUNK):
            b = j % 2
            if j + 1 < NCHUNK:
                b2 = (j + 1) % 2
                if j >= 1:
                    copies[("o", j - 1)].wait()
                copies[("g", j + 1)] = start_gather(j + 1, b2)
            copies[("g", j)].wait()
            copies[("o", j)] = start_out(j, b)
        copies[("o", NCHUNK - 2)].wait()
        copies[("o", NCHUNK - 1)].wait()

    return gather_kernel(idx_3d, table2)


def _mlp_body(emb_ref, hs_ref, w1cat_ref, b1cat_ref, w2blk_ref, b2cat_ref,
              synt0_ref, sent0_ref, synt1_ref, sent1_ref, synt2_ref, sent2_ref):
    def sel(s):
        pair = emb_ref[:, s * 2 * D:(s + 1) * 2 * D]
        h = hs_ref[:, s:s + 1]
        return jnp.where(h > 0.5, pair[:, D:], pair[:, :D])

    g01 = jnp.concatenate([sel(0), sel(1)], axis=1)
    p = jnp.dot(g01, w1cat_ref[:2 * D, :], preferred_element_type=jnp.float32) \
        + b1cat_ref[0, :]
    w1c = w1cat_ref[2 * D:, :]
    souts = (synt0_ref, synt1_ref, synt2_ref)
    nouts = (sent0_ref, sent1_ref, sent2_ref)
    for k in range(3):
        ek = sel(2 + k)
        h = jnp.clip(p + jnp.dot(ek, w1c, preferred_element_type=jnp.float32),
                     -1.0, 1.0)
        lg = jnp.dot(h, w2blk_ref[...], preferred_element_type=jnp.float32) \
            + b2cat_ref[0, :]
        souts[k][...] = lg[:, 0:1]
        l0, l1 = lg[:, 1:2], lg[:, 2:3]
        m = jnp.maximum(l0, l1)
        e0 = jnp.exp(l0 - m)
        e1 = jnp.exp(l1 - m)
        inv = 1.0 / (e0 + e1)
        nouts[k][...] = jnp.concatenate([e0 * inv, e1 * inv], axis=1)


def _tc_score(emb2, halfsel, w1_synt, b1_synt, w2_synt, b2_synt,
              w1_sent, b1_sent, w2_sent, b2_sent, block_b=2048,
              interpret=False):
    w1cat = jnp.concatenate([w1_synt, w1_sent], axis=1)
    b1cat = jnp.concatenate([b1_synt, b1_sent]).reshape(1, 2 * H)
    w2blk = jnp.zeros((2 * H, 8), jnp.float32)
    w2blk = w2blk.at[:H, 0:1].set(w2_synt)
    w2blk = w2blk.at[H:, 1:3].set(w2_sent)
    b2cat = jnp.zeros((1, 8), jnp.float32)
    b2cat = b2cat.at[0, 0].set(b2_synt[0])
    b2cat = b2cat.at[0, 1].set(b2_sent[0])
    b2cat = b2cat.at[0, 2].set(b2_sent[1])
    grid = (B // block_b,)
    full = lambda shape: pl.BlockSpec(shape, lambda i: (0, 0))
    row = lambda w: pl.BlockSpec((block_b, w), lambda i: (i, 0))
    out_sd = [jax.ShapeDtypeStruct((B, 1), jnp.float32),
              jax.ShapeDtypeStruct((B, 2), jnp.float32)] * 3
    out_specs = [row(1), row(2)] * 3
    return pl.pallas_call(
        _mlp_body,
        grid=grid,
        in_specs=[row(SEQ * 2 * D), row(8), full((3 * D, 2 * H)),
                  full((1, 2 * H)), full((2 * H, 8)), full((1, 8))],
        out_specs=out_specs,
        out_shape=out_sd,
        interpret=interpret,
    )(emb2, halfsel, w1cat, b1cat, w2blk, b2cat)


def kernel(x, E, w1_synt, b1_synt, w2_synt, b2_synt,
           w1_sent, b1_sent, w2_sent, b2_sent):
    xi = x.reshape(N_IDX).astype(jnp.int32)
    table2 = _pair_table(E.T)
    half = xi >= H2
    pair_idx = jnp.where(half, xi - H2, xi).reshape(NW, NCHUNK, CHUNK)
    emb = _sc_gather(pair_idx, table2)
    emb2 = emb.reshape(B, SEQ * 2 * D)
    halfsel = jnp.pad(half.reshape(B, SEQ).astype(jnp.float32),
                      ((0, 0), (0, 8 - SEQ)))
    outs = _tc_score(emb2, halfsel, w1_synt, b1_synt, w2_synt, b2_synt,
                     w1_sent, b1_sent, w2_sent, b2_sent)
    return (outs[0], outs[1], outs[2], outs[3], outs[4], outs[5])

# --- scband reference (transcript-rebuilt; emitter-appended) ---
"""Pipeline reference for scband-sswe-14714557956371 (READ-ONLY COPY).

The authoritative reference and input builder live on the scoring server;
editing this copy changes nothing except your own understanding.
"""

import jax, jax.numpy as jnp
import numpy as np

VOC = 1000000
D = 64
B = 16384
SEQ = 5
H = 128

def setup_inputs(seed: int = 0):
    key = jax.random.key(seed)
    ks = jax.random.split(key, 12)
    x = jax.random.randint(ks[0], (B, SEQ), 0, VOC, dtype=jnp.int64) if jax.config.jax_enable_x64 else jax.random.randint(ks[0], (B, SEQ), 0, VOC, dtype=jnp.int32)
    E = jax.random.normal(ks[1], (VOC, D), dtype=jnp.float32) * 0.02
    w1_synt = jax.random.normal(ks[2], (3 * D, H), dtype=jnp.float32) * (1.0 / np.sqrt(3 * D))
    b1_synt = jnp.zeros((H,), dtype=jnp.float32)
    w2_synt = jax.random.normal(ks[3], (H, 1), dtype=jnp.float32) * (1.0 / np.sqrt(H))
    b2_synt = jnp.zeros((1,), dtype=jnp.float32)
    w1_sent = jax.random.normal(ks[4], (3 * D, H), dtype=jnp.float32) * (1.0 / np.sqrt(3 * D))
    b1_sent = jnp.zeros((H,), dtype=jnp.float32)
    w2_sent = jax.random.normal(ks[5], (H, 2), dtype=jnp.float32) * (1.0 / np.sqrt(H))
    b2_sent = jnp.zeros((2,), dtype=jnp.float32)
    return {"x": x, "E": E,
            "w1_synt": w1_synt, "b1_synt": b1_synt, "w2_synt": w2_synt, "b2_synt": b2_synt,
            "w1_sent": w1_sent, "b1_sent": b1_sent, "w2_sent": w2_sent, "b2_sent": b2_sent}

def _score(g, w1_synt, b1_synt, w2_synt, b2_synt, w1_sent, b1_sent, w2_sent, b2_sent):
    h_synt = jnp.clip(g @ w1_synt + b1_synt, -1.0, 1.0)  # Hardtanh
    synt = h_synt @ w2_synt + b2_synt
    h_sent = jnp.clip(g @ w1_sent + b1_sent, -1.0, 1.0)
    sent = jax.nn.softmax(h_sent @ w2_sent + b2_sent, axis=-1)
    return synt, sent

def reference(x, E, w1_synt, b1_synt, w2_synt, b2_synt, w1_sent, b1_sent, w2_sent, b2_sent):
    emb = jnp.take(E, x, axis=0)  # [B, SEQ, D] embedding lookup
    true_gram = jnp.concatenate([emb[:, 0, :], emb[:, 1, :], emb[:, 2, :]], axis=1)
    outs = []
    s0 = _score(true_gram, w1_synt, b1_synt, w2_synt, b2_synt, w1_sent, b1_sent, w2_sent, b2_sent)
    outs.extend(s0)
    for step in range(3, emb.shape[1]):
        corrupt_gram = jnp.concatenate([emb[:, 0, :], emb[:, 1, :], emb[:, step, :]], axis=1)
        sc = _score(corrupt_gram, w1_synt, b1_synt, w2_synt, b2_synt, w1_sent, b1_sent, w2_sent, b2_sent)
        outs.extend(sc)
    return tuple(outs)

if __name__ == "__main__":
    import jax
    _d = setup_inputs()
    print(jax.jit(kernel)(*tuple(_d.values())))

</pallas_src>

<mosaic_0001>
#map = affine_map<(d0, d1) -> (0, 0, 0)>
#map1 = affine_map<(d0, d1) -> (0, 0)>
module attributes {stable_mosaic.version = 14 : i64} {
  func.func @gather_kernel(%arg0: i32, %arg1: i32, %arg2: memref<32x20x128xi32, #tpu.memory_space<hbm>>, %arg3: memref<500480x128xf32, #tpu.memory_space<hbm>>, %arg4: memref<81920x128xf32, #tpu.memory_space<hbm>>, %arg5: memref<20x128xi32, #tpu.memory_space<vmem>>, %arg6: memref<2x128x128xf32, #tpu.memory_space<vmem>>, %arg7: memref<2x!tpu.dma_semaphore, #tpu.memory_space<semaphore_mem>>, %arg8: memref<2x!tpu.dma_semaphore, #tpu.memory_space<semaphore_mem>>) attributes {dimension_semantics = [#tpu.dimension_semantics<core_parallel>, #tpu.dimension_semantics<subcore_parallel>], iteration_bounds = array<i64: 2, 16>, scalar_prefetch = 0 : i64, scratch_operands = 4 : i64, tpu.core_type = #tpu.core_type<sc_vector_subcore>, window_params = [{transform_indices = #map}, {transform_indices = #map1}, {transform_indices = #map1}]} {
    %mul3A = arith.constant 2 : i32
    %mul3A_0 = arith.muli %arg1, %mul3A : i32
    %add3A = arith.addi %mul3A_0, %arg0 : i32
    %mul3A_1 = arith.constant 2560 : i32
    %mul3A_2 = arith.muli %add3A, %mul3A_1 : i32
    "tpu.region"() ({
      %run_scoped3A = tpu.sem_alloc : memref<!tpu.dma_semaphore, #tpu.memory_space<semaphore_mem>>
      %dma_start3A_1281 = arith.constant 0 : i32
      %dma_start3A_1282 = arith.constant 0 : i32
      %dma_start3A_1283 = tpu.memref_slice %arg2[%add3A, %dma_start3A_1281, %dma_start3A_1282] : memref<32x20x128xi32, #tpu.memory_space<hbm>> -> memref<1x20x128xi32, #tpu.memory_space<hbm>>
      %dma_start3A_1284 = tpu.memref_squeeze %dma_start3A_1283 : memref<1x20x128xi32, #tpu.memory_space<hbm>> -> memref<20x128xi32, #tpu.memory_space<hbm>>
      %dma_start3A_1285 = arith.constant 0 : i32
      %dma_start3A_1286 = arith.constant 0 : i32
      %dma_start3A_1287 = tpu.memref_slice %arg2[%add3A, %dma_start3A_1285, %dma_start3A_1286] : memref<32x20x128xi32, #tpu.memory_space<hbm>> -> memref<1x20x128xi32, #tpu.memory_space<hbm>>
      %dma_start3A_1288 = tpu.memref_squeeze %dma_start3A_1287 : memref<1x20x128xi32, #tpu.memory_space<hbm>> -> memref<20x128xi32, #tpu.memory_space<hbm>>
      tpu.enqueue_dma source(%dma_start3A_1288 : memref<20x128xi32, #tpu.memory_space<hbm>>) target(%arg5 : memref<20x128xi32, #tpu.memory_space<vmem>>) target_semaphore(%run_scoped3A : memref<!tpu.dma_semaphore, #tpu.memory_space<semaphore_mem>>)
      %dma_wait3A_1289 = arith.constant 0 : i32
      %dma_wait3A_1290 = arith.constant 0 : i32
      %dma_wait3A_1291 = tpu.memref_slice %arg2[%add3A, %dma_wait3A_1289, %dma_wait3A_1290] : memref<32x20x128xi32, #tpu.memory_space<hbm>> -> memref<1x20x128xi32, #tpu.memory_space<hbm>>
      %dma_wait3A_1292 = tpu.memref_squeeze %dma_wait3A_1291 : memref<1x20x128xi32, #tpu.memory_space<hbm>> -> memref<20x128xi32, #tpu.memory_space<hbm>>
      %dma_wait3A_1293 = arith.constant 0 : i32
      %dma_wait3A_1294 = arith.constant 0 : i32
      %dma_wait3A_1295 = tpu.memref_slice %arg2[%add3A, %dma_wait3A_1293, %dma_wait3A_1294] : memref<32x20x128xi32, #tpu.memory_space<hbm>> -> memref<1x20x128xi32, #tpu.memory_space<hbm>>
      %dma_wait3A_1296 = tpu.memref_squeeze %dma_wait3A_1295 : memref<1x20x128xi32, #tpu.memory_space<hbm>> -> memref<20x128xi32, #tpu.memory_space<hbm>>
      tpu.wait_dma2 semaphore(%run_scoped3A : memref<!tpu.dma_semaphore, #tpu.memory_space<semaphore_mem>>) src(%dma_wait3A_1296 : memref<20x128xi32, #tpu.memory_space<hbm>>) dst(%arg5 : memref<20x128xi32, #tpu.memory_space<vmem>>)
      tpu.yield
    }) : () -> ()
    %dma_start3A = arith.constant 0 : i32
    %dma_start3A_3 = arith.constant 0 : i32
    %dma_start3A_4 = arith.constant 0 : i32
    %dma_start3A_5 = arith.constant 0 : i32
    %dma_start3A_6 = arith.constant 0 : i32
    %dma_start3A_7 = tpu.memref_slice %arg6[%dma_start3A_3, %dma_start3A_5, %dma_start3A_6] : memref<2x128x128xf32, #tpu.memory_space<vmem>> -> memref<1x128x128xf32, #tpu.memory_space<vmem>>
    %dma_start3A_8 = tpu.memref_squeeze %dma_start3A_7 : memref<1x128x128xf32, #tpu.memory_space<vmem>> -> memref<128x128xf32, #tpu.memory_space<vmem>>
    %dma_start3A_9 = arith.constant 0 : i32
    %dma_start3A_10 = tpu.memref_slice %arg5[%dma_start3A, %dma_start3A_9] : memref<20x128xi32, #tpu.memory_space<vmem>> -> memref<1x128xi32, #tpu.memory_space<vmem>>
    %dma_start3A_11 = tpu.memref_squeeze %dma_start3A_10 : memref<1x128xi32, #tpu.memory_space<vmem>> -> memref<128xi32, #tpu.memory_space<vmem>>
    %dma_start3A_12 = arith.constant 0 : i32
    %dma_start3A_13 = arith.constant 0 : i32
    %dma_start3A_14 = tpu.memref_slice %arg3[%dma_start3A_12, %dma_start3A_13] : memref<500480x128xf32, #tpu.memory_space<hbm>> -> memref<500480x128xf32, #tpu.memory_space<hbm>>
    %dma_start3A_15 = tpu.memref_slice %arg7[%dma_start3A_4] : memref<2x!tpu.dma_semaphore, #tpu.memory_space<semaphore_mem>> -> memref<1x!tpu.dma_semaphore, #tpu.memory_space<semaphore_mem>>
    %dma_start3A_16 = tpu.memref_squeeze %dma_start3A_15 : memref<1x!tpu.dma_semaphore, #tpu.memory_space<semaphore_mem>> -> memref<!tpu.dma_semaphore, #tpu.memory_space<semaphore_mem>>
    tpu.enqueue_indirect_dma source(%dma_start3A_14 : memref<500480x128xf32, #tpu.memory_space<hbm>>) target(%dma_start3A_8 : memref<128x128xf32, #tpu.memory_space<vmem>>) offsets(%dma_start3A_11 : memref<128xi32, #tpu.memory_space<vmem>>) semaphore(%dma_start3A_16 : memref<!tpu.dma_semaphore, #tpu.memory_space<semaphore_mem>>)
    %dma_start3A_17 = arith.constant 1 : i32
    %dma_start3A_18 = arith.constant 1 : i32
    %dma_start3A_19 = arith.constant 1 : i32
    %dma_start3A_20 = arith.constant 0 : i32
    %dma_start3A_21 = arith.constant 0 : i32
    %dma_start3A_22 = tpu.memref_slice %arg6[%dma_start3A_18, %dma_start3A_20, %dma_start3A_21] : memref<2x128x128xf32, #tpu.memory_space<vmem>> -> memref<1x128x128xf32, #tpu.memory_space<vmem>>
    %dma_start3A_23 = tpu.memref_squeeze %dma_start3A_22 : memref<1x128x128xf32, #tpu.memory_space<vmem>> -> memref<128x128xf32, #tpu.memory_space<vmem>>
    %dma_start3A_24 = arith.constant 0 : i32
    %dma_start3A_25 = tpu.memref_slice %arg5[%dma_start3A_17, %dma_start3A_24] : memref<20x128xi32, #tpu.memory_space<vmem>> -> memref<1x128xi32, #tpu.memory_space<vmem>>
    %dma_start3A_26 = tpu.memref_squeeze %dma_start3A_25 : memref<1x128xi32, #tpu.memory_space<vmem>> -> memref<128xi32, #tpu.memory_space<vmem>>
    %dma_start3A_27 = arith.constant 0 : i32
    %dma_start3A_28 = arith.constant 0 : i32
    %dma_start3A_29 = tpu.memref_slice %arg3[%dma_start3A_27, %dma_start3A_28] : memref<500480x128xf32, #tpu.memory_space<hbm>> -> memref<500480x128xf32, #tpu.memory_space<hbm>>
    %dma_start3A_30 = tpu.memref_slice %arg7[%dma_start3A_19] : memref<2x!tpu.dma_semaphore, #tpu.memory_space<semaphore_mem>> -> memref<1x!tpu.dma_semaphore, #tpu.memory_space<semaphore_mem>>
    %dma_start3A_31 = tpu.memref_squeeze %dma_start3A_30 : memref<1x!tpu.dma_semaphore, #tpu.memory_space<semaphore_mem>> -> memref<!tpu.dma_semaphore, #tpu.memory_space<semaphore_mem>>
    tpu.enqueue_indirect_dma source(%dma_start3A_29 : memref<500480x128xf32, #tpu.memory_space<hbm>>) target(%dma_start3A_23 : memref<128x128xf32, #tpu.memory_space<vmem>>) offsets(%dma_start3A_26 : memref<128xi32, #tpu.memory_space<vmem>>) semaphore(%dma_start3A_31 : memref<!tpu.dma_semaphore, #tpu.memory_space<semaphore_mem>>)
    %dma_wait3A = arith.constant 0 : i32
    %dma_wait3A_32 = arith.constant 0 : i32
    %dma_wait3A_33 = arith.constant 0 : i32
    %dma_wait3A_34 = arith.constant 0 : i32
    %dma_wait3A_35 = arith.constant 0 : i32
    %dma_wait3A_36 = tpu.memref_slice %arg6[%dma_wait3A_32, %dma_wait3A_34, %dma_wait3A_35] : memref<2x128x128xf32, #tpu.memory_space<vmem>> -> memref<1x128x128xf32, #tpu.memory_space<vmem>>
    %dma_wait3A_37 = tpu.memref_squeeze %dma_wait3A_36 : memref<1x128x128xf32, #tpu.memory_space<vmem>> -> memref<128x128xf32, #tpu.memory_space<vmem>>
    %dma_wait3A_38 = arith.constant 0 : i32
    %dma_wait3A_39 = tpu.memref_slice %arg5[%dma_wait3A, %dma_wait3A_38] : memref<20x128xi32, #tpu.memory_space<vmem>> -> memref<1x128xi32, #tpu.memory_space<vmem>>
    %dma_wait3A_40 = tpu.memref_squeeze %dma_wait3A_39 : memref<1x128xi32, #tpu.memory_space<vmem>> -> memref<128xi32, #tpu.memory_space<vmem>>
    %dma_wait3A_41 = arith.constant 0 : i32
    %dma_wait3A_42 = arith.constant 0 : i32
    %dma_wait3A_43 = tpu.memref_slice %arg3[%dma_wait3A_41, %dma_wait3A_42] : memref<500480x128xf32, #tpu.memory_space<hbm>> -> memref<500480x128xf32, #tpu.memory_space<hbm>>
    %dma_wait3A_44 = tpu.memref_slice %arg7[%dma_wait3A_33] : memref<2x!tpu.dma_semaphore, #tpu.memory_space<semaphore_mem>> -> memref<1x!tpu.dma_semaphore, #tpu.memory_space<semaphore_mem>>
    %dma_wait3A_45 = tpu.memref_squeeze %dma_wait3A_44 : memref<1x!tpu.dma_semaphore, #tpu.memory_space<semaphore_mem>> -> memref<!tpu.dma_semaphore, #tpu.memory_space<semaphore_mem>>
    tpu.wait_indirect_dma semaphore(%dma_wait3A_45 : memref<!tpu.dma_semaphore, #tpu.memory_space<semaphore_mem>>) src(%dma_wait3A_43 : memref<500480x128xf32, #tpu.memory_space<hbm>>) dst(%dma_wait3A_37 : memref<128x128xf32, #tpu.memory_space<vmem>>)
    %add3A_46 = arith.constant 0 : i32
    %add3A_47 = arith.addi %mul3A_2, %add3A_46 : i32
    %dma_start3A_48 = arith.constant 0 : i32
    %dma_start3A_49 = arith.constant 0 : i32
    %dma_start3A_50 = arith.constant 0 : i32
    %dma_start3A_51 = arith.constant 0 : i32
    %dma_start3A_52 = tpu.memref_slice %arg6[%dma_start3A_48, %dma_start3A_50, %dma_start3A_51] : memref<2x128x128xf32, #tpu.memory_space<vmem>> -> memref<1x128x128xf32, #tpu.memory_space<vmem>>
    %dma_start3A_53 = tpu.memref_squeeze %dma_start3A_52 : memref<1x128x128xf32, #tpu.memory_space<vmem>> -> memref<128x128xf32, #tpu.memory_space<vmem>>
    %dma_start3A_54 = arith.constant 0 : i32
    %dma_start3A_55 = tpu.memref_slice %arg4[%add3A_47, %dma_start3A_54] : memref<81920x128xf32, #tpu.memory_space<hbm>> -> memref<128x128xf32, #tpu.memory_space<hbm>>
    %dma_start3A_56 = tpu.memref_slice %arg8[%dma_start3A_49] : memref<2x!tpu.dma_semaphore, #tpu.memory_space<semaphore_mem>> -> memref<1x!tpu.dma_semaphore, #tpu.memory_space<semaphore_mem>>
    %dma_start3A_57 = tpu.memref_squeeze %dma_start3A_56 : memref<1x!tpu.dma_semaphore, #tpu.memory_space<semaphore_mem>> -> memref<!tpu.dma_semaphore, #tpu.memory_space<semaphore_mem>>
    %dma_start3A_58 = arith.constant 0 : i32
    %dma_start3A_59 = tpu.memref_slice %arg4[%add3A_47, %dma_start3A_58] : memref<81920x128xf32, #tpu.memory_space<hbm>> -> memref<128x128xf32, #tpu.memory_space<hbm>>
    %dma_start3A_60 = arith.constant 0 : i32
    %dma_start3A_61 = arith.constant 0 : i32
    %dma_start3A_62 = tpu.memref_slice %arg6[%dma_start3A_48, %dma_start3A_60, %dma_start3A_61] : memref<2x128x128xf32, #tpu.memory_space<vmem>> -> memref<1x128x128xf32, #tpu.memory_space<vmem>>
    %dma_start3A_63 = tpu.memref_squeeze %dma_start3A_62 : memref<1x128x128xf32, #tpu.memory_space<vmem>> -> memref<128x128xf32, #tpu.memory_space<vmem>>
    tpu.enqueue_dma source(%dma_start3A_63 : memref<128x128xf32, #tpu.memory_space<vmem>>) target(%dma_start3A_59 : memref<128x128xf32, #tpu.memory_space<hbm>>) target_semaphore(%dma_start3A_57 : memref<!tpu.dma_semaphore, #tpu.memory_space<semaphore_mem>>)
    %dma_wait3A_64 = arith.constant 0 : i32
    %dma_wait3A_65 = arith.constant 0 : i32
    %dma_wait3A_66 = arith.constant 0 : i32
    %dma_wait3A_67 = arith.constant 0 : i32
    %dma_wait3A_68 = tpu.memref_slice %arg6[%dma_wait3A_64, %dma_wait3A_66, %dma_wait3A_67] : memref<2x128x128xf32, #tpu.memory_space<vmem>> -> memref<1x128x128xf32, #tpu.memory_space<vmem>>
    %dma_wait3A_69 = tpu.memref_squeeze %dma_wait3A_68 : memref<1x128x128xf32, #tpu.memory_space<vmem>> -> memref<128x128xf32, #tpu.memory_space<vmem>>
    %dma_wait3A_70 = arith.constant 0 : i32
    %dma_wait3A_71 = tpu.memref_slice %arg4[%add3A_47, %dma_wait3A_70] : memref<81920x128xf32, #tpu.memory_space<hbm>> -> memref<128x128xf32, #tpu.memory_space<hbm>>
    %dma_wait3A_72 = tpu.memref_slice %arg8[%dma_wait3A_65] : memref<2x!tpu.dma_semaphore, #tpu.memory_space<semaphore_mem>> -> memref<1x!tpu.dma_semaphore, #tpu.memory_space<semaphore_mem>>
    %dma_wait3A_73 = tpu.memref_squeeze %dma_wait3A_72 : memref<1x!tpu.dma_semaphore, #tpu.memory_space<semaphore_mem>> -> memref<!tpu.dma_semaphore, #tpu.memory_space<semaphore_mem>>
    %dma_wait3A_74 = arith.constant 0 : i32
    %dma_wait3A_75 = tpu.memref_slice %arg4[%add3A_47, %dma_wait3A_74] : memref<81920x128xf32, #tpu.memory_space<hbm>> -> memref<128x128xf32, #tpu.memory_space<hbm>>
    %dma_wait3A_76 = arith.constant 0 : i32
    %dma_wait3A_77 = arith.constant 0 : i32
    %dma_wait3A_78 = tpu.memref_slice %arg6[%dma_wait3A_64, %dma_wait3A_76, %dma_wait3A_77] : memref<2x128x128xf32, #tpu.memory_space<vmem>> -> memref<1x128x128xf32, #tpu.memory_space<vmem>>
    %dma_wait3A_79 = tpu.memref_squeeze %dma_wait3A_78 : memref<1x128x128xf32, #tpu.memory_space<vmem>> -> memref<128x128xf32, #tpu.memory_space<vmem>>
    tpu.wait_dma2 semaphore(%dma_wait3A_73 : memref<!tpu.dma_semaphore, #tpu.memory_space<semaphore_mem>>) src(%dma_wait3A_79 : memref<128x128xf32, #tpu.memory_space<vmem>>) dst(%dma_wait3A_75 : memref<128x128xf32, #tpu.memory_space<hbm>>)
    %dma_start3A_80 = arith.constant 2 : i32
    %dma_start3A_81 = arith.constant 0 : i32
    %dma_start3A_82 = arith.constant 0 : i32
    %dma_start3A_83 = arith.constant 0 : i32
    %dma_start3A_84 = arith.constant 0 : i32
    %dma_start3A_85 = tpu.memref_slice %arg6[%dma_start3A_81, %dma_start3A_83, %dma_start3A_84] : memref<2x128x128xf32, #tpu.memory_space<vmem>> -> memref<1x128x128xf32, #tpu.memory_space<vmem>>
    %dma_start3A_86 = tpu.memref_squeeze %dma_start3A_85 : memref<1x128x128xf32, #tpu.memory_space<vmem>> -> memref<128x128xf32, #tpu.memory_space<vmem>>
    %dma_start3A_87 = arith.constant 0 : i32
    %dma_start3A_88 = tpu.memref_slice %arg5[%dma_start3A_80, %dma_start3A_87] : memref<20x128xi32, #tpu.memory_space<vmem>> -> memref<1x128xi32, #tpu.memory_space<vmem>>
    %dma_start3A_89 = tpu.memref_squeeze %dma_start3A_88 : memref<1x128xi32, #tpu.memory_space<vmem>> -> memref<128xi32, #tpu.memory_space<vmem>>
    %dma_start3A_90 = arith.constant 0 : i32
    %dma_start3A_91 = arith.constant 0 : i32
    %dma_start3A_92 = tpu.memref_slice %arg3[%dma_start3A_90, %dma_start3A_91] : memref<500480x128xf32, #tpu.memory_space<hbm>> -> memref<500480x128xf32, #tpu.memory_space<hbm>>
    %dma_start3A_93 = tpu.memref_slice %arg7[%dma_start3A_82] : memref<2x!tpu.dma_semaphore, #tpu.memory_space<semaphore_mem>> -> memref<1x!tpu.dma_semaphore, #tpu.memory_space<semaphore_mem>>
    %dma_start3A_94 = tpu.memref_squeeze %dma_start3A_93 : memref<1x!tpu.dma_semaphore, #tpu.memory_space<semaphore_mem>> -> memref<!tpu.dma_semaphore, #tpu.memory_space<semaphore_mem>>
    tpu.enqueue_indirect_dma source(%dma_start3A_92 : memref<500480x128xf32, #tpu.memory_space<hbm>>) target(%dma_start3A_86 : memref<128x128xf32, #tpu.memory_space<vmem>>) offsets(%dma_start3A_89 : memref<128xi32, #tpu.memory_space<vmem>>) semaphore(%dma_start3A_94 : memref<!tpu.dma_semaphore, #tpu.memory_space<semaphore_mem>>)
    %dma_wait3A_95 = arith.constant 1 : i32
    %dma_wait3A_96 = arith.constant 1 : i32
    %dma_wait3A_97 = arith.constant 1 : i32
    %dma_wait3A_98 = arith.constant 0 : i32
    %dma_wait3A_99 = arith.constant 0 : i32
    %dma_wait3A_100 = tpu.memref_slice %arg6[%dma_wait3A_96, %dma_wait3A_98, %dma_wait3A_99] : memref<2x128x128xf32, #tpu.memory_space<vmem>> -> memref<1x128x128xf32, #tpu.memory_space<vmem>>
    %dma_wait3A_101 = tpu.memref_squeeze %dma_wait3A_100 : memref<1x128x128xf32, #tpu.memory_space<vmem>> -> memref<128x128xf32, #tpu.memory_space<vmem>>
    %dma_wait3A_102 = arith.constant 0 : i32
    %dma_wait3A_103 = tpu.memref_slice %arg5[%dma_wait3A_95, %dma_wait3A_102] : memref<20x128xi32, #tpu.memory_space<vmem>> -> memref<1x128xi32, #tpu.memory_space<vmem>>
    %dma_wait3A_104 = tpu.memref_squeeze %dma_wait3A_103 : memref<1x128xi32, #tpu.memory_space<vmem>> -> memref<128xi32, #tpu.memory_space<vmem>>
    %dma_wait3A_105 = arith.constant 0 : i32
    %dma_wait3A_106 = arith.constant 0 : i32
    %dma_wait3A_107 = tpu.memref_slice %arg3[%dma_wait3A_105, %dma_wait3A_106] : memref<500480x128xf32, #tpu.memory_space<hbm>> -> memref<500480x128xf32, #tpu.memory_space<hbm>>
    %dma_wait3A_108 = tpu.memref_slice %arg7[%dma_wait3A_97] : memref<2x!tpu.dma_semaphore, #tpu.memory_space<semaphore_mem>> -> memref<1x!tpu.dma_semaphore, #tpu.memory_space<semaphore_mem>>
    %dma_wait3A_109 = tpu.memref_squeeze %dma_wait3A_108 : memref<1x!tpu.dma_semaphore, #tpu.memory_space<semaphore_mem>> -> memref<!tpu.dma_semaphore, #tpu.memory_space<semaphore_mem>>
    tpu.wait_indirect_dma semaphore(%dma_wait3A_109 : memref<!tpu.dma_semaphore, #tpu.memory_space<semaphore_mem>>) src(%dma_wait3A_107 : memref<500480x128xf32, #tpu.memory_space<hbm>>) dst(%dma_wait3A_101 : memref<128x128xf32, #tpu.memory_space<vmem>>)
    %add3A_110 = arith.constant 128 : i32
    %add3A_111 = arith.addi %mul3A_2, %add3A_110 : i32
    %dma_start3A_112 = arith.constant 1 : i32
    %dma_start3A_113 = arith.constant 1 : i32
    %dma_start3A_114 = arith.constant 0 : i32
    %dma_start3A_115 = arith.constant 0 : i32
    %dma_start3A_116 = tpu.memref_slice %arg6[%dma_start3A_112, %dma_start3A_114, %dma_start3A_115] : memref<2x128x128xf32, #tpu.memory_space<vmem>> -> memref<1x128x128xf32, #tpu.memory_space<vmem>>
    %dma_start3A_117 = tpu.memref_squeeze %dma_start3A_116 : memref<1x128x128xf32, #tpu.memory_space<vmem>> -> memref<128x128xf32, #tpu.memory_space<vmem>>
    %dma_start3A_118 = arith.constant 0 : i32
    %dma_start3A_119 = tpu.memref_slice %arg4[%add3A_111, %dma_start3A_118] : memref<81920x128xf32, #tpu.memory_space<hbm>> -> memref<128x128xf32, #tpu.memory_space<hbm>>
    %dma_start3A_120 = tpu.memref_slice %arg8[%dma_start3A_113] : memref<2x!tpu.dma_semaphore, #tpu.memory_space<semaphore_mem>> -> memref<1x!tpu.dma_semaphore, #tpu.memory_space<semaphore_mem>>
    %dma_start3A_121 = tpu.memref_squeeze %dma_start3A_120 : memref<1x!tpu.dma_semaphore, #tpu.memory_space<semaphore_mem>> -> memref<!tpu.dma_semaphore, #tpu.memory_space<semaphore_mem>>
    %dma_start3A_122 = arith.constant 0 : i32
    %dma_start3A_123 = tpu.memref_slice %arg4[%add3A_111, %dma_start3A_122] : memref<81920x128xf32, #tpu.memory_space<hbm>> -> memref<128x128xf32, #tpu.memory_space<hbm>>
    %dma_start3A_124 = arith.constant 0 : i32
    %dma_start3A_125 = arith.constant 0 : i32
    %dma_start3A_126 = tpu.memref_slice %arg6[%dma_start3A_112, %dma_start3A_124, %dma_start3A_125] : memref<2x128x128xf32, #tpu.memory_space<vmem>> -> memref<1x128x128xf32, #tpu.memory_space<vmem>>
    %dma_start3A_127 = tpu.memref_squeeze %dma_start3A_126 : memref<1x128x128xf32, #tpu.memory_space<vmem>> -> memref<128x128xf32, #tpu.memory_space<vmem>>
    tpu.enqueue_dma source(%dma_start3A_127 : memref<128x128xf32, #tpu.memory_space<vmem>>) target(%dma_start3A_123 : memref<128x128xf32, #tpu.memory_space<hbm>>) target_semaphore(%dma_start3A_121 : memref<!tpu.dma_semaphore, #tpu.memory_space<semaphore_mem>>)
    %dma_wait3A_128 = arith.constant 1 : i32
    %dma_wait3A_129 = arith.constant 1 : i32
    %dma_wait3A_130 = arith.constant 0 : i32
    %dma_wait3A_131 = arith.constant 0 : i32
    %dma_wait3A_132 = tpu.memref_slice %arg6[%dma_wait3A_128, %dma_wait3A_130, %dma_wait3A_131] : memref<2x128x128xf32, #tpu.memory_space<vmem>> -> memref<1x128x128xf32, #tpu.memory_space<vmem>>
    %dma_wait3A_133 = tpu.memref_squeeze %dma_wait3A_132 : memref<1x128x128xf32, #tpu.memory_space<vmem>> -> memref<128x128xf32, #tpu.memory_space<vmem>>
    %dma_wait3A_134 = arith.constant 0 : i32
    %dma_wait3A_135 = tpu.memref_slice %arg4[%add3A_111, %dma_wait3A_134] : memref<81920x128xf32, #tpu.memory_space<hbm>> -> memref<128x128xf32, #tpu.memory_space<hbm>>
    %dma_wait3A_136 = tpu.memref_slice %arg8[%dma_wait3A_129] : memref<2x!tpu.dma_semaphore, #tpu.memory_space<semaphore_mem>> -> memref<1x!tpu.dma_semaphore, #tpu.memory_space<semaphore_mem>>
    %dma_wait3A_137 = tpu.memref_squeeze %dma_wait3A_136 : memref<1x!tpu.dma_semaphore, #tpu.memory_space<semaphore_mem>> -> memref<!tpu.dma_semaphore, #tpu.memory_space<semaphore_mem>>
    %dma_wait3A_138 = arith.constant 0 : i32
    %dma_wait3A_139 = tpu.memref_slice %arg4[%add3A_111, %dma_wait3A_138] : memref<81920x128xf32, #tpu.memory_space<hbm>> -> memref<128x128xf32, #tpu.memory_space<hbm>>
    %dma_wait3A_140 = arith.constant 0 : i32
    %dma_wait3A_141 = arith.constant 0 : i32
    %dma_wait3A_142 = tpu.memref_slice %arg6[%dma_wait3A_128, %dma_wait3A_140, %dma_wait3A_141] : memref<2x128x128xf32, #tpu.memory_space<vmem>> -> memref<1x128x128xf32, #tpu.memory_space<vmem>>
    %dma_wait3A_143 = tpu.memref_squeeze %dma_wait3A_142 : memref<1x128x128xf32, #tpu.memory_space<vmem>> -> memref<128x128xf32, #tpu.memory_space<vmem>>
    tpu.wait_dma2 semaphore(%dma_wait3A_137 : memref<!tpu.dma_semaphore, #tpu.memory_space<semaphore_mem>>) src(%dma_wait3A_143 : memref<128x128xf32, #tpu.memory_space<vmem>>) dst(%dma_wait3A_139 : memref<128x128xf32, #tpu.memory_space<hbm>>)
    %dma_start3A_144 = arith.constant 3 : i32
    %dma_start3A_145 = arith.constant 1 : i32
    %dma_start3A_146 = arith.constant 1 : i32
    %dma_start3A_147 = arith.constant 0 : i32
    %dma_start3A_148 = arith.constant 0 : i32
    %dma_start3A_149 = tpu.memref_slice %arg6[%dma_start3A_145, %dma_start3A_147, %dma_start3A_148] : memref<2x128x128xf32, #tpu.memory_space<vmem>> -> memref<1x128x128xf32, #tpu.memory_space<vmem>>
    %dma_start3A_150 = tpu.memref_squeeze %dma_start3A_149 : memref<1x128x128xf32, #tpu.memory_space<vmem>> -> memref<128x128xf32, #tpu.memory_space<vmem>>
    %dma_start3A_151 = arith.constant 0 : i32
    %dma_start3A_152 = tpu.memref_slice %arg5[%dma_start3A_144, %dma_start3A_151] : memref<20x128xi32, #tpu.memory_space<vmem>> -> memref<1x128xi32, #tpu.memory_space<vmem>>
    %dma_start3A_153 = tpu.memref_squeeze %dma_start3A_152 : memref<1x128xi32, #tpu.memory_space<vmem>> -> memref<128xi32, #tpu.memory_space<vmem>>
    %dma_start3A_154 = arith.constant 0 : i32
    %dma_start3A_155 = arith.constant 0 : i32
    %dma_start3A_156 = tpu.memref_slice %arg3[%dma_start3A_154, %dma_start3A_155] : memref<500480x128xf32, #tpu.memory_space<hbm>> -> memref<500480x128xf32, #tpu.memory_space<hbm>>
    %dma_start3A_157 = tpu.memref_slice %arg7[%dma_start3A_146] : memref<2x!tpu.dma_semaphore, #tpu.memory_space<semaphore_mem>> -> memref<1x!tpu.dma_semaphore, #tpu.memory_space<semaphore_mem>>
    %dma_start3A_158 = tpu.memref_squeeze %dma_start3A_157 : memref<1x!tpu.dma_semaphore, #tpu.memory_space<semaphore_mem>> -> memref<!tpu.dma_semaphore, #tpu.memory_space<semaphore_mem>>
    tpu.enqueue_indirect_dma source(%dma_start3A_156 : memref<500480x128xf32, #tpu.memory_space<hbm>>) target(%dma_start3A_150 : memref<128x128xf32, #tpu.memory_space<vmem>>) offsets(%dma_start3A_153 : memref<128xi32, #tpu.memory_space<vmem>>) semaphore(%dma_start3A_158 : memref<!tpu.dma_semaphore, #tpu.memory_space<semaphore_mem>>)
    %dma_wait3A_159 = arith.constant 2 : i32
    %dma_wait3A_160 = arith.constant 0 : i32
    %dma_wait3A_161 = arith.constant 0 : i32
    %dma_wait3A_162 = arith.constant 0 : i32
    %dma_wait3A_163 = arith.constant 0 : i32
    %dma_wait3A_164 = tpu.memref_slice %arg6[%dma_wait3A_160, %dma_wait3A_162, %dma_wait3A_163] : memref<2x128x128xf32, #tpu.memory_space<vmem>> -> memref<1x128x128xf32, #tpu.memory_space<vmem>>
    %dma_wait3A_165 = tpu.memref_squeeze %dma_wait3A_164 : memref<1x128x128xf32, #tpu.memory_space<vmem>> -> memref<128x128xf32, #tpu.memory_space<vmem>>
    %dma_wait3A_166 = arith.constant 0 : i32
    %dma_wait3A_167 = tpu.memref_slice %arg5[%dma_wait3A_159, %dma_wait3A_166] : memref<20x128xi32, #tpu.memory_space<vmem>> -> memref<1x128xi32, #tpu.memory_space<vmem>>
    %dma_wait3A_168 = tpu.memref_squeeze %dma_wait3A_167 : memref<1x128xi32, #tpu.memory_space<vmem>> -> memref<128xi32, #tpu.memory_space<vmem>>
    %dma_wait3A_169 = arith.constant 0 : i32
    %dma_wait3A_170 = arith.constant 0 : i32
    %dma_wait3A_171 = tpu.memref_slice %arg3[%dma_wait3A_169, %dma_wait3A_170] : memref<500480x128xf32, #tpu.memory_space<hbm>> -> memref<500480x128xf32, #tpu.memory_space<hbm>>
    %dma_wait3A_172 = tpu.memref_slice %arg7[%dma_wait3A_161] : memref<2x!tpu.dma_semaphore, #tpu.memory_space<semaphore_mem>> -> memref<1x!tpu.dma_semaphore, #tpu.memory_space<semaphore_mem>>
    %dma_wait3A_173 = tpu.memref_squeeze %dma_wait3A_172 : memref<1x!tpu.dma_semaphore, #tpu.memory_space<semaphore_mem>> -> memref<!tpu.dma_semaphore, #tpu.memory_space<semaphore_mem>>
    tpu.wait_indirect_dma semaphore(%dma_wait3A_173 : memref<!tpu.dma_semaphore, #tpu.memory_space<semaphore_mem>>) src(%dma_wait3A_171 : memref<500480x128xf32, #tpu.memory_space<hbm>>) dst(%dma_wait3A_165 : memref<128x128xf32, #tpu.memory_space<vmem>>)
    %add3A_174 = arith.constant 256 : i32
    %add3A_175 = arith.addi %mul3A_2, %add3A_174 : i32
    %dma_start3A_176 = arith.constant 0 : i32
    %dma_start3A_177 = arith.constant 0 : i32
    %dma_start3A_178 = arith.constant 0 : i32
    %dma_start3A_179 = arith.constant 0 : i32
    %dma_start3A_180 = tpu.memref_slice %arg6[%dma_start3A_176, %dma_start3A_178, %dma_start3A_179] : memref<2x128x128xf32, #tpu.memory_space<vmem>> -> memref<1x128x128xf32, #tpu.memory_space<vmem>>
    %dma_start3A_181 = tpu.memref_squeeze %dma_start3A_180 : memref<1x128x128xf32, #tpu.memory_space<vmem>> -> memref<128x128xf32, #tpu.memory_space<vmem>>
    %dma_start3A_182 = arith.constant 0 : i32
    %dma_start3A_183 = tpu.memref_slice %arg4[%add3A_175, %dma_start3A_182] : memref<81920x128xf32, #tpu.memory_space<hbm>> -> memref<128x128xf32, #tpu.memory_space<hbm>>
    %dma_start3A_184 = tpu.memref_slice %arg8[%dma_start3A_177] : memref<2x!tpu.dma_semaphore, #tpu.memory_space<semaphore_mem>> -> memref<1x!tpu.dma_semaphore, #tpu.memory_space<semaphore_mem>>
    %dma_start3A_185 = tpu.memref_squeeze %dma_start3A_184 : memref<1x!tpu.dma_semaphore, #tpu.memory_space<semaphore_mem>> -> memref<!tpu.dma_semaphore, #tpu.memory_space<semaphore_mem>>
    %dma_start3A_186 = arith.constant 0 : i32
    %dma_start3A_187 = tpu.memref_slice %arg4[%add3A_175, %dma_start3A_186] : memref<81920x128xf32, #tpu.memory_space<hbm>> -> memref<128x128xf32, #tpu.memory_space<hbm>>
    %dma_start3A_188 = arith.constant 0 : i32
    %dma_start3A_189 = arith.constant 0 : i32
    %dma_start3A_190 = tpu.memref_slice %arg6[%dma_start3A_176, %dma_start3A_188, %dma_start3A_189] : memref<2x128x128xf32, #tpu.memory_space<vmem>> -> memref<1x128x128xf32, #tpu.memory_space<vmem>>
    %dma_start3A_191 = tpu.memref_squeeze %dma_start3A_190 : memref<1x128x128xf32, #tpu.memory_space<vmem>> -> memref<128x128xf32, #tpu.memory_space<vmem>>
    tpu.enqueue_dma source(%dma_start3A_191 : memref<128x128xf32, #tpu.memory_space<vmem>>) target(%dma_start3A_187 : memref<128x128xf32, #tpu.memory_space<hbm>>) target_semaphore(%dma_start3A_185 : memref<!tpu.dma_semaphore, #tpu.memory_space<semaphore_mem>>)
    %dma_wait3A_192 = arith.constant 0 : i32
    %dma_wait3A_193 = arith.constant 0 : i32
    %dma_wait3A_194 = arith.constant 0 : i32
    %dma_wait3A_195 = arith.constant 0 : i32
    %dma_wait3A_196 = tpu.memref_slice %arg6[%dma_wait3A_192, %dma_wait3A_194, %dma_wait3A_195] : memref<2x128x128xf32, #tpu.memory_space<vmem>> -> memref<1x128x128xf32, #tpu.memory_space<vmem>>
    %dma_wait3A_197 = tpu.memref_squeeze %dma_wait3A_196 : memref<1x128x128xf32, #tpu.memory_space<vmem>> -> memref<128x128xf32, #tpu.memory_space<vmem>>
    %dma_wait3A_198 = arith.constant 0 : i32
    %dma_wait3A_199 = tpu.memref_slice %arg4[%add3A_175, %dma_wait3A_198] : memref<81920x128xf32, #tpu.memory_space<hbm>> -> memref<128x128xf32, #tpu.memory_space<hbm>>
    %dma_wait3A_200 = tpu.memref_slice %arg8[%dma_wait3A_193] : memref<2x!tpu.dma_semaphore, #tpu.memory_space<semaphore_mem>> -> memref<1x!tpu.dma_semaphore, #tpu.memory_space<semaphore_mem>>
    %dma_wait3A_201 = tpu.memref_squeeze %dma_wait3A_200 : memref<1x!tpu.dma_semaphore, #tpu.memory_space<semaphore_mem>> -> memref<!tpu.dma_semaphore, #tpu.memory_space<semaphore_mem>>
    %dma_wait3A_202 = arith.constant 0 : i32
    %dma_wait3A_203 = tpu.memref_slice %arg4[%add3A_175, %dma_wait3A_202] : memref<81920x128xf32, #tpu.memory_space<hbm>> -> memref<128x128xf32, #tpu.memory_space<hbm>>
    %dma_wait3A_204 = arith.constant 0 : i32
    %dma_wait3A_205 = arith.constant 0 : i32
    %dma_wait3A_206 = tpu.memref_slice %arg6[%dma_wait3A_192, %dma_wait3A_204, %dma_wait3A_205] : memref<2x128x128xf32, #tpu.memory_space<vmem>> -> memref<1x128x128xf32, #tpu.memory_space<vmem>>
    %dma_wait3A_207 = tpu.memref_squeeze %dma_wait3A_206 : memref<1x128x128xf32, #tpu.memory_space<vmem>> -> memref<128x128xf32, #tpu.memory_space<vmem>>
    tpu.wait_dma2 semaphore(%dma_wait3A_201 : memref<!tpu.dma_semaphore, #tpu.memory_space<semaphore_mem>>) src(%dma_wait3A_207 : memref<128x128xf32, #tpu.memory_space<vmem>>) dst(%dma_wait3A_203 : memref<128x128xf32, #tpu.memory_space<hbm>>)
    %dma_start3A_208 = arith.constant 4 : i32
    %dma_start3A_209 = arith.constant 0 : i32
    %dma_start3A_210 = arith.constant 0 : i32
    %dma_start3A_211 = arith.constant 0 : i32
    %dma_start3A_212 = arith.constant 0 : i32
    %dma_start3A_213 = tpu.memref_slice %arg6[%dma_start3A_209, %dma_start3A_211, %dma_start3A_212] : memref<2x128x128xf32, #tpu.memory_space<vmem>> -> memref<1x128x128xf32, #tpu.memory_space<vmem>>
    %dma_start3A_214 = tpu.memref_squeeze %dma_start3A_213 : memref<1x128x128xf32, #tpu.memory_space<vmem>> -> memref<128x128xf32, #tpu.memory_space<vmem>>
    %dma_start3A_215 = arith.constant 0 : i32
    %dma_start3A_216 = tpu.memref_slice %arg5[%dma_start3A_208, %dma_start3A_215] : memref<20x128xi32, #tpu.memory_space<vmem>> -> memref<1x128xi32, #tpu.memory_space<vmem>>
    %dma_start3A_217 = tpu.memref_squeeze %dma_start3A_216 : memref<1x128xi32, #tpu.memory_space<vmem>> -> memref<128xi32, #tpu.memory_space<vmem>>
    %dma_start3A_218 = arith.constant 0 : i32
    %dma_start3A_219 = arith.constant 0 : i32
    %dma_start3A_220 = tpu.memref_slice %arg3[%dma_start3A_218, %dma_start3A_219] : memref<500480x128xf32, #tpu.memory_space<hbm>> -> memref<500480x128xf32, #tpu.memory_space<hbm>>
    %dma_start3A_221 = tpu.memref_slice %arg7[%dma_start3A_210] : memref<2x!tpu.dma_semaphore, #tpu.memory_space<semaphore_mem>> -> memref<1x!tpu.dma_semaphore, #tpu.memory_space<semaphore_mem>>
    %dma_start3A_222 = tpu.memref_squeeze %dma_start3A_221 : memref<1x!tpu.dma_semaphore, #tpu.memory_space<semaphore_mem>> -> memref<!tpu.dma_semaphore, #tpu.memory_space<semaphore_mem>>
    tpu.enqueue_indirect_dma source(%dma_start3A_220 : memref<500480x128xf32, #tpu.memory_space<hbm>>) target(%dma_start3A_214 : memref<128x128xf32, #tpu.memory_space<vmem>>) offsets(%dma_start3A_217 : memref<128xi32, #tpu.memory_space<vmem>>) semaphore(%dma_start3A_222 : memref<!tpu.dma_semaphore, #tpu.memory_space<semaphore_mem>>)
    %dma_wait3A_223 = arith.constant 3 : i32
    %dma_wait3A_224 = arith.constant 1 : i32
    %dma_wait3A_225 = arith.constant 1 : i32
    %dma_wait3A_226 = arith.constant 0 : i32
    %dma_wait3A_227 = arith.constant 0 : i32
    %dma_wait3A_228 = tpu.memref_slice %arg6[%dma_wait3A_224, %dma_wait3A_226, %dma_wait3A_227] : memref<2x128x128xf32, #tpu.memory_space<vmem>> -> memref<1x128x128xf32, #tpu.memory_space<vmem>>
    %dma_wait3A_229 = tpu.memref_squeeze %dma_wait3A_228 : memref<1x128x128xf32, #tpu.memory_space<vmem>> -> memref<128x128xf32, #tpu.memory_space<vmem>>
    %dma_wait3A_230 = arith.constant 0 : i32
    %dma_wait3A_231 = tpu.memref_slice %arg5[%dma_wait3A_223, %dma_wait3A_230] : memref<20x128xi32, #tpu.memory_space<vmem>> -> memref<1x128xi32, #tpu.memory_space<vmem>>
    %dma_wait3A_232 = tpu.memref_squeeze %dma_wait3A_231 : memref<1x128xi32, #tpu.memory_space<vmem>> -> memref<128xi32, #tpu.memory_space<vmem>>
    %dma_wait3A_233 = arith.constant 0 : i32
    %dma_wait3A_234 = arith.constant 0 : i32
    %dma_wait3A_235 = tpu.memref_slice %arg3[%dma_wait3A_233, %dma_wait3A_234] : memref<500480x128xf32, #tpu.memory_space<hbm>> -> memref<500480x128xf32, #tpu.memory_space<hbm>>
    %dma_wait3A_236 = tpu.memref_slice %arg7[%dma_wait3A_225] : memref<2x!tpu.dma_semaphore, #tpu.memory_space<semaphore_mem>> -> memref<1x!tpu.dma_semaphore, #tpu.memory_space<semaphore_mem>>
    %dma_wait3A_237 = tpu.memref_squeeze %dma_wait3A_236 : memref<1x!tpu.dma_semaphore, #tpu.memory_space<semaphore_mem>> -> memref<!tpu.dma_semaphore, #tpu.memory_space<semaphore_mem>>
    tpu.wait_indirect_dma semaphore(%dma_wait3A_237 : memref<!tpu.dma_semaphore, #tpu.memory_space<semaphore_mem>>) src(%dma_wait3A_235 : memref<500480x128xf32, #tpu.memory_space<hbm>>) dst(%dma_wait3A_229 : memref<128x128xf32, #tpu.memory_space<vmem>>)
    %add3A_238 = arith.constant 384 : i32
    %add3A_239 = arith.addi %mul3A_2, %add3A_238 : i32
    %dma_start3A_240 = arith.constant 1 : i32
    %dma_start3A_241 = arith.constant 1 : i32
    %dma_start3A_242 = arith.constant 0 : i32
    %dma_start3A_243 = arith.constant 0 : i32
    %dma_start3A_244 = tpu.memref_slice %arg6[%dma_start3A_240, %dma_start3A_242, %dma_start3A_243] : memref<2x128x128xf32, #tpu.memory_space<vmem>> -> memref<1x128x128xf32, #tpu.memory_space<vmem>>
    %dma_start3A_245 = tpu.memref_squeeze %dma_start3A_244 : memref<1x128x128xf32, #tpu.memory_space<vmem>> -> memref<128x128xf32, #tpu.memory_space<vmem>>
    %dma_start3A_246 = arith.constant 0 : i32
    %dma_start3A_247 = tpu.memref_slice %arg4[%add3A_239, %dma_start3A_246] : memref<81920x128xf32, #tpu.memory_space<hbm>> -> memref<128x128xf32, #tpu.memory_space<hbm>>
    %dma_start3A_248 = tpu.memref_slice %arg8[%dma_start3A_241] : memref<2x!tpu.dma_semaphore, #tpu.memory_space<semaphore_mem>> -> memref<1x!tpu.dma_semaphore, #tpu.memory_space<semaphore_mem>>
    %dma_start3A_249 = tpu.memref_squeeze %dma_start3A_248 : memref<1x!tpu.dma_semaphore, #tpu.memory_space<semaphore_mem>> -> memref<!tpu.dma_semaphore, #tpu.memory_space<semaphore_mem>>
    %dma_start3A_250 = arith.constant 0 : i32
    %dma_start3A_251 = tpu.memref_slice %arg4[%add3A_239, %dma_start3A_250] : memref<81920x128xf32, #tpu.memory_space<hbm>> -> memref<128x128xf32, #tpu.memory_space<hbm>>
    %dma_start3A_252 = arith.constant 0 : i32
    %dma_start3A_253 = arith.constant 0 : i32
    %dma_start3A_254 = tpu.memref_slice %arg6[%dma_start3A_240, %dma_start3A_252, %dma_start3A_253] : memref<2x128x128xf32, #tpu.memory_space<vmem>> -> memref<1x128x128xf32, #tpu.memory_space<vmem>>
    %dma_start3A_255 = tpu.memref_squeeze %dma_start3A_254 : memref<1x128x128xf32, #tpu.memory_space<vmem>> -> memref<128x128xf32, #tpu.memory_space<vmem>>
    tpu.enqueue_dma source(%dma_start3A_255 : memref<128x128xf32, #tpu.memory_space<vmem>>) target(%dma_start3A_251 : memref<128x128xf32, #tpu.memory_space<hbm>>) target_semaphore(%dma_start3A_249 : memref<!tpu.dma_semaphore, #tpu.memory_space<semaphore_mem>>)
    %dma_wait3A_256 = arith.constant 1 : i32
    %dma_wait3A_257 = arith.constant 1 : i32
    %dma_wait3A_258 = arith.constant 0 : i32
    %dma_wait3A_259 = arith.constant 0 : i32
    %dma_wait3A_260 = tpu.memref_slice %arg6[%dma_wait3A_256, %dma_wait3A_258, %dma_wait3A_259] : memref<2x128x128xf32, #tpu.memory_space<vmem>> -> memref<1x128x128xf32, #tpu.memory_space<vmem>>
    %dma_wait3A_261 = tpu.memref_squeeze %dma_wait3A_260 : memref<1x128x128xf32, #tpu.memory_space<vmem>> -> memref<128x128xf32, #tpu.memory_space<vmem>>
    %dma_wait3A_262 = arith.constant 0 : i32
    %dma_wait3A_263 = tpu.memref_slice %arg4[%add3A_239, %dma_wait3A_262] : memref<81920x128xf32, #tpu.memory_space<hbm>> -> memref<128x128xf32, #tpu.memory_space<hbm>>
    %dma_wait3A_264 = tpu.memref_slice %arg8[%dma_wait3A_257] : memref<2x!tpu.dma_semaphore, #tpu.memory_space<semaphore_mem>> -> memref<1x!tpu.dma_semaphore, #tpu.memory_space<semaphore_mem>>
    %dma_wait3A_265 = tpu.memref_squeeze %dma_wait3A_264 : memref<1x!tpu.dma_semaphore, #tpu.memory_space<semaphore_mem>> -> memref<!tpu.dma_semaphore, #tpu.memory_space<semaphore_mem>>
    %dma_wait3A_266 = arith.constant 0 : i32
    %dma_wait3A_267 = tpu.memref_slice %arg4[%add3A_239, %dma_wait3A_266] : memref<81920x128xf32, #tpu.memory_space<hbm>> -> memref<128x128xf32, #tpu.memory_space<hbm>>
    %dma_wait3A_268 = arith.constant 0 : i32
    %dma_wait3A_269 = arith.constant 0 : i32
    %dma_wait3A_270 = tpu.memref_slice %arg6[%dma_wait3A_256, %dma_wait3A_268, %dma_wait3A_269] : memref<2x128x128xf32, #tpu.memory_space<vmem>> -> memref<1x128x128xf32, #tpu.memory_space<vmem>>
    %dma_wait3A_271 = tpu.memref_squeeze %dma_wait3A_270 : memref<1x128x128xf32, #tpu.memory_space<vmem>> -> memref<128x128xf32, #tpu.memory_space<vmem>>
    tpu.wait_dma2 semaphore(%dma_wait3A_265 : memref<!tpu.dma_semaphore, #tpu.memory_space<semaphore_mem>>) src(%dma_wait3A_271 : memref<128x128xf32, #tpu.memory_space<vmem>>) dst(%dma_wait3A_267 : memref<128x128xf32, #tpu.memory_space<hbm>>)
    %dma_start3A_272 = arith.constant 5 : i32
    %dma_start3A_273 = arith.constant 1 : i32
    %dma_start3A_274 = arith.constant 1 : i32
    %dma_start3A_275 = arith.constant 0 : i32
    %dma_start3A_276 = arith.constant 0 : i32
    %dma_start3A_277 = tpu.memref_slice %arg6[%dma_start3A_273, %dma_start3A_275, %dma_start3A_276] : memref<2x128x128xf32, #tpu.memory_space<vmem>> -> memref<1x128x128xf32, #tpu.memory_space<vmem>>
    %dma_start3A_278 = tpu.memref_squeeze %dma_start3A_277 : memref<1x128x128xf32, #tpu.memory_space<vmem>> -> memref<128x128xf32, #tpu.memory_space<vmem>>
    %dma_start3A_279 = arith.constant 0 : i32
    %dma_start3A_280 = tpu.memref_slice %arg5[%dma_start3A_272, %dma_start3A_279] : memref<20x128xi32, #tpu.memory_space<vmem>> -> memref<1x128xi32, #tpu.memory_space<vmem>>
    %dma_start3A_281 = tpu.memref_squeeze %dma_start3A_280 : memref<1x128xi32, #tpu.memory_space<vmem>> -> memref<128xi32, #tpu.memory_space<vmem>>
    %dma_start3A_282 = arith.constant 0 : i32
    %dma_start3A_283 = arith.constant 0 : i32
    %dma_start3A_284 = tpu.memref_slice %arg3[%dma_start3A_282, %dma_start3A_283] : memref<500480x128xf32, #tpu.memory_space<hbm>> -> memref<500480x128xf32, #tpu.memory_space<hbm>>
    %dma_start3A_285 = tpu.memref_slice %arg7[%dma_start3A_274] : memref<2x!tpu.dma_semaphore, #tpu.memory_space<semaphore_mem>> -> memref<1x!tpu.dma_semaphore, #tpu.memory_space<semaphore_mem>>
    %dma_start3A_286 = tpu.memref_squeeze %dma_start3A_285 : memref<1x!tpu.dma_semaphore, #tpu.memory_space<semaphore_mem>> -> memref<!tpu.dma_semaphore, #tpu.memory_space<semaphore_mem>>
    tpu.enqueue_indirect_dma source(%dma_start3A_284 : memref<500480x128xf32, #tpu.memory_space<hbm>>) target(%dma_start3A_278 : memref<128x128xf32, #tpu.memory_space<vmem>>) offsets(%dma_start3A_281 : memref<128xi32, #tpu.memory_space<vmem>>) semaphore(%dma_start3A_286 : memref<!tpu.dma_semaphore, #tpu.memory_space<semaphore_mem>>)
    %dma_wait3A_287 = arith.constant 4 : i32
    %dma_wait3A_288 = arith.constant 0 : i32
    %dma_wait3A_289 = arith.constant 0 : i32
    %dma_wait3A_290 = arith.constant 0 : i32
    %dma_wait3A_291 = arith.constant 0 : i32
    %dma_wait3A_292 = tpu.memref_slice %arg6[%dma_wait3A_288, %dma_wait3A_290, %dma_wait3A_291] : memref<2x128x128xf32, #tpu.memory_space<vmem>> -> memref<1x128x128xf32, #tpu.memory_space<vmem>>
    %dma_wait3A_293 = tpu.memref_squeeze %dma_wait3A_292 : memref<1x128x128xf32, #tpu.memory_space<vmem>> -> memref<128x128xf32, #tpu.memory_space<vmem>>
    %dma_wait3A_294 = arith.constant 0 : i32
    %dma_wait3A_295 = tpu.memref_slice %arg5[%dma_wait3A_287, %dma_wait3A_294] : memref<20x128xi32, #tpu.memory_space<vmem>> -> memref<1x128xi32, #tpu.memory_space<vmem>>
    %dma_wait3A_296 = tpu.memref_squeeze %dma_wait3A_295 : memref<1x128xi32, #tpu.memory_space<vmem>> -> memref<128xi32, #tpu.memory_space<vmem>>
    %dma_wait3A_297 = arith.constant 0 : i32
    %dma_wait3A_298 = arith.constant 0 : i32
    %dma_wait3A_299 = tpu.memref_slice %arg3[%dma_wait3A_297, %dma_wait3A_298] : memref<500480x128xf32, #tpu.memory_space<hbm>> -> memref<500480x128xf32, #tpu.memory_space<hbm>>
    %dma_wait3A_300 = tpu.memref_slice %arg7[%dma_wait3A_289] : memref<2x!tpu.dma_semaphore, #tpu.memory_space<semaphore_mem>> -> memref<1x!tpu.dma_semaphore, #tpu.memory_space<semaphore_mem>>
    %dma_wait3A_301 = tpu.memref_squeeze %dma_wait3A_300 : memref<1x!tpu.dma_semaphore, #tpu.memory_space<semaphore_mem>> -> memref<!tpu.dma_semaphore, #tpu.memory_space<semaphore_mem>>
    tpu.wait_indirect_dma semaphore(%dma_wait3A_301 : memref<!tpu.dma_semaphore, #tpu.memory_space<semaphore_mem>>) src(%dma_wait3A_299 : memref<500480x128xf32, #tpu.memory_space<hbm>>) dst(%dma_wait3A_293 : memref<128x128xf32, #tpu.memory_space<vmem>>)
    %add3A_302 = arith.constant 512 : i32
    %add3A_303 = arith.addi %mul3A_2, %add3A_302 : i32
    %dma_start3A_304 = arith.constant 0 : i32
    %dma_start3A_305 = arith.constant 0 : i32
    %dma_start3A_306 = arith.constant 0 : i32
    %dma_start3A_307 = arith.constant 0 : i32
    %dma_start3A_308 = tpu.memref_slice %arg6[%dma_start3A_304, %dma_start3A_306, %dma_start3A_307] : memref<2x128x128xf32, #tpu.memory_space<vmem>> -> memref<1x128x128xf32, #tpu.memory_space<vmem>>
    %dma_start3A_309 = tpu.memref_squeeze %dma_start3A_308 : memref<1x128x128xf32, #tpu.memory_space<vmem>> -> memref<128x128xf32, #tpu.memory_space<vmem>>
    %dma_start3A_310 = arith.constant 0 : i32
    %dma_start3A_311 = tpu.memref_slice %arg4[%add3A_303, %dma_start3A_310] : memref<81920x128xf32, #tpu.memory_space<hbm>> -> memref<128x128xf32, #tpu.memory_space<hbm>>
    %dma_start3A_312 = tpu.memref_slice %arg8[%dma_start3A_305] : memref<2x!tpu.dma_semaphore, #tpu.memory_space<semaphore_mem>> -> memref<1x!tpu.dma_semaphore, #tpu.memory_space<semaphore_mem>>
    %dma_start3A_313 = tpu.memref_squeeze %dma_start3A_312 : memref<1x!tpu.dma_semaphore, #tpu.memory_space<semaphore_mem>> -> memref<!tpu.dma_semaphore, #tpu.memory_space<semaphore_mem>>
    %dma_start3A_314 = arith.constant 0 : i32
    %dma_start3A_315 = tpu.memref_slice %arg4[%add3A_303, %dma_start3A_314] : memref<81920x128xf32, #tpu.memory_space<hbm>> -> memref<128x128xf32, #tpu.memory_space<hbm>>
    %dma_start3A_316 = arith.constant 0 : i32
    %dma_start3A_317 = arith.constant 0 : i32
    %dma_start3A_318 = tpu.memref_slice %arg6[%dma_start3A_304, %dma_start3A_316, %dma_start3A_317] : memref<2x128x128xf32, #tpu.memory_space<vmem>> -> memref<1x128x128xf32, #tpu.memory_space<vmem>>
    %dma_start3A_319 = tpu.memref_squeeze %dma_start3A_318 : memref<1x128x128xf32, #tpu.memory_space<vmem>> -> memref<128x128xf32, #tpu.memory_space<vmem>>
    tpu.enqueue_dma source(%dma_start3A_319 : memref<128x128xf32, #tpu.memory_space<vmem>>) target(%dma_start3A_315 : memref<128x128xf32, #tpu.memory_space<hbm>>) target_semaphore(%dma_start3A_313 : memref<!tpu.dma_semaphore, #tpu.memory_space<semaphore_mem>>)
    %dma_wait3A_320 = arith.constant 0 : i32
    %dma_wait3A_321 = arith.constant 0 : i32
    %dma_wait3A_322 = arith.constant 0 : i32
    %dma_wait3A_323 = arith.constant 0 : i32
    %dma_wait3A_324 = tpu.memref_slice %arg6[%dma_wait3A_320, %dma_wait3A_322, %dma_wait3A_323] : memref<2x128x128xf32, #tpu.memory_space<vmem>> -> memref<1x128x128xf32, #tpu.memory_space<vmem>>
    %dma_wait3A_325 = tpu.memref_squeeze %dma_wait3A_324 : memref<1x128x128xf32, #tpu.memory_space<vmem>> -> memref<128x128xf32, #tpu.memory_space<vmem>>
    %dma_wait3A_326 = arith.constant 0 : i32
    %dma_wait3A_327 = tpu.memref_slice %arg4[%add3A_303, %dma_wait3A_326] : memref<81920x128xf32, #tpu.memory_space<hbm>> -> memref<128x128xf32, #tpu.memory_space<hbm>>
    %dma_wait3A_328 = tpu.memref_slice %arg8[%dma_wait3A_321] : memref<2x!tpu.dma_semaphore, #tpu.memory_space<semaphore_mem>> -> memref<1x!tpu.dma_semaphore, #tpu.memory_space<semaphore_mem>>
    %dma_wait3A_329 = tpu.memref_squeeze %dma_wait3A_328 : memref<1x!tpu.dma_semaphore, #tpu.memory_space<semaphore_mem>> -> memref<!tpu.dma_semaphore, #tpu.memory_space<semaphore_mem>>
    %dma_wait3A_330 = arith.constant 0 : i32
    %dma_wait3A_331 = tpu.memref_slice %arg4[%add3A_303, %dma_wait3A_330] : memref<81920x128xf32, #tpu.memory_space<hbm>> -> memref<128x128xf32, #tpu.memory_space<hbm>>
    %dma_wait3A_332 = arith.constant 0 : i32
    %dma_wait3A_333 = arith.constant 0 : i32
    %dma_wait3A_334 = tpu.memref_slice %arg6[%dma_wait3A_320, %dma_wait3A_332, %dma_wait3A_333] : memref<2x128x128xf32, #tpu.memory_space<vmem>> -> memref<1x128x128xf32, #tpu.memory_space<vmem>>
    %dma_wait3A_335 = tpu.memref_squeeze %dma_wait3A_334 : memref<1x128x128xf32, #tpu.memory_space<vmem>> -> memref<128x128xf32, #tpu.memory_space<vmem>>
    tpu.wait_dma2 semaphore(%dma_wait3A_329 : memref<!tpu.dma_semaphore, #tpu.memory_space<semaphore_mem>>) src(%dma_wait3A_335 : memref<128x128xf32, #tpu.memory_space<vmem>>) dst(%dma_wait3A_331 : memref<128x128xf32, #tpu.memory_space<hbm>>)
    %dma_start3A_336 = arith.constant 6 : i32
    %dma_start3A_337 = arith.constant 0 : i32
    %dma_start3A_338 = arith.constant 0 : i32
    %dma_start3A_339 = arith.constant 0 : i32
    %dma_start3A_340 = arith.constant 0 : i32
    %dma_start3A_341 = tpu.memref_slice %arg6[%dma_start3A_337, %dma_start3A_339, %dma_start3A_340] : memref<2x128x128xf32, #tpu.memory_space<vmem>> -> memref<1x128x128xf32, #tpu.memory_space<vmem>>
    %dma_start3A_342 = tpu.memref_squeeze %dma_start3A_341 : memref<1x128x128xf32, #tpu.memory_space<vmem>> -> memref<128x128xf32, #tpu.memory_space<vmem>>
    %dma_start3A_343 = arith.constant 0 : i32
    %dma_start3A_344 = tpu.memref_slice %arg5[%dma_start3A_336, %dma_start3A_343] : memref<20x128xi32, #tpu.memory_space<vmem>> -> memref<1x128xi32, #tpu.memory_space<vmem>>
    %dma_start3A_345 = tpu.memref_squeeze %dma_start3A_344 : memref<1x128xi32, #tpu.memory_space<vmem>> -> memref<128xi32, #tpu.memory_space<vmem>>
    %dma_start3A_346 = arith.constant 0 : i32
    %dma_start3A_347 = arith.constant 0 : i32
    %dma_start3A_348 = tpu.memref_slice %arg3[%dma_start3A_346, %dma_start3A_347] : memref<500480x128xf32, #tpu.memory_space<hbm>> -> memref<500480x128xf32, #tpu.memory_space<hbm>>
    %dma_start3A_349 = tpu.memref_slice %arg7[%dma_start3A_338] : memref<2x!tpu.dma_semaphore, #tpu.memory_space<semaphore_mem>> -> memref<1x!tpu.dma_semaphore, #tpu.memory_space<semaphore_mem>>
    %dma_start3A_350 = tpu.memref_squeeze %dma_start3A_349 : memref<1x!tpu.dma_semaphore, #tpu.memory_space<semaphore_mem>> -> memref<!tpu.dma_semaphore, #tpu.memory_space<semaphore_mem>>
    tpu.enqueue_indirect_dma source(%dma_start3A_348 : memref<500480x128xf32, #tpu.memory_space<hbm>>) target(%dma_start3A_342 : memref<128x128xf32, #tpu.memory_space<vmem>>) offsets(%dma_start3A_345 : memref<128xi32, #tpu.memory_space<vmem>>) semaphore(%dma_start3A_350 : memref<!tpu.dma_semaphore, #tpu.memory_space<semaphore_mem>>)
    %dma_wait3A_351 = arith.constant 5 : i32
    %dma_wait3A_352 = arith.constant 1 : i32
    %dma_wait3A_353 = arith.constant 1 : i32
    %dma_wait3A_354 = arith.constant 0 : i32
    %dma_wait3A_355 = arith.constant 0 : i32
    %dma_wait3A_356 = tpu.memref_slice %arg6[%dma_wait3A_352, %dma_wait3A_354, %dma_wait3A_355] : memref<2x128x128xf32, #tpu.memory_space<vmem>> -> memref<1x128x128xf32, #tpu.memory_space<vmem>>
    %dma_wait3A_357 = tpu.memref_squeeze %dma_wait3A_356 : memref<1x128x128xf32, #tpu.memory_space<vmem>> -> memref<128x128xf32, #tpu.memory_space<vmem>>
    %dma_wait3A_358 = arith.constant 0 : i32
    %dma_wait3A_359 = tpu.memref_slice %arg5[%dma_wait3A_351, %dma_wait3A_358] : memref<20x128xi32, #tpu.memory_space<vmem>> -> memref<1x128xi32, #tpu.memory_space<vmem>>
    %dma_wait3A_360 = tpu.memref_squeeze %dma_wait3A_359 : memref<1x128xi32, #tpu.memory_space<vmem>> -> memref<128xi32, #tpu.memory_space<vmem>>
    %dma_wait3A_361 = arith.constant 0 : i32
    %dma_wait3A_362 = arith.constant 0 : i32
    %dma_wait3A_363 = tpu.memref_slice %arg3[%dma_wait3A_361, %dma_wait3A_362] : memref<500480x128xf32, #tpu.memory_space<hbm>> -> memref<500480x128xf32, #tpu.memory_space<hbm>>
    %dma_wait3A_364 = tpu.memref_slice %arg7[%dma_wait3A_353] : memref<2x!tpu.dma_semaphore, #tpu.memory_space<semaphore_mem>> -> memref<1x!tpu.dma_semaphore, #tpu.memory_space<semaphore_mem>>
    %dma_wait3A_365 = tpu.memref_squeeze %dma_wait3A_364 : memref<1x!tpu.dma_semaphore, #tpu.memory_space<semaphore_mem>> -> memref<!tpu.dma_semaphore, #tpu.memory_space<semaphore_mem>>
    tpu.wait_indirect_dma semaphore(%dma_wait3A_365 : memref<!tpu.dma_semaphore, #tpu.memory_space<semaphore_mem>>) src(%dma_wait3A_363 : memref<500480x128xf32, #tpu.memory_space<hbm>>) dst(%dma_wait3A_357 : memref<128x128xf32, #tpu.memory_space<vmem>>)
    %add3A_366 = arith.constant 640 : i32
    %add3A_367 = arith.addi %mul3A_2, %add3A_366 : i32
    %dma_start3A_368 = arith.constant 1 : i32
    %dma_start3A_369 = arith.constant 1 : i32
    %dma_start3A_370 = arith.constant 0 : i32
    %dma_start3A_371 = arith.constant 0 : i32
    %dma_start3A_372 = tpu.memref_slice %arg6[%dma_start3A_368, %dma_start3A_370, %dma_start3A_371] : memref<2x128x128xf32, #tpu.memory_space<vmem>> -> memref<1x128x128xf32, #tpu.memory_space<vmem>>
    %dma_start3A_373 = tpu.memref_squeeze %dma_start3A_372 : memref<1x128x128xf32, #tpu.memory_space<vmem>> -> memref<128x128xf32, #tpu.memory_space<vmem>>
    %dma_start3A_374 = arith.constant 0 : i32
    %dma_start3A_375 = tpu.memref_slice %arg4[%add3A_367, %dma_start3A_374] : memref<81920x128xf32, #tpu.memory_space<hbm>> -> memref<128x128xf32, #tpu.memory_space<hbm>>
    %dma_start3A_376 = tpu.memref_slice %arg8[%dma_start3A_369] : memref<2x!tpu.dma_semaphore, #tpu.memory_space<semaphore_mem>> -> memref<1x!tpu.dma_semaphore, #tpu.memory_space<semaphore_mem>>
    %dma_start3A_377 = tpu.memref_squeeze %dma_start3A_376 : memref<1x!tpu.dma_semaphore, #tpu.memory_space<semaphore_mem>> -> memref<!tpu.dma_semaphore, #tpu.memory_space<semaphore_mem>>
    %dma_start3A_378 = arith.constant 0 : i32
    %dma_start3A_379 = tpu.memref_slice %arg4[%add3A_367, %dma_start3A_378] : memref<81920x128xf32, #tpu.memory_space<hbm>> -> memref<128x128xf32, #tpu.memory_space<hbm>>
    %dma_start3A_380 = arith.constant 0 : i32
    %dma_start3A_381 = arith.constant 0 : i32
    %dma_start3A_382 = tpu.memref_slice %arg6[%dma_start3A_368, %dma_start3A_380, %dma_start3A_381] : memref<2x128x128xf32, #tpu.memory_space<vmem>> -> memref<1x128x128xf32, #tpu.memory_space<vmem>>
    %dma_start3A_383 = tpu.memref_squeeze %dma_start3A_382 : memref<1x128x128xf32, #tpu.memory_space<vmem>> -> memref<128x128xf32, #tpu.memory_space<vmem>>
    tpu.enqueue_dma source(%dma_start3A_383 : memref<128x128xf32, #tpu.memory_space<vmem>>) target(%dma_start3A_379 : memref<128x128xf32, #tpu.memory_space<hbm>>) target_semaphore(%dma_start3A_377 : memref<!tpu.dma_semaphore, #tpu.memory_space<semaphore_mem>>)
    %dma_wait3A_384 = arith.constant 1 : i32
    %dma_wait3A_385 = arith.constant 1 : i32
    %dma_wait3A_386 = arith.constant 0 : i32
    %dma_wait3A_387 = arith.constant 0 : i32
    %dma_wait3A_388 = tpu.memref_slice %arg6[%dma_wait3A_384, %dma_wait3A_386, %dma_wait3A_387] : memref<2x128x128xf32, #tpu.memory_space<vmem>> -> memref<1x128x128xf32, #tpu.memory_space<vmem>>
    %dma_wait3A_389 = tpu.memref_squeeze %dma_wait3A_388 : memref<1x128x128xf32, #tpu.memory_space<vmem>> -> memref<128x128xf32, #tpu.memory_space<vmem>>
    %dma_wait3A_390 = arith.constant 0 : i32
    %dma_wait3A_391 = tpu.memref_slice %arg4[%add3A_367, %dma_wait3A_390] : memref<81920x128xf32, #tpu.memory_space<hbm>> -> memref<128x128xf32, #tpu.memory_space<hbm>>
    %dma_wait3A_392 = tpu.memref_slice %arg8[%dma_wait3A_385] : memref<2x!tpu.dma_semaphore, #tpu.memory_space<semaphore_mem>> -> memref<1x!tpu.dma_semaphore, #tpu.memory_space<semaphore_mem>>
    %dma_wait3A_393 = tpu.memref_squeeze %dma_wait3A_392 : memref<1x!tpu.dma_semaphore, #tpu.memory_space<semaphore_mem>> -> memref<!tpu.dma_semaphore, #tpu.memory_space<semaphore_mem>>
    %dma_wait3A_394 = arith.constant 0 : i32
    %dma_wait3A_395 = tpu.memref_slice %arg4[%add3A_367, %dma_wait3A_394] : memref<81920x128xf32, #tpu.memory_space<hbm>> -> memref<128x128xf32, #tpu.memory_space<hbm>>
    %dma_wait3A_396 = arith.constant 0 : i32
    %dma_wait3A_397 = arith.constant 0 : i32
    %dma_wait3A_398 = tpu.memref_slice %arg6[%dma_wait3A_384, %dma_wait3A_396, %dma_wait3A_397] : memref<2x128x128xf32, #tpu.memory_space<vmem>> -> memref<1x128x128xf32, #tpu.memory_space<vmem>>
    %dma_wait3A_399 = tpu.memref_squeeze %dma_wait3A_398 : memref<1x128x128xf32, #tpu.memory_space<vmem>> -> memref<128x128xf32, #tpu.memory_space<vmem>>
    tpu.wait_dma2 semaphore(%dma_wait3A_393 : memref<!tpu.dma_semaphore, #tpu.memory_space<semaphore_mem>>) src(%dma_wait3A_399 : memref<128x128xf32, #tpu.memory_space<vmem>>) dst(%dma_wait3A_395 : memref<128x128xf32, #tpu.memory_space<hbm>>)
    %dma_start3A_400 = arith.constant 7 : i32
    %dma_start3A_401 = arith.constant 1 : i32
    %dma_start3A_402 = arith.constant 1 : i32
    %dma_start3A_403 = arith.constant 0 : i32
    %dma_start3A_404 = arith.constant 0 : i32
    %dma_start3A_405 = tpu.memref_slice %arg6[%dma_start3A_401, %dma_start3A_403, %dma_start3A_404] : memref<2x128x128xf32, #tpu.memory_space<vmem>> -> memref<1x128x128xf32, #tpu.memory_space<vmem>>
    %dma_start3A_406 = tpu.memref_squeeze %dma_start3A_405 : memref<1x128x128xf32, #tpu.memory_space<vmem>> -> memref<128x128xf32, #tpu.memory_space<vmem>>
    %dma_start3A_407 = arith.constant 0 : i32
    %dma_start3A_408 = tpu.memref_slice %arg5[%dma_start3A_400, %dma_start3A_407] : memref<20x128xi32, #tpu.memory_space<vmem>> -> memref<1x128xi32, #tpu.memory_space<vmem>>
    %dma_start3A_409 = tpu.memref_squeeze %dma_start3A_408 : memref<1x128xi32, #tpu.memory_space<vmem>> -> memref<128xi32, #tpu.memory_space<vmem>>
    %dma_start3A_410 = arith.constant 0 : i32
    %dma_start3A_411 = arith.constant 0 : i32
    %dma_start3A_412 = tpu.memref_slice %arg3[%dma_start3A_410, %dma_start3A_411] : memref<500480x128xf32, #tpu.memory_space<hbm>> -> memref<500480x128xf32, #tpu.memory_space<hbm>>
    %dma_start3A_413 = tpu.memref_slice %arg7[%dma_start3A_402] : memref<2x!tpu.dma_semaphore, #tpu.memory_space<semaphore_mem>> -> memref<1x!tpu.dma_semaphore, #tpu.memory_space<semaphore_mem>>
    %dma_start3A_414 = tpu.memref_squeeze %dma_start3A_413 : memref<1x!tpu.dma_semaphore, #tpu.memory_space<semaphore_mem>> -> memref<!tpu.dma_semaphore, #tpu.memory_space<semaphore_mem>>
    tpu.enqueue_indirect_dma source(%dma_start3A_412 : memref<500480x128xf32, #tpu.memory_space<hbm>>) target(%dma_start3A_406 : memref<128x128xf32, #tpu.memory_space<vmem>>) offsets(%dma_start3A_409 : memref<128xi32, #tpu.memory_space<vmem>>) semaphore(%dma_start3A_414 : memref<!tpu.dma_semaphore, #tpu.memory_space<semaphore_mem>>)
    %dma_wait3A_415 = arith.constant 6 : i32
    %dma_wait3A_416 = arith.constant 0 : i32
    %dma_wait3A_417 = arith.constant 0 : i32
    %dma_wait3A_418 = arith.constant 0 : i32
    %dma_wait3A_419 = arith.constant 0 : i32
    %dma_wait3A_420 = tpu.memref_slice %arg6[%dma_wait3A_416, %dma_wait3A_418, %dma_wait3A_419] : memref<2x128x128xf32, #tpu.memory_space<vmem>> -> memref<1x128x128xf32, #tpu.memory_space<vmem>>
    %dma_wait3A_421 = tpu.memref_squeeze %dma_wait3A_420 : memref<1x128x128xf32, #tpu.memory_space<vmem>> -> memref<128x128xf32, #tpu.memory_space<vmem>>
    %dma_wait3A_422 = arith.constant 0 : i32
    %dma_wait3A_423 = tpu.memref_slice %arg5[%dma_wait3A_415, %dma_wait3A_422] : memref<20x128xi32, #tpu.memory_space<vmem>> -> memref<1x128xi32, #tpu.memory_space<vmem>>
    %dma_wait3A_424 = tpu.memref_squeeze %dma_wait3A_423 : memref<1x128xi32, #tpu.memory_space<vmem>> -> memref<128xi32, #tpu.memory_space<vmem>>
    %dma_wait3A_425 = arith.constant 0 : i32
    %dma_wait3A_426 = arith.constant 0 : i32
    %dma_wait3A_427 = tpu.memref_slice %arg3[%dma_wait3A_425, %dma_wait3A_426] : memref<500480x128xf32, #tpu.memory_space<hbm>> -> memref<500480x128xf32, #tpu.memory_space<hbm>>
    %dma_wait3A_428 = tpu.memref_slice %arg7[%dma_wait3A_417] : memref<2x!tpu.dma_semaphore, #tpu.memory_space<semaphore_mem>> -> memref<1x!tpu.dma_semaphore, #tpu.memory_space<semaphore_mem>>
    %dma_wait3A_429 = tpu.memref_squeeze %dma_wait3A_428 : memref<1x!tpu.dma_semaphore, #tpu.memory_space<semaphore_mem>> -> memref<!tpu.dma_semaphore, #tpu.memory_space<semaphore_mem>>
    tpu.wait_indirect_dma semaphore(%dma_wait3A_429 : memref<!tpu.dma_semaphore, #tpu.memory_space<semaphore_mem>>) src(%dma_wait3A_427 : memref<500480x128xf32, #tpu.memory_space<hbm>>) dst(%dma_wait3A_421 : memref<128x128xf32, #tpu.memory_space<vmem>>)
    %add3A_430 = arith.constant 768 : i32
    %add3A_431 = arith.addi %mul3A_2, %add3A_430 : i32
    %dma_start3A_432 = arith.constant 0 : i32
    %dma_start3A_433 = arith.constant 0 : i32
    %dma_start3A_434 = arith.constant 0 : i32
    %dma_start3A_435 = arith.constant 0 : i32
    %dma_start3A_436 = tpu.memref_slice %arg6[%dma_start3A_432, %dma_start3A_434, %dma_start3A_435] : memref<2x128x128xf32, #tpu.memory_space<vmem>> -> memref<1x128x128xf32, #tpu.memory_space<vmem>>
    %dma_start3A_437 = tpu.memref_squeeze %dma_start3A_436 : memref<1x128x128xf32, #tpu.memory_space<vmem>> -> memref<128x128xf32, #tpu.memory_space<vmem>>
    %dma_start3A_438 = arith.constant 0 : i32
    %dma_start3A_439 = tpu.memref_slice %arg4[%add3A_431, %dma_start3A_438] : memref<81920x128xf32, #tpu.memory_space<hbm>> -> memref<128x128xf32, #tpu.memory_space<hbm>>
    %dma_start3A_440 = tpu.memref_slice %arg8[%dma_start3A_433] : memref<2x!tpu.dma_semaphore, #tpu.memory_space<semaphore_mem>> -> memref<1x!tpu.dma_semaphore, #tpu.memory_space<semaphore_mem>>
    %dma_start3A_441 = tpu.memref_squeeze %dma_start3A_440 : memref<1x!tpu.dma_semaphore, #tpu.memory_space<semaphore_mem>> -> memref<!tpu.dma_semaphore, #tpu.memory_space<semaphore_mem>>
    %dma_start3A_442 = arith.constant 0 : i32
    %dma_start3A_443 = tpu.memref_slice %arg4[%add3A_431, %dma_start3A_442] : memref<81920x128xf32, #tpu.memory_space<hbm>> -> memref<128x128xf32, #tpu.memory_space<hbm>>
    %dma_start3A_444 = arith.constant 0 : i32
    %dma_start3A_445 = arith.constant 0 : i32
    %dma_start3A_446 = tpu.memref_slice %arg6[%dma_start3A_432, %dma_start3A_444, %dma_start3A_445] : memref<2x128x128xf32, #tpu.memory_space<vmem>> -> memref<1x128x128xf32, #tpu.memory_space<vmem>>
    %dma_start3A_447 = tpu.memref_squeeze %dma_start3A_446 : memref<1x128x128xf32, #tpu.memory_space<vmem>> -> memref<128x128xf32, #tpu.memory_space<vmem>>
    tpu.enqueue_dma source(%dma_start3A_447 : memref<128x128xf32, #tpu.memory_space<vmem>>) target(%dma_start3A_443 : memref<128x128xf32, #tpu.memory_space<hbm>>) target_semaphore(%dma_start3A_441 : memref<!tpu.dma_semaphore, #tpu.memory_space<semaphore_mem>>)
    %dma_wait3A_448 = arith.constant 0 : i32
    %dma_wait3A_449 = arith.constant 0 : i32
    %dma_wait3A_450 = arith.constant 0 : i32
    %dma_wait3A_451 = arith.constant 0 : i32
    %dma_wait3A_452 = tpu.memref_slice %arg6[%dma_wait3A_448, %dma_wait3A_450, %dma_wait3A_451] : memref<2x128x128xf32, #tpu.memory_space<vmem>> -> memref<1x128x128xf32, #tpu.memory_space<vmem>>
    %dma_wait3A_453 = tpu.memref_squeeze %dma_wait3A_452 : memref<1x128x128xf32, #tpu.memory_space<vmem>> -> memref<128x128xf32, #tpu.memory_space<vmem>>
    %dma_wait3A_454 = arith.constant 0 : i32
    %dma_wait3A_455 = tpu.memref_slice %arg4[%add3A_431, %dma_wait3A_454] : memref<81920x128xf32, #tpu.memory_space<hbm>> -> memref<128x128xf32, #tpu.memory_space<hbm>>
    %dma_wait3A_456 = tpu.memref_slice %arg8[%dma_wait3A_449] : memref<2x!tpu.dma_semaphore, #tpu.memory_space<semaphore_mem>> -> memref<1x!tpu.dma_semaphore, #tpu.memory_space<semaphore_mem>>
    %dma_wait3A_457 = tpu.memref_squeeze %dma_wait3A_456 : memref<1x!tpu.dma_semaphore, #tpu.memory_space<semaphore_mem>> -> memref<!tpu.dma_semaphore, #tpu.memory_space<semaphore_mem>>
    %dma_wait3A_458 = arith.constant 0 : i32
    %dma_wait3A_459 = tpu.memref_slice %arg4[%add3A_431, %dma_wait3A_458] : memref<81920x128xf32, #tpu.memory_space<hbm>> -> memref<128x128xf32, #tpu.memory_space<hbm>>
    %dma_wait3A_460 = arith.constant 0 : i32
    %dma_wait3A_461 = arith.constant 0 : i32
    %dma_wait3A_462 = tpu.memref_slice %arg6[%dma_wait3A_448, %dma_wait3A_460, %dma_wait3A_461] : memref<2x128x128xf32, #tpu.memory_space<vmem>> -> memref<1x128x128xf32, #tpu.memory_space<vmem>>
    %dma_wait3A_463 = tpu.memref_squeeze %dma_wait3A_462 : memref<1x128x128xf32, #tpu.memory_space<vmem>> -> memref<128x128xf32, #tpu.memory_space<vmem>>
    tpu.wait_dma2 semaphore(%dma_wait3A_457 : memref<!tpu.dma_semaphore, #tpu.memory_space<semaphore_mem>>) src(%dma_wait3A_463 : memref<128x128xf32, #tpu.memory_space<vmem>>) dst(%dma_wait3A_459 : memref<128x128xf32, #tpu.memory_space<hbm>>)
    %dma_start3A_464 = arith.constant 8 : i32
    %dma_start3A_465 = arith.constant 0 : i32
    %dma_start3A_466 = arith.constant 0 : i32
    %dma_start3A_467 = arith.constant 0 : i32
    %dma_start3A_468 = arith.constant 0 : i32
    %dma_start3A_469 = tpu.memref_slice %arg6[%dma_start3A_465, %dma_start3A_467, %dma_start3A_468] : memref<2x128x128xf32, #tpu.memory_space<vmem>> -> memref<1x128x128xf32, #tpu.memory_space<vmem>>
    %dma_start3A_470 = tpu.memref_squeeze %dma_start3A_469 : memref<1x128x128xf32, #tpu.memory_space<vmem>> -> memref<128x128xf32, #tpu.memory_space<vmem>>
    %dma_start3A_471 = arith.constant 0 : i32
    %dma_start3A_472 = tpu.memref_slice %arg5[%dma_start3A_464, %dma_start3A_471] : memref<20x128xi32, #tpu.memory_space<vmem>> -> memref<1x128xi32, #tpu.memory_space<vmem>>
    %dma_start3A_473 = tpu.memref_squeeze %dma_start3A_472 : memref<1x128xi32, #tpu.memory_space<vmem>> -> memref<128xi32, #tpu.memory_space<vmem>>
    %dma_start3A_474 = arith.constant 0 : i32
    %dma_start3A_475 = arith.constant 0 : i32
    %dma_start3A_476 = tpu.memref_slice %arg3[%dma_start3A_474, %dma_start3A_475] : memref<500480x128xf32, #tpu.memory_space<hbm>> -> memref<500480x128xf32, #tpu.memory_space<hbm>>
    %dma_start3A_477 = tpu.memref_slice %arg7[%dma_start3A_466] : memref<2x!tpu.dma_semaphore, #tpu.memory_space<semaphore_mem>> -> memref<1x!tpu.dma_semaphore, #tpu.memory_space<semaphore_mem>>
    %dma_start3A_478 = tpu.memref_squeeze %dma_start3A_477 : memref<1x!tpu.dma_semaphore, #tpu.memory_space<semaphore_mem>> -> memref<!tpu.dma_semaphore, #tpu.memory_space<semaphore_mem>>
    tpu.enqueue_indirect_dma source(%dma_start3A_476 : memref<500480x128xf32, #tpu.memory_space<hbm>>) target(%dma_start3A_470 : memref<128x128xf32, #tpu.memory_space<vmem>>) offsets(%dma_start3A_473 : memref<128xi32, #tpu.memory_space<vmem>>) semaphore(%dma_start3A_478 : memref<!tpu.dma_semaphore, #tpu.memory_space<semaphore_mem>>)
    %dma_wait3A_479 = arith.constant 7 : i32
    %dma_wait3A_480 = arith.constant 1 : i32
    %dma_wait3A_481 = arith.constant 1 : i32
    %dma_wait3A_482 = arith.constant 0 : i32
    %dma_wait3A_483 = arith.constant 0 : i32
    %dma_wait3A_484 = tpu.memref_slice %arg6[%dma_wait3A_480, %dma_wait3A_482, %dma_wait3A_483] : memref<2x128x128xf32, #tpu.memory_space<vmem>> -> memref<1x128x128xf32, #tpu.memory_space<vmem>>
    %dma_wait3A_485 = tpu.memref_squeeze %dma_wait3A_484 : memref<1x128x128xf32, #tpu.memory_space<vmem>> -> memref<128x128xf32, #tpu.memory_space<vmem>>
    %dma_wait3A_486 = arith.constant 0 : i32
    %dma_wait3A_487 = tpu.memref_slice %arg5[%dma_wait3A_479, %dma_wait3A_486] : memref<20x128xi32, #tpu.memory_space<vmem>> -> memref<1x128xi32, #tpu.memory_space<vmem>>
    %dma_wait3A_488 = tpu.memref_squeeze %dma_wait3A_487 : memref<1x128xi32, #tpu.memory_space<vmem>> -> memref<128xi32, #tpu.memory_space<vmem>>
    %dma_wait3A_489 = arith.constant 0 : i32
    %dma_wait3A_490 = arith.constant 0 : i32
    %dma_wait3A_491 = tpu.memref_slice %arg3[%dma_wait3A_489, %dma_wait3A_490] : memref<500480x128xf32, #tpu.memory_space<hbm>> -> memref<500480x128xf32, #tpu.memory_space<hbm>>
    %dma_wait3A_492 = tpu.memref_slice %arg7[%dma_wait3A_481] : memref<2x!tpu.dma_semaphore, #tpu.memory_space<semaphore_mem>> -> memref<1x!tpu.dma_semaphore, #tpu.memory_space<semaphore_mem>>
    %dma_wait3A_493 = tpu.memref_squeeze %dma_wait3A_492 : memref<1x!tpu.dma_semaphore, #tpu.memory_space<semaphore_mem>> -> memref<!tpu.dma_semaphore, #tpu.memory_space<semaphore_mem>>
    tpu.wait_indirect_dma semaphore(%dma_wait3A_493 : memref<!tpu.dma_semaphore, #tpu.memory_space<semaphore_mem>>) src(%dma_wait3A_491 : memref<500480x128xf32, #tpu.memory_space<hbm>>) dst(%dma_wait3A_485 : memref<128x128xf32, #tpu.memory_space<vmem>>)
    %add3A_494 = arith.constant 896 : i32
    %add3A_495 = arith.addi %mul3A_2, %add3A_494 : i32
    %dma_start3A_496 = arith.constant 1 : i32
    %dma_start3A_497 = arith.constant 1 : i32
    %dma_start3A_498 = arith.constant 0 : i32
    %dma_start3A_499 = arith.constant 0 : i32
    %dma_start3A_500 = tpu.memref_slice %arg6[%dma_start3A_496, %dma_start3A_498, %dma_start3A_499] : memref<2x128x128xf32, #tpu.memory_space<vmem>> -> memref<1x128x128xf32, #tpu.memory_space<vmem>>
    %dma_start3A_501 = tpu.memref_squeeze %dma_start3A_500 : memref<1x128x128xf32, #tpu.memory_space<vmem>> -> memref<128x128xf32, #tpu.memory_space<vmem>>
    %dma_start3A_502 = arith.constant 0 : i32
    %dma_start3A_503 = tpu.memref_slice %arg4[%add3A_495, %dma_start3A_502] : memref<81920x128xf32, #tpu.memory_space<hbm>> -> memref<128x128xf32, #tpu.memory_space<hbm>>
    %dma_start3A_504 = tpu.memref_slice %arg8[%dma_start3A_497] : memref<2x!tpu.dma_semaphore, #tpu.memory_space<semaphore_mem>> -> memref<1x!tpu.dma_semaphore, #tpu.memory_space<semaphore_mem>>
    %dma_start3A_505 = tpu.memref_squeeze %dma_start3A_504 : memref<1x!tpu.dma_semaphore, #tpu.memory_space<semaphore_mem>> -> memref<!tpu.dma_semaphore, #tpu.memory_space<semaphore_mem>>
    %dma_start3A_506 = arith.constant 0 : i32
    %dma_start3A_507 = tpu.memref_slice %arg4[%add3A_495, %dma_start3A_506] : memref<81920x128xf32, #tpu.memory_space<hbm>> -> memref<128x128xf32, #tpu.memory_space<hbm>>
    %dma_start3A_508 = arith.constant 0 : i32
    %dma_start3A_509 = arith.constant 0 : i32
    %dma_start3A_510 = tpu.memref_slice %arg6[%dma_start3A_496, %dma_start3A_508, %dma_start3A_509] : memref<2x128x128xf32, #tpu.memory_space<vmem>> -> memref<1x128x128xf32, #tpu.memory_space<vmem>>
    %dma_start3A_511 = tpu.memref_squeeze %dma_start3A_510 : memref<1x128x128xf32, #tpu.memory_space<vmem>> -> memref<128x128xf32, #tpu.memory_space<vmem>>
    tpu.enqueue_dma source(%dma_start3A_511 : memref<128x128xf32, #tpu.memory_space<vmem>>) target(%dma_start3A_507 : memref<128x128xf32, #tpu.memory_space<hbm>>) target_semaphore(%dma_start3A_505 : memref<!tpu.dma_semaphore, #tpu.memory_space<semaphore_mem>>)
    %dma_wait3A_512 = arith.constant 1 : i32
    %dma_wait3A_513 = arith.constant 1 : i32
    %dma_wait3A_514 = arith.constant 0 : i32
    %dma_wait3A_515 = arith.constant 0 : i32
    %dma_wait3A_516 = tpu.memref_slice %arg6[%dma_wait3A_512, %dma_wait3A_514, %dma_wait3A_515] : memref<2x128x128xf32, #tpu.memory_space<vmem>> -> memref<1x128x128xf32, #tpu.memory_space<vmem>>
    %dma_wait3A_517 = tpu.memref_squeeze %dma_wait3A_516 : memref<1x128x128xf32, #tpu.memory_space<vmem>> -> memref<128x128xf32, #tpu.memory_space<vmem>>
    %dma_wait3A_518 = arith.constant 0 : i32
    %dma_wait3A_519 = tpu.memref_slice %arg4[%add3A_495, %dma_wait3A_518] : memref<81920x128xf32, #tpu.memory_space<hbm>> -> memref<128x128xf32, #tpu.memory_space<hbm>>
    %dma_wait3A_520 = tpu.memref_slice %arg8[%dma_wait3A_513] : memref<2x!tpu.dma_semaphore, #tpu.memory_space<semaphore_mem>> -> memref<1x!tpu.dma_semaphore, #tpu.memory_space<semaphore_mem>>
    %dma_wait3A_521 = tpu.memref_squeeze %dma_wait3A_520 : memref<1x!tpu.dma_semaphore, #tpu.memory_space<semaphore_mem>> -> memref<!tpu.dma_semaphore, #tpu.memory_space<semaphore_mem>>
    %dma_wait3A_522 = arith.constant 0 : i32
    %dma_wait3A_523 = tpu.memref_slice %arg4[%add3A_495, %dma_wait3A_522] : memref<81920x128xf32, #tpu.memory_space<hbm>> -> memref<128x128xf32, #tpu.memory_space<hbm>>
    %dma_wait3A_524 = arith.constant 0 : i32
    %dma_wait3A_525 = arith.constant 0 : i32
    %dma_wait3A_526 = tpu.memref_slice %arg6[%dma_wait3A_512, %dma_wait3A_524, %dma_wait3A_525] : memref<2x128x128xf32, #tpu.memory_space<vmem>> -> memref<1x128x128xf32, #tpu.memory_space<vmem>>
    %dma_wait3A_527 = tpu.memref_squeeze %dma_wait3A_526 : memref<1x128x128xf32, #tpu.memory_space<vmem>> -> memref<128x128xf32, #tpu.memory_space<vmem>>
    tpu.wait_dma2 semaphore(%dma_wait3A_521 : memref<!tpu.dma_semaphore, #tpu.memory_space<semaphore_mem>>) src(%dma_wait3A_527 : memref<128x128xf32, #tpu.memory_space<vmem>>) dst(%dma_wait3A_523 : memref<128x128xf32, #tpu.memory_space<hbm>>)
    %dma_start3A_528 = arith.constant 9 : i32
    %dma_start3A_529 = arith.constant 1 : i32
    %dma_start3A_530 = arith.constant 1 : i32
    %dma_start3A_531 = arith.constant 0 : i32
    %dma_start3A_532 = arith.constant 0 : i32
    %dma_start3A_533 = tpu.memref_slice %arg6[%dma_start3A_529, %dma_start3A_531, %dma_start3A_532] : memref<2x128x128xf32, #tpu.memory_space<vmem>> -> memref<1x128x128xf32, #tpu.memory_space<vmem>>
    %dma_start3A_534 = tpu.memref_squeeze %dma_start3A_533 : memref<1x128x128xf32, #tpu.memory_space<vmem>> -> memref<128x128xf32, #tpu.memory_space<vmem>>
    %dma_start3A_535 = arith.constant 0 : i32
    %dma_start3A_536 = tpu.memref_slice %arg5[%dma_start3A_528, %dma_start3A_535] : memref<20x128xi32, #tpu.memory_space<vmem>> -> memref<1x128xi32, #tpu.memory_space<vmem>>
    %dma_start3A_537 = tpu.memref_squeeze %dma_start3A_536 : memref<1x128xi32, #tpu.memory_space<vmem>> -> memref<128xi32, #tpu.memory_space<vmem>>
    %dma_start3A_538 = arith.constant 0 : i32
    %dma_start3A_539 = arith.constant 0 : i32
    %dma_start3A_540 = tpu.memref_slice %arg3[%dma_start3A_538, %dma_start3A_539] : memref<500480x128xf32, #tpu.memory_space<hbm>> -> memref<500480x128xf32, #tpu.memory_space<hbm>>
    %dma_start3A_541 = tpu.memref_slice %arg7[%dma_start3A_530] : memref<2x!tpu.dma_semaphore, #tpu.memory_space<semaphore_mem>> -> memref<1x!tpu.dma_semaphore, #tpu.memory_space<semaphore_mem>>
    %dma_start3A_542 = tpu.memref_squeeze %dma_start3A_541 : memref<1x!tpu.dma_semaphore, #tpu.memory_space<semaphore_mem>> -> memref<!tpu.dma_semaphore, #tpu.memory_space<semaphore_mem>>
    tpu.enqueue_indirect_dma source(%dma_start3A_540 : memref<500480x128xf32, #tpu.memory_space<hbm>>) target(%dma_start3A_534 : memref<128x128xf32, #tpu.memory_space<vmem>>) offsets(%dma_start3A_537 : memref<128xi32, #tpu.memory_space<vmem>>) semaphore(%dma_start3A_542 : memref<!tpu.dma_semaphore, #tpu.memory_space<semaphore_mem>>)
    %dma_wait3A_543 = arith.constant 8 : i32
    %dma_wait3A_544 = arith.constant 0 : i32
    %dma_wait3A_545 = arith.constant 0 : i32
    %dma_wait3A_546 = arith.constant 0 : i32
    %dma_wait3A_547 = arith.constant 0 : i32
    %dma_wait3A_548 = tpu.memref_slice %arg6[%dma_wait3A_544, %dma_wait3A_546, %dma_wait3A_547] : memref<2x128x128xf32, #tpu.memory_space<vmem>> -> memref<1x128x128xf32, #tpu.memory_space<vmem>>
    %dma_wait3A_549 = tpu.memref_squeeze %dma_wait3A_548 : memref<1x128x128xf32, #tpu.memory_space<vmem>> -> memref<128x128xf32, #tpu.memory_space<vmem>>
    %dma_wait3A_550 = arith.constant 0 : i32
    %dma_wait3A_551 = tpu.memref_slice %arg5[%dma_wait3A_543, %dma_wait3A_550] : memref<20x128xi32, #tpu.memory_space<vmem>> -> memref<1x128xi32, #tpu.memory_space<vmem>>
    %dma_wait3A_552 = tpu.memref_squeeze %dma_wait3A_551 : memref<1x128xi32, #tpu.memory_space<vmem>> -> memref<128xi32, #tpu.memory_space<vmem>>
    %dma_wait3A_553 = arith.constant 0 : i32
    %dma_wait3A_554 = arith.constant 0 : i32
    %dma_wait3A_555 = tpu.memref_slice %arg3[%dma_wait3A_553, %dma_wait3A_554] : memref<500480x128xf32, #tpu.memory_space<hbm>> -> memref<500480x128xf32, #tpu.memory_space<hbm>>
    %dma_wait3A_556 = tpu.memref_slice %arg7[%dma_wait3A_545] : memref<2x!tpu.dma_semaphore, #tpu.memory_space<semaphore_mem>> -> memref<1x!tpu.dma_semaphore, #tpu.memory_space<semaphore_mem>>
    %dma_wait3A_557 = tpu.memref_squeeze %dma_wait3A_556 : memref<1x!tpu.dma_semaphore, #tpu.memory_space<semaphore_mem>> -> memref<!tpu.dma_semaphore, #tpu.memory_space<semaphore_mem>>
    tpu.wait_indirect_dma semaphore(%dma_wait3A_557 : memref<!tpu.dma_semaphore, #tpu.memory_space<semaphore_mem>>) src(%dma_wait3A_555 : memref<500480x128xf32, #tpu.memory_space<hbm>>) dst(%dma_wait3A_549 : memref<128x128xf32, #tpu.memory_space<vmem>>)
    %add3A_558 = arith.constant 1024 : i32
    %add3A_559 = arith.addi %mul3A_2, %add3A_558 : i32
    %dma_start3A_560 = arith.constant 0 : i32
    %dma_start3A_561 = arith.constant 0 : i32
    %dma_start3A_562 = arith.constant 0 : i32
    %dma_start3A_563 = arith.constant 0 : i32
    %dma_start3A_564 = tpu.memref_slice %arg6[%dma_start3A_560, %dma_start3A_562, %dma_start3A_563] : memref<2x128x128xf32, #tpu.memory_space<vmem>> -> memref<1x128x128xf32, #tpu.memory_space<vmem>>
    %dma_start3A_565 = tpu.memref_squeeze %dma_start3A_564 : memref<1x128x128xf32, #tpu.memory_space<vmem>> -> memref<128x128xf32, #tpu.memory_space<vmem>>
    %dma_start3A_566 = arith.constant 0 : i32
    %dma_start3A_567 = tpu.memref_slice %arg4[%add3A_559, %dma_start3A_566] : memref<81920x128xf32, #tpu.memory_space<hbm>> -> memref<128x128xf32, #tpu.memory_space<hbm>>
    %dma_start3A_568 = tpu.memref_slice %arg8[%dma_start3A_561] : memref<2x!tpu.dma_semaphore, #tpu.memory_space<semaphore_mem>> -> memref<1x!tpu.dma_semaphore, #tpu.memory_space<semaphore_mem>>
    %dma_start3A_569 = tpu.memref_squeeze %dma_start3A_568 : memref<1x!tpu.dma_semaphore, #tpu.memory_space<semaphore_mem>> -> memref<!tpu.dma_semaphore, #tpu.memory_space<semaphore_mem>>
    %dma_start3A_570 = arith.constant 0 : i32
    %dma_start3A_571 = tpu.memref_slice %arg4[%add3A_559, %dma_start3A_570] : memref<81920x128xf32, #tpu.memory_space<hbm>> -> memref<128x128xf32, #tpu.memory_space<hbm>>
    %dma_start3A_572 = arith.constant 0 : i32
    %dma_start3A_573 = arith.constant 0 : i32
    %dma_start3A_574 = tpu.memref_slice %arg6[%dma_start3A_560, %dma_start3A_572, %dma_start3A_573] : memref<2x128x128xf32, #tpu.memory_space<vmem>> -> memref<1x128x128xf32, #tpu.memory_space<vmem>>
    %dma_start3A_575 = tpu.memref_squeeze %dma_start3A_574 : memref<1x128x128xf32, #tpu.memory_space<vmem>> -> memref<128x128xf32, #tpu.memory_space<vmem>>
    tpu.enqueue_dma source(%dma_start3A_575 : memref<128x128xf32, #tpu.memory_space<vmem>>) target(%dma_start3A_571 : memref<128x128xf32, #tpu.memory_space<hbm>>) target_semaphore(%dma_start3A_569 : memref<!tpu.dma_semaphore, #tpu.memory_space<semaphore_mem>>)
    %dma_wait3A_576 = arith.constant 0 : i32
    %dma_wait3A_577 = arith.constant 0 : i32
    %dma_wait3A_578 = arith.constant 0 : i32
    %dma_wait3A_579 = arith.constant 0 : i32
    %dma_wait3A_580 = tpu.memref_slice %arg6[%dma_wait3A_576, %dma_wait3A_578, %dma_wait3A_579] : memref<2x128x128xf32, #tpu.memory_space<vmem>> -> memref<1x128x128xf32, #tpu.memory_space<vmem>>
    %dma_wait3A_581 = tpu.memref_squeeze %dma_wait3A_580 : memref<1x128x128xf32, #tpu.memory_space<vmem>> -> memref<128x128xf32, #tpu.memory_space<vmem>>
    %dma_wait3A_582 = arith.constant 0 : i32
    %dma_wait3A_583 = tpu.memref_slice %arg4[%add3A_559, %dma_wait3A_582] : memref<81920x128xf32, #tpu.memory_space<hbm>> -> memref<128x128xf32, #tpu.memory_space<hbm>>
    %dma_wait3A_584 = tpu.memref_slice %arg8[%dma_wait3A_577] : memref<2x!tpu.dma_semaphore, #tpu.memory_space<semaphore_mem>> -> memref<1x!tpu.dma_semaphore, #tpu.memory_space<semaphore_mem>>
    %dma_wait3A_585 = tpu.memref_squeeze %dma_wait3A_584 : memref<1x!tpu.dma_semaphore, #tpu.memory_space<semaphore_mem>> -> memref<!tpu.dma_semaphore, #tpu.memory_space<semaphore_mem>>
    %dma_wait3A_586 = arith.constant 0 : i32
    %dma_wait3A_587 = tpu.memref_slice %arg4[%add3A_559, %dma_wait3A_586] : memref<81920x128xf32, #tpu.memory_space<hbm>> -> memref<128x128xf32, #tpu.memory_space<hbm>>
    %dma_wait3A_588 = arith.constant 0 : i32
    %dma_wait3A_589 = arith.constant 0 : i32
    %dma_wait3A_590 = tpu.memref_slice %arg6[%dma_wait3A_576, %dma_wait3A_588, %dma_wait3A_589] : memref<2x128x128xf32, #tpu.memory_space<vmem>> -> memref<1x128x128xf32, #tpu.memory_space<vmem>>
    %dma_wait3A_591 = tpu.memref_squeeze %dma_wait3A_590 : memref<1x128x128xf32, #tpu.memory_space<vmem>> -> memref<128x128xf32, #tpu.memory_space<vmem>>
    tpu.wait_dma2 semaphore(%dma_wait3A_585 : memref<!tpu.dma_semaphore, #tpu.memory_space<semaphore_mem>>) src(%dma_wait3A_591 : memref<128x128xf32, #tpu.memory_space<vmem>>) dst(%dma_wait3A_587 : memref<128x128xf32, #tpu.memory_space<hbm>>)
    %dma_start3A_592 = arith.constant 10 : i32
    %dma_start3A_593 = arith.constant 0 : i32
    %dma_start3A_594 = arith.constant 0 : i32
    %dma_start3A_595 = arith.constant 0 : i32
    %dma_start3A_596 = arith.constant 0 : i32
    %dma_start3A_597 = tpu.memref_slice %arg6[%dma_start3A_593, %dma_start3A_595, %dma_start3A_596] : memref<2x128x128xf32, #tpu.memory_space<vmem>> -> memref<1x128x128xf32, #tpu.memory_space<vmem>>
    %dma_start3A_598 = tpu.memref_squeeze %dma_start3A_597 : memref<1x128x128xf32, #tpu.memory_space<vmem>> -> memref<128x128xf32, #tpu.memory_space<vmem>>
    %dma_start3A_599 = arith.constant 0 : i32
    %dma_start3A_600 = tpu.memref_slice %arg5[%dma_start3A_592, %dma_start3A_599] : memref<20x128xi32, #tpu.memory_space<vmem>> -> memref<1x128xi32, #tpu.memory_space<vmem>>
    %dma_start3A_601 = tpu.memref_squeeze %dma_start3A_600 : memref<1x128xi32, #tpu.memory_space<vmem>> -> memref<128xi32, #tpu.memory_space<vmem>>
    %dma_start3A_602 = arith.constant 0 : i32
    %dma_start3A_603 = arith.constant 0 : i32
    %dma_start3A_604 = tpu.memref_slice %arg3[%dma_start3A_602, %dma_start3A_603] : memref<500480x128xf32, #tpu.memory_space<hbm>> -> memref<500480x128xf32, #tpu.memory_space<hbm>>
    %dma_start3A_605 = tpu.memref_slice %arg7[%dma_start3A_594] : memref<2x!tpu.dma_semaphore, #tpu.memory_space<semaphore_mem>> -> memref<1x!tpu.dma_semaphore, #tpu.memory_space<semaphore_mem>>
    %dma_start3A_606 = tpu.memref_squeeze %dma_start3A_605 : memref<1x!tpu.dma_semaphore, #tpu.memory_space<semaphore_mem>> -> memref<!tpu.dma_semaphore, #tpu.memory_space<semaphore_mem>>
    tpu.enqueue_indirect_dma source(%dma_start3A_604 : memref<500480x128xf32, #tpu.memory_space<hbm>>) target(%dma_start3A_598 : memref<128x128xf32, #tpu.memory_space<vmem>>) offsets(%dma_start3A_601 : memref<128xi32, #tpu.memory_space<vmem>>) semaphore(%dma_start3A_606 : memref<!tpu.dma_semaphore, #tpu.memory_space<semaphore_mem>>)
    %dma_wait3A_607 = arith.constant 9 : i32
    %dma_wait3A_608 = arith.constant 1 : i32
    %dma_wait3A_609 = arith.constant 1 : i32
    %dma_wait3A_610 = arith.constant 0 : i32
    %dma_wait3A_611 = arith.constant 0 : i32
    %dma_wait3A_612 = tpu.memref_slice %arg6[%dma_wait3A_608, %dma_wait3A_610, %dma_wait3A_611] : memref<2x128x128xf32, #tpu.memory_space<vmem>> -> memref<1x128x128xf32, #tpu.memory_space<vmem>>
    %dma_wait3A_613 = tpu.memref_squeeze %dma_wait3A_612 : memref<1x128x128xf32, #tpu.memory_space<vmem>> -> memref<128x128xf32, #tpu.memory_space<vmem>>
    %dma_wait3A_614 = arith.constant 0 : i32
    %dma_wait3A_615 = tpu.memref_slice %arg5[%dma_wait3A_607, %dma_wait3A_614] : memref<20x128xi32, #tpu.memory_space<vmem>> -> memref<1x128xi32, #tpu.memory_space<vmem>>
    %dma_wait3A_616 = tpu.memref_squeeze %dma_wait3A_615 : memref<1x128xi32, #tpu.memory_space<vmem>> -> memref<128xi32, #tpu.memory_space<vmem>>
    %dma_wait3A_617 = arith.constant 0 : i32
    %dma_wait3A_618 = arith.constant 0 : i32
    %dma_wait3A_619 = tpu.memref_slice %arg3[%dma_wait3A_617, %dma_wait3A_618] : memref<500480x128xf32, #tpu.memory_space<hbm>> -> memref<500480x128xf32, #tpu.memory_space<hbm>>
    %dma_wait3A_620 = tpu.memref_slice %arg7[%dma_wait3A_609] : memref<2x!tpu.dma_semaphore, #tpu.memory_space<semaphore_mem>> -> memref<1x!tpu.dma_semaphore, #tpu.memory_space<semaphore_mem>>
    %dma_wait3A_621 = tpu.memref_squeeze %dma_wait3A_620 : memref<1x!tpu.dma_semaphore, #tpu.memory_space<semaphore_mem>> -> memref<!tpu.dma_semaphore, #tpu.memory_space<semaphore_mem>>
    tpu.wait_indirect_dma semaphore(%dma_wait3A_621 : memref<!tpu.dma_semaphore, #tpu.memory_space<semaphore_mem>>) src(%dma_wait3A_619 : memref<500480x128xf32, #tpu.memory_space<hbm>>) dst(%dma_wait3A_613 : memref<128x128xf32, #tpu.memory_space<vmem>>)
    %add3A_622 = arith.constant 1152 : i32
    %add3A_623 = arith.addi %mul3A_2, %add3A_622 : i32
    %dma_start3A_624 = arith.constant 1 : i32
    %dma_start3A_625 = arith.constant 1 : i32
    %dma_start3A_626 = arith.constant 0 : i32
    %dma_start3A_627 = arith.constant 0 : i32
    %dma_start3A_628 = tpu.memref_slice %arg6[%dma_start3A_624, %dma_start3A_626, %dma_start3A_627] : memref<2x128x128xf32, #tpu.memory_space<vmem>> -> memref<1x128x128xf32, #tpu.memory_space<vmem>>
    %dma_start3A_629 = tpu.memref_squeeze %dma_start3A_628 : memref<1x128x128xf32, #tpu.memory_space<vmem>> -> memref<128x128xf32, #tpu.memory_space<vmem>>
    %dma_start3A_630 = arith.constant 0 : i32
    %dma_start3A_631 = tpu.memref_slice %arg4[%add3A_623, %dma_start3A_630] : memref<81920x128xf32, #tpu.memory_space<hbm>> -> memref<128x128xf32, #tpu.memory_space<hbm>>
    %dma_start3A_632 = tpu.memref_slice %arg8[%dma_start3A_625] : memref<2x!tpu.dma_semaphore, #tpu.memory_space<semaphore_mem>> -> memref<1x!tpu.dma_semaphore, #tpu.memory_space<semaphore_mem>>
    %dma_start3A_633 = tpu.memref_squeeze %dma_start3A_632 : memref<1x!tpu.dma_semaphore, #tpu.memory_space<semaphore_mem>> -> memref<!tpu.dma_semaphore, #tpu.memory_space<semaphore_mem>>
    %dma_start3A_634 = arith.constant 0 : i32
    %dma_start3A_635 = tpu.memref_slice %arg4[%add3A_623, %dma_start3A_634] : memref<81920x128xf32, #tpu.memory_space<hbm>> -> memref<128x128xf32, #tpu.memory_space<hbm>>
    %dma_start3A_636 = arith.constant 0 : i32
    %dma_start3A_637 = arith.constant 0 : i32
    %dma_start3A_638 = tpu.memref_slice %arg6[%dma_start3A_624, %dma_start3A_636, %dma_start3A_637] : memref<2x128x128xf32, #tpu.memory_space<vmem>> -> memref<1x128x128xf32, #tpu.memory_space<vmem>>
    %dma_start3A_639 = tpu.memref_squeeze %dma_start3A_638 : memref<1x128x128xf32, #tpu.memory_space<vmem>> -> memref<128x128xf32, #tpu.memory_space<vmem>>
    tpu.enqueue_dma source(%dma_start3A_639 : memref<128x128xf32, #tpu.memory_space<vmem>>) target(%dma_start3A_635 : memref<128x128xf32, #tpu.memory_space<hbm>>) target_semaphore(%dma_start3A_633 : memref<!tpu.dma_semaphore, #tpu.memory_space<semaphore_mem>>)
    %dma_wait3A_640 = arith.constant 1 : i32
    %dma_wait3A_641 = arith.constant 1 : i32
    %dma_wait3A_642 = arith.constant 0 : i32
    %dma_wait3A_643 = arith.constant 0 : i32
    %dma_wait3A_644 = tpu.memref_slice %arg6[%dma_wait3A_640, %dma_wait3A_642, %dma_wait3A_643] : memref<2x128x128xf32, #tpu.memory_space<vmem>> -> memref<1x128x128xf32, #tpu.memory_space<vmem>>
    %dma_wait3A_645 = tpu.memref_squeeze %dma_wait3A_644 : memref<1x128x128xf32, #tpu.memory_space<vmem>> -> memref<128x128xf32, #tpu.memory_space<vmem>>
    %dma_wait3A_646 = arith.constant 0 : i32
    %dma_wait3A_647 = tpu.memref_slice %arg4[%add3A_623, %dma_wait3A_646] : memref<81920x128xf32, #tpu.memory_space<hbm>> -> memref<128x128xf32, #tpu.memory_space<hbm>>
    %dma_wait3A_648 = tpu.memref_slice %arg8[%dma_wait3A_641] : memref<2x!tpu.dma_semaphore, #tpu.memory_space<semaphore_mem>> -> memref<1x!tpu.dma_semaphore, #tpu.memory_space<semaphore_mem>>
    %dma_wait3A_649 = tpu.memref_squeeze %dma_wait3A_648 : memref<1x!tpu.dma_semaphore, #tpu.memory_space<semaphore_mem>> -> memref<!tpu.dma_semaphore, #tpu.memory_space<semaphore_mem>>
    %dma_wait3A_650 = arith.constant 0 : i32
    %dma_wait3A_651 = tpu.memref_slice %arg4[%add3A_623, %dma_wait3A_650] : memref<81920x128xf32, #tpu.memory_space<hbm>> -> memref<128x128xf32, #tpu.memory_space<hbm>>
    %dma_wait3A_652 = arith.constant 0 : i32
    %dma_wait3A_653 = arith.constant 0 : i32
    %dma_wait3A_654 = tpu.memref_slice %arg6[%dma_wait3A_640, %dma_wait3A_652, %dma_wait3A_653] : memref<2x128x128xf32, #tpu.memory_space<vmem>> -> memref<1x128x128xf32, #tpu.memory_space<vmem>>
    %dma_wait3A_655 = tpu.memref_squeeze %dma_wait3A_654 : memref<1x128x128xf32, #tpu.memory_space<vmem>> -> memref<128x128xf32, #tpu.memory_space<vmem>>
    tpu.wait_dma2 semaphore(%dma_wait3A_649 : memref<!tpu.dma_semaphore, #tpu.memory_space<semaphore_mem>>) src(%dma_wait3A_655 : memref<128x128xf32, #tpu.memory_space<vmem>>) dst(%dma_wait3A_651 : memref<128x128xf32, #tpu.memory_space<hbm>>)
    %dma_start3A_656 = arith.constant 11 : i32
    %dma_start3A_657 = arith.constant 1 : i32
    %dma_start3A_658 = arith.constant 1 : i32
    %dma_start3A_659 = arith.constant 0 : i32
    %dma_start3A_660 = arith.constant 0 : i32
    %dma_start3A_661 = tpu.memref_slice %arg6[%dma_start3A_657, %dma_start3A_659, %dma_start3A_660] : memref<2x128x128xf32, #tpu.memory_space<vmem>> -> memref<1x128x128xf32, #tpu.memory_space<vmem>>
    %dma_start3A_662 = tpu.memref_squeeze %dma_start3A_661 : memref<1x128x128xf32, #tpu.memory_space<vmem>> -> memref<128x128xf32, #tpu.memory_space<vmem>>
    %dma_start3A_663 = arith.constant 0 : i32
    %dma_start3A_664 = tpu.memref_slice %arg5[%dma_start3A_656, %dma_start3A_663] : memref<20x128xi32, #tpu.memory_space<vmem>> -> memref<1x128xi32, #tpu.memory_space<vmem>>
    %dma_start3A_665 = tpu.memref_squeeze %dma_start3A_664 : memref<1x128xi32, #tpu.memory_space<vmem>> -> memref<128xi32, #tpu.memory_space<vmem>>
    %dma_start3A_666 = arith.constant 0 : i32
    %dma_start3A_667 = arith.constant 0 : i32
    %dma_start3A_668 = tpu.memref_slice %arg3[%dma_start3A_666, %dma_start3A_667] : memref<500480x128xf32, #tpu.memory_space<hbm>> -> memref<500480x128xf32, #tpu.memory_space<hbm>>
    %dma_start3A_669 = tpu.memref_slice %arg7[%dma_start3A_658] : memref<2x!tpu.dma_semaphore, #tpu.memory_space<semaphore_mem>> -> memref<1x!tpu.dma_semaphore, #tpu.memory_space<semaphore_mem>>
    %dma_start3A_670 = tpu.memref_squeeze %dma_start3A_669 : memref<1x!tpu.dma_semaphore, #tpu.memory_space<semaphore_mem>> -> memref<!tpu.dma_semaphore, #tpu.memory_space<semaphore_mem>>
    tpu.enqueue_indirect_dma source(%dma_start3A_668 : memref<500480x128xf32, #tpu.memory_space<hbm>>) target(%dma_start3A_662 : memref<128x128xf32, #tpu.memory_space<vmem>>) offsets(%dma_start3A_665 : memref<128xi32, #tpu.memory_space<vmem>>) semaphore(%dma_start3A_670 : memref<!tpu.dma_semaphore, #tpu.memory_space<semaphore_mem>>)
    %dma_wait3A_671 = arith.constant 10 : i32
    %dma_wait3A_672 = arith.constant 0 : i32
    %dma_wait3A_673 = arith.constant 0 : i32
    %dma_wait3A_674 = arith.constant 0 : i32
    %dma_wait3A_675 = arith.constant 0 : i32
    %dma_wait3A_676 = tpu.memref_slice %arg6[%dma_wait3A_672, %dma_wait3A_674, %dma_wait3A_675] : memref<2x128x128xf32, #tpu.memory_space<vmem>> -> memref<1x128x128xf32, #tpu.memory_space<vmem>>
    %dma_wait3A_677 = tpu.memref_squeeze %dma_wait3A_676 : memref<1x128x128xf32, #tpu.memory_space<vmem>> -> memref<128x128xf32, #tpu.memory_space<vmem>>
    %dma_wait3A_678 = arith.constant 0 : i32
    %dma_wait3A_679 = tpu.memref_slice %arg5[%dma_wait3A_671, %dma_wait3A_678] : memref<20x128xi32, #tpu.memory_space<vmem>> -> memref<1x128xi32, #tpu.memory_space<vmem>>
    %dma_wait3A_680 = tpu.memref_squeeze %dma_wait3A_679 : memref<1x128xi32, #tpu.memory_space<vmem>> -> memref<128xi32, #tpu.memory_space<vmem>>
    %dma_wait3A_681 = arith.constant 0 : i32
    %dma_wait3A_682 = arith.constant 0 : i32
    %dma_wait3A_683 = tpu.memref_slice %arg3[%dma_wait3A_681, %dma_wait3A_682] : memref<500480x128xf32, #tpu.memory_space<hbm>> -> memref<500480x128xf32, #tpu.memory_space<hbm>>
    %dma_wait3A_684 = tpu.memref_slice %arg7[%dma_wait3A_673] : memref<2x!tpu.dma_semaphore, #tpu.memory_space<semaphore_mem>> -> memref<1x!tpu.dma_semaphore, #tpu.memory_space<semaphore_mem>>
    %dma_wait3A_685 = tpu.memref_squeeze %dma_wait3A_684 : memref<1x!tpu.dma_semaphore, #tpu.memory_space<semaphore_mem>> -> memref<!tpu.dma_semaphore, #tpu.memory_space<semaphore_mem>>
    tpu.wait_indirect_dma semaphore(%dma_wait3A_685 : memref<!tpu.dma_semaphore, #tpu.memory_space<semaphore_mem>>) src(%dma_wait3A_683 : memref<500480x128xf32, #tpu.memory_space<hbm>>) dst(%dma_wait3A_677 : memref<128x128xf32, #tpu.memory_space<vmem>>)
    %add3A_686 = arith.constant 1280 : i32
    %add3A_687 = arith.addi %mul3A_2, %add3A_686 : i32
    %dma_start3A_688 = arith.constant 0 : i32
    %dma_start3A_689 = arith.constant 0 : i32
    %dma_start3A_690 = arith.constant 0 : i32
    %dma_start3A_691 = arith.constant 0 : i32
    %dma_start3A_692 = tpu.memref_slice %arg6[%dma_start3A_688, %dma_start3A_690, %dma_start3A_691] : memref<2x128x128xf32, #tpu.memory_space<vmem>> -> memref<1x128x128xf32, #tpu.memory_space<vmem>>
    %dma_start3A_693 = tpu.memref_squeeze %dma_start3A_692 : memref<1x128x128xf32, #tpu.memory_space<vmem>> -> memref<128x128xf32, #tpu.memory_space<vmem>>
    %dma_start3A_694 = arith.constant 0 : i32
    %dma_start3A_695 = tpu.memref_slice %arg4[%add3A_687, %dma_start3A_694] : memref<81920x128xf32, #tpu.memory_space<hbm>> -> memref<128x128xf32, #tpu.memory_space<hbm>>
    %dma_start3A_696 = tpu.memref_slice %arg8[%dma_start3A_689] : memref<2x!tpu.dma_semaphore, #tpu.memory_space<semaphore_mem>> -> memref<1x!tpu.dma_semaphore, #tpu.memory_space<semaphore_mem>>
    %dma_start3A_697 = tpu.memref_squeeze %dma_start3A_696 : memref<1x!tpu.dma_semaphore, #tpu.memory_space<semaphore_mem>> -> memref<!tpu.dma_semaphore, #tpu.memory_space<semaphore_mem>>
    %dma_start3A_698 = arith.constant 0 : i32
    %dma_start3A_699 = tpu.memref_slice %arg4[%add3A_687, %dma_start3A_698] : memref<81920x128xf32, #tpu.memory_space<hbm>> -> memref<128x128xf32, #tpu.memory_space<hbm>>
    %dma_start3A_700 = arith.constant 0 : i32
    %dma_start3A_701 = arith.constant 0 : i32
    %dma_start3A_702 = tpu.memref_slice %arg6[%dma_start3A_688, %dma_start3A_700, %dma_start3A_701] : memref<2x128x128xf32, #tpu.memory_space<vmem>> -> memref<1x128x128xf32, #tpu.memory_space<vmem>>
    %dma_start3A_703 = tpu.memref_squeeze %dma_start3A_702 : memref<1x128x128xf32, #tpu.memory_space<vmem>> -> memref<128x128xf32, #tpu.memory_space<vmem>>
    tpu.enqueue_dma source(%dma_start3A_703 : memref<128x128xf32, #tpu.memory_space<vmem>>) target(%dma_start3A_699 : memref<128x128xf32, #tpu.memory_space<hbm>>) target_semaphore(%dma_start3A_697 : memref<!tpu.dma_semaphore, #tpu.memory_space<semaphore_mem>>)
    %dma_wait3A_704 = arith.constant 0 : i32
    %dma_wait3A_705 = arith.constant 0 : i32
    %dma_wait3A_706 = arith.constant 0 : i32
    %dma_wait3A_707 = arith.constant 0 : i32
    %dma_wait3A_708 = tpu.memref_slice %arg6[%dma_wait3A_704, %dma_wait3A_706, %dma_wait3A_707] : memref<2x128x128xf32, #tpu.memory_space<vmem>> -> memref<1x128x128xf32, #tpu.memory_space<vmem>>
    %dma_wait3A_709 = tpu.memref_squeeze %dma_wait3A_708 : memref<1x128x128xf32, #tpu.memory_space<vmem>> -> memref<128x128xf32, #tpu.memory_space<vmem>>
    %dma_wait3A_710 = arith.constant 0 : i32
    %dma_wait3A_711 = tpu.memref_slice %arg4[%add3A_687, %dma_wait3A_710] : memref<81920x128xf32, #tpu.memory_space<hbm>> -> memref<128x128xf32, #tpu.memory_space<hbm>>
    %dma_wait3A_712 = tpu.memref_slice %arg8[%dma_wait3A_705] : memref<2x!tpu.dma_semaphore, #tpu.memory_space<semaphore_mem>> -> memref<1x!tpu.dma_semaphore, #tpu.memory_space<semaphore_mem>>
    %dma_wait3A_713 = tpu.memref_squeeze %dma_wait3A_712 : memref<1x!tpu.dma_semaphore, #tpu.memory_space<semaphore_mem>> -> memref<!tpu.dma_semaphore, #tpu.memory_space<semaphore_mem>>
    %dma_wait3A_714 = arith.constant 0 : i32
    %dma_wait3A_715 = tpu.memref_slice %arg4[%add3A_687, %dma_wait3A_714] : memref<81920x128xf32, #tpu.memory_space<hbm>> -> memref<128x128xf32, #tpu.memory_space<hbm>>
    %dma_wait3A_716 = arith.constant 0 : i32
    %dma_wait3A_717 = arith.constant 0 : i32
    %dma_wait3A_718 = tpu.memref_slice %arg6[%dma_wait3A_704, %dma_wait3A_716, %dma_wait3A_717] : memref<2x128x128xf32, #tpu.memory_space<vmem>> -> memref<1x128x128xf32, #tpu.memory_space<vmem>>
    %dma_wait3A_719 = tpu.memref_squeeze %dma_wait3A_718 : memref<1x128x128xf32, #tpu.memory_space<vmem>> -> memref<128x128xf32, #tpu.memory_space<vmem>>
    tpu.wait_dma2 semaphore(%dma_wait3A_713 : memref<!tpu.dma_semaphore, #tpu.memory_space<semaphore_mem>>) src(%dma_wait3A_719 : memref<128x128xf32, #tpu.memory_space<vmem>>) dst(%dma_wait3A_715 : memref<128x128xf32, #tpu.memory_space<hbm>>)
    %dma_start3A_720 = arith.constant 12 : i32
    %dma_start3A_721 = arith.constant 0 : i32
    %dma_start3A_722 = arith.constant 0 : i32
    %dma_start3A_723 = arith.constant 0 : i32
    %dma_start3A_724 = arith.constant 0 : i32
    %dma_start3A_725 = tpu.memref_slice %arg6[%dma_start3A_721, %dma_start3A_723, %dma_start3A_724] : memref<2x128x128xf32, #tpu.memory_space<vmem>> -> memref<1x128x128xf32, #tpu.memory_space<vmem>>
    %dma_start3A_726 = tpu.memref_squeeze %dma_start3A_725 : memref<1x128x128xf32, #tpu.memory_space<vmem>> -> memref<128x128xf32, #tpu.memory_space<vmem>>
    %dma_start3A_727 = arith.constant 0 : i32
    %dma_start3A_728 = tpu.memref_slice %arg5[%dma_start3A_720, %dma_start3A_727] : memref<20x128xi32, #tpu.memory_space<vmem>> -> memref<1x128xi32, #tpu.memory_space<vmem>>
    %dma_start3A_729 = tpu.memref_squeeze %dma_start3A_728 : memref<1x128xi32, #tpu.memory_space<vmem>> -> memref<128xi32, #tpu.memory_space<vmem>>
    %dma_start3A_730 = arith.constant 0 : i32
    %dma_start3A_731 = arith.constant 0 : i32
    %dma_start3A_732 = tpu.memref_slice %arg3[%dma_start3A_730, %dma_start3A_731] : memref<500480x128xf32, #tpu.memory_space<hbm>> -> memref<500480x128xf32, #tpu.memory_space<hbm>>
    %dma_start3A_733 = tpu.memref_slice %arg7[%dma_start3A_722] : memref<2x!tpu.dma_semaphore, #tpu.memory_space<semaphore_mem>> -> memref<1x!tpu.dma_semaphore, #tpu.memory_space<semaphore_mem>>
    %dma_start3A_734 = tpu.memref_squeeze %dma_start3A_733 : memref<1x!tpu.dma_semaphore, #tpu.memory_space<semaphore_mem>> -> memref<!tpu.dma_semaphore, #tpu.memory_space<semaphore_mem>>
    tpu.enqueue_indirect_dma source(%dma_start3A_732 : memref<500480x128xf32, #tpu.memory_space<hbm>>) target(%dma_start3A_726 : memref<128x128xf32, #tpu.memory_space<vmem>>) offsets(%dma_start3A_729 : memref<128xi32, #tpu.memory_space<vmem>>) semaphore(%dma_start3A_734 : memref<!tpu.dma_semaphore, #tpu.memory_space<semaphore_mem>>)
    %dma_wait3A_735 = arith.constant 11 : i32
    %dma_wait3A_736 = arith.constant 1 : i32
    %dma_wait3A_737 = arith.constant 1 : i32
    %dma_wait3A_738 = arith.constant 0 : i32
    %dma_wait3A_739 = arith.constant 0 : i32
    %dma_wait3A_740 = tpu.memref_slice %arg6[%dma_wait3A_736, %dma_wait3A_738, %dma_wait3A_739] : memref<2x128x128xf32, #tpu.memory_space<vmem>> -> memref<1x128x128xf32, #tpu.memory_space<vmem>>
    %dma_wait3A_741 = tpu.memref_squeeze %dma_wait3A_740 : memref<1x128x128xf32, #tpu.memory_space<vmem>> -> memref<128x128xf32, #tpu.memory_space<vmem>>
    %dma_wait3A_742 = arith.constant 0 : i32
    %dma_wait3A_743 = tpu.memref_slice %arg5[%dma_wait3A_735, %dma_wait3A_742] : memref<20x128xi32, #tpu.memory_space<vmem>> -> memref<1x128xi32, #tpu.memory_space<vmem>>
    %dma_wait3A_744 = tpu.memref_squeeze %dma_wait3A_743 : memref<1x128xi32, #tpu.memory_space<vmem>> -> memref<128xi32, #tpu.memory_space<vmem>>
    %dma_wait3A_745 = arith.constant 0 : i32
    %dma_wait3A_746 = arith.constant 0 : i32
    %dma_wait3A_747 = tpu.memref_slice %arg3[%dma_wait3A_745, %dma_wait3A_746] : memref<500480x128xf32, #tpu.memory_space<hbm>> -> memref<500480x128xf32, #tpu.memory_space<hbm>>
    %dma_wait3A_748 = tpu.memref_slice %arg7[%dma_wait3A_737] : memref<2x!tpu.dma_semaphore, #tpu.memory_space<semaphore_mem>> -> memref<1x!tpu.dma_semaphore, #tpu.memory_space<semaphore_mem>>
    %dma_wait3A_749 = tpu.memref_squeeze %dma_wait3A_748 : memref<1x!tpu.dma_semaphore, #tpu.memory_space<semaphore_mem>> -> memref<!tpu.dma_semaphore, #tpu.memory_space<semaphore_mem>>
    tpu.wait_indirect_dma semaphore(%dma_wait3A_749 : memref<!tpu.dma_semaphore, #tpu.memory_space<semaphore_mem>>) src(%dma_wait3A_747 : memref<500480x128xf32, #tpu.memory_space<hbm>>) dst(%dma_wait3A_741 : memref<128x128xf32, #tpu.memory_space<vmem>>)
    %add3A_750 = arith.constant 1408 : i32
    %add3A_751 = arith.addi %mul3A_2, %add3A_750 : i32
    %dma_start3A_752 = arith.constant 1 : i32
    %dma_start3A_753 = arith.constant 1 : i32
    %dma_start3A_754 = arith.constant 0 : i32
    %dma_start3A_755 = arith.constant 0 : i32
    %dma_start3A_756 = tpu.memref_slice %arg6[%dma_start3A_752, %dma_start3A_754, %dma_start3A_755] : memref<2x128x128xf32, #tpu.memory_space<vmem>> -> memref<1x128x128xf32, #tpu.memory_space<vmem>>
    %dma_start3A_757 = tpu.memref_squeeze %dma_start3A_756 : memref<1x128x128xf32, #tpu.memory_space<vmem>> -> memref<128x128xf32, #tpu.memory_space<vmem>>
    %dma_start3A_758 = arith.constant 0 : i32
    %dma_start3A_759 = tpu.memref_slice %arg4[%add3A_751, %dma_start3A_758] : memref<81920x128xf32, #tpu.memory_space<hbm>> -> memref<128x128xf32, #tpu.memory_space<hbm>>
    %dma_start3A_760 = tpu.memref_slice %arg8[%dma_start3A_753] : memref<2x!tpu.dma_semaphore, #tpu.memory_space<semaphore_mem>> -> memref<1x!tpu.dma_semaphore, #tpu.memory_space<semaphore_mem>>
    %dma_start3A_761 = tpu.memref_squeeze %dma_start3A_760 : memref<1x!tpu.dma_semaphore, #tpu.memory_space<semaphore_mem>> -> memref<!tpu.dma_semaphore, #tpu.memory_space<semaphore_mem>>
    %dma_start3A_762 = arith.constant 0 : i32
    %dma_start3A_763 = tpu.memref_slice %arg4[%add3A_751, %dma_start3A_762] : memref<81920x128xf32, #tpu.memory_space<hbm>> -> memref<128x128xf32, #tpu.memory_space<hbm>>
    %dma_start3A_764 = arith.constant 0 : i32
    %dma_start3A_765 = arith.constant 0 : i32
    %dma_start3A_766 = tpu.memref_slice %arg6[%dma_start3A_752, %dma_start3A_764, %dma_start3A_765] : memref<2x128x128xf32, #tpu.memory_space<vmem>> -> memref<1x128x128xf32, #tpu.memory_space<vmem>>
    %dma_start3A_767 = tpu.memref_squeeze %dma_start3A_766 : memref<1x128x128xf32, #tpu.memory_space<vmem>> -> memref<128x128xf32, #tpu.memory_space<vmem>>
    tpu.enqueue_dma source(%dma_start3A_767 : memref<128x128xf32, #tpu.memory_space<vmem>>) target(%dma_start3A_763 : memref<128x128xf32, #tpu.memory_space<hbm>>) target_semaphore(%dma_start3A_761 : memref<!tpu.dma_semaphore, #tpu.memory_space<semaphore_mem>>)
    %dma_wait3A_768 = arith.constant 1 : i32
    %dma_wait3A_769 = arith.constant 1 : i32
    %dma_wait3A_770 = arith.constant 0 : i32
    %dma_wait3A_771 = arith.constant 0 : i32
    %dma_wait3A_772 = tpu.memref_slice %arg6[%dma_wait3A_768, %dma_wait3A_770, %dma_wait3A_771] : memref<2x128x128xf32, #tpu.memory_space<vmem>> -> memref<1x128x128xf32, #tpu.memory_space<vmem>>
    %dma_wait3A_773 = tpu.memref_squeeze %dma_wait3A_772 : memref<1x128x128xf32, #tpu.memory_space<vmem>> -> memref<128x128xf32, #tpu.memory_space<vmem>>
    %dma_wait3A_774 = arith.constant 0 : i32
    %dma_wait3A_775 = tpu.memref_slice %arg4[%add3A_751, %dma_wait3A_774] : memref<81920x128xf32, #tpu.memory_space<hbm>> -> memref<128x128xf32, #tpu.memory_space<hbm>>
    %dma_wait3A_776 = tpu.memref_slice %arg8[%dma_wait3A_769] : memref<2x!tpu.dma_semaphore, #tpu.memory_space<semaphore_mem>> -> memref<1x!tpu.dma_semaphore, #tpu.memory_space<semaphore_mem>>
    %dma_wait3A_777 = tpu.memref_squeeze %dma_wait3A_776 : memref<1x!tpu.dma_semaphore, #tpu.memory_space<semaphore_mem>> -> memref<!tpu.dma_semaphore, #tpu.memory_space<semaphore_mem>>
    %dma_wait3A_778 = arith.constant 0 : i32
    %dma_wait3A_779 = tpu.memref_slice %arg4[%add3A_751, %dma_wait3A_778] : memref<81920x128xf32, #tpu.memory_space<hbm>> -> memref<128x128xf32, #tpu.memory_space<hbm>>
    %dma_wait3A_780 = arith.constant 0 : i32
    %dma_wait3A_781 = arith.constant 0 : i32
    %dma_wait3A_782 = tpu.memref_slice %arg6[%dma_wait3A_768, %dma_wait3A_780, %dma_wait3A_781] : memref<2x128x128xf32, #tpu.memory_space<vmem>> -> memref<1x128x128xf32, #tpu.memory_space<vmem>>
    %dma_wait3A_783 = tpu.memref_squeeze %dma_wait3A_782 : memref<1x128x128xf32, #tpu.memory_space<vmem>> -> memref<128x128xf32, #tpu.memory_space<vmem>>
    tpu.wait_dma2 semaphore(%dma_wait3A_777 : memref<!tpu.dma_semaphore, #tpu.memory_space<semaphore_mem>>) src(%dma_wait3A_783 : memref<128x128xf32, #tpu.memory_space<vmem>>) dst(%dma_wait3A_779 : memref<128x128xf32, #tpu.memory_space<hbm>>)
    %dma_start3A_784 = arith.constant 13 : i32
    %dma_start3A_785 = arith.constant 1 : i32
    %dma_start3A_786 = arith.constant 1 : i32
    %dma_start3A_787 = arith.constant 0 : i32
    %dma_start3A_788 = arith.constant 0 : i32
    %dma_start3A_789 = tpu.memref_slice %arg6[%dma_start3A_785, %dma_start3A_787, %dma_start3A_788] : memref<2x128x128xf32, #tpu.memory_space<vmem>> -> memref<1x128x128xf32, #tpu.memory_space<vmem>>
    %dma_start3A_790 = tpu.memref_squeeze %dma_start3A_789 : memref<1x128x128xf32, #tpu.memory_space<vmem>> -> memref<128x128xf32, #tpu.memory_space<vmem>>
    %dma_start3A_791 = arith.constant 0 : i32
    %dma_start3A_792 = tpu.memref_slice %arg5[%dma_start3A_784, %dma_start3A_791] : memref<20x128xi32, #tpu.memory_space<vmem>> -> memref<1x128xi32, #tpu.memory_space<vmem>>
    %dma_start3A_793 = tpu.memref_squeeze %dma_start3A_792 : memref<1x128xi32, #tpu.memory_space<vmem>> -> memref<128xi32, #tpu.memory_space<vmem>>
    %dma_start3A_794 = arith.constant 0 : i32
    %dma_start3A_795 = arith.constant 0 : i32
    %dma_start3A_796 = tpu.memref_slice %arg3[%dma_start3A_794, %dma_start3A_795] : memref<500480x128xf32, #tpu.memory_space<hbm>> -> memref<500480x128xf32, #tpu.memory_space<hbm>>
    %dma_start3A_797 = tpu.memref_slice %arg7[%dma_start3A_786] : memref<2x!tpu.dma_semaphore, #tpu.memory_space<semaphore_mem>> -> memref<1x!tpu.dma_semaphore, #tpu.memory_space<semaphore_mem>>
    %dma_start3A_798 = tpu.memref_squeeze %dma_start3A_797 : memref<1x!tpu.dma_semaphore, #tpu.memory_space<semaphore_mem>> -> memref<!tpu.dma_semaphore, #tpu.memory_space<semaphore_mem>>
    tpu.enqueue_indirect_dma source(%dma_start3A_796 : memref<500480x128xf32, #tpu.memory_space<hbm>>) target(%dma_start3A_790 : memref<128x128xf32, #tpu.memory_space<vmem>>) offsets(%dma_start3A_793 : memref<128xi32, #tpu.memory_space<vmem>>) semaphore(%dma_start3A_798 : memref<!tpu.dma_semaphore, #tpu.memory_space<semaphore_mem>>)
    %dma_wait3A_799 = arith.constant 12 : i32
    %dma_wait3A_800 = arith.constant 0 : i32
    %dma_wait3A_801 = arith.constant 0 : i32
    %dma_wait3A_802 = arith.constant 0 : i32
    %dma_wait3A_803 = arith.constant 0 : i32
    %dma_wait3A_804 = tpu.memref_slice %arg6[%dma_wait3A_800, %dma_wait3A_802, %dma_wait3A_803] : memref<2x128x128xf32, #tpu.memory_space<vmem>> -> memref<1x128x128xf32, #tpu.memory_space<vmem>>
    %dma_wait3A_805 = tpu.memref_squeeze %dma_wait3A_804 : memref<1x128x128xf32, #tpu.memory_space<vmem>> -> memref<128x128xf32, #tpu.memory_space<vmem>>
    %dma_wait3A_806 = arith.constant 0 : i32
    %dma_wait3A_807 = tpu.memref_slice %arg5[%dma_wait3A_799, %dma_wait3A_806] : memref<20x128xi32, #tpu.memory_space<vmem>> -> memref<1x128xi32, #tpu.memory_space<vmem>>
    %dma_wait3A_808 = tpu.memref_squeeze %dma_wait3A_807 : memref<1x128xi32, #tpu.memory_space<vmem>> -> memref<128xi32, #tpu.memory_space<vmem>>
    %dma_wait3A_809 = arith.constant 0 : i32
    %dma_wait3A_810 = arith.constant 0 : i32
    %dma_wait3A_811 = tpu.memref_slice %arg3[%dma_wait3A_809, %dma_wait3A_810] : memref<500480x128xf32, #tpu.memory_space<hbm>> -> memref<500480x128xf32, #tpu.memory_space<hbm>>
    %dma_wait3A_812 = tpu.memref_slice %arg7[%dma_wait3A_801] : memref<2x!tpu.dma_semaphore, #tpu.memory_space<semaphore_mem>> -> memref<1x!tpu.dma_semaphore, #tpu.memory_space<semaphore_mem>>
    %dma_wait3A_813 = tpu.memref_squeeze %dma_wait3A_812 : memref<1x!tpu.dma_semaphore, #tpu.memory_space<semaphore_mem>> -> memref<!tpu.dma_semaphore, #tpu.memory_space<semaphore_mem>>
    tpu.wait_indirect_dma semaphore(%dma_wait3A_813 : memref<!tpu.dma_semaphore, #tpu.memory_space<semaphore_mem>>) src(%dma_wait3A_811 : memref<500480x128xf32, #tpu.memory_space<hbm>>) dst(%dma_wait3A_805 : memref<128x128xf32, #tpu.memory_space<vmem>>)
    %add3A_814 = arith.constant 1536 : i32
    %add3A_815 = arith.addi %mul3A_2, %add3A_814 : i32
    %dma_start3A_816 = arith.constant 0 : i32
    %dma_start3A_817 = arith.constant 0 : i32
    %dma_start3A_818 = arith.constant 0 : i32
    %dma_start3A_819 = arith.constant 0 : i32
    %dma_start3A_820 = tpu.memref_slice %arg6[%dma_start3A_816, %dma_start3A_818, %dma_start3A_819] : memref<2x128x128xf32, #tpu.memory_space<vmem>> -> memref<1x128x128xf32, #tpu.memory_space<vmem>>
    %dma_start3A_821 = tpu.memref_squeeze %dma_start3A_820 : memref<1x128x128xf32, #tpu.memory_space<vmem>> -> memref<128x128xf32, #tpu.memory_space<vmem>>
    %dma_start3A_822 = arith.constant 0 : i32
    %dma_start3A_823 = tpu.memref_slice %arg4[%add3A_815, %dma_start3A_822] : memref<81920x128xf32, #tpu.memory_space<hbm>> -> memref<128x128xf32, #tpu.memory_space<hbm>>
    %dma_start3A_824 = tpu.memref_slice %arg8[%dma_start3A_817] : memref<2x!tpu.dma_semaphore, #tpu.memory_space<semaphore_mem>> -> memref<1x!tpu.dma_semaphore, #tpu.memory_space<semaphore_mem>>
    %dma_start3A_825 = tpu.memref_squeeze %dma_start3A_824 : memref<1x!tpu.dma_semaphore, #tpu.memory_space<semaphore_mem>> -> memref<!tpu.dma_semaphore, #tpu.memory_space<semaphore_mem>>
    %dma_start3A_826 = arith.constant 0 : i32
    %dma_start3A_827 = tpu.memref_slice %arg4[%add3A_815, %dma_start3A_826] : memref<81920x128xf32, #tpu.memory_space<hbm>> -> memref<128x128xf32, #tpu.memory_space<hbm>>
    %dma_start3A_828 = arith.constant 0 : i32
    %dma_start3A_829 = arith.constant 0 : i32
    %dma_start3A_830 = tpu.memref_slice %arg6[%dma_start3A_816, %dma_start3A_828, %dma_start3A_829] : memref<2x128x128xf32, #tpu.memory_space<vmem>> -> memref<1x128x128xf32, #tpu.memory_space<vmem>>
    %dma_start3A_831 = tpu.memref_squeeze %dma_start3A_830 : memref<1x128x128xf32, #tpu.memory_space<vmem>> -> memref<128x128xf32, #tpu.memory_space<vmem>>
    tpu.enqueue_dma source(%dma_start3A_831 : memref<128x128xf32, #tpu.memory_space<vmem>>) target(%dma_start3A_827 : memref<128x128xf32, #tpu.memory_space<hbm>>) target_semaphore(%dma_start3A_825 : memref<!tpu.dma_semaphore, #tpu.memory_space<semaphore_mem>>)
    %dma_wait3A_832 = arith.constant 0 : i32
    %dma_wait3A_833 = arith.constant 0 : i32
    %dma_wait3A_834 = arith.constant 0 : i32
    %dma_wait3A_835 = arith.constant 0 : i32
    %dma_wait3A_836 = tpu.memref_slice %arg6[%dma_wait3A_832, %dma_wait3A_834, %dma_wait3A_835] : memref<2x128x128xf32, #tpu.memory_space<vmem>> -> memref<1x128x128xf32, #tpu.memory_space<vmem>>
    %dma_wait3A_837 = tpu.memref_squeeze %dma_wait3A_836 : memref<1x128x128xf32, #tpu.memory_space<vmem>> -> memref<128x128xf32, #tpu.memory_space<vmem>>
    %dma_wait3A_838 = arith.constant 0 : i32
    %dma_wait3A_839 = tpu.memref_slice %arg4[%add3A_815, %dma_wait3A_838] : memref<81920x128xf32, #tpu.memory_space<hbm>> -> memref<128x128xf32, #tpu.memory_space<hbm>>
    %dma_wait3A_840 = tpu.memref_slice %arg8[%dma_wait3A_833] : memref<2x!tpu.dma_semaphore, #tpu.memory_space<semaphore_mem>> -> memref<1x!tpu.dma_semaphore, #tpu.memory_space<semaphore_mem>>
    %dma_wait3A_841 = tpu.memref_squeeze %dma_wait3A_840 : memref<1x!tpu.dma_semaphore, #tpu.memory_space<semaphore_mem>> -> memref<!tpu.dma_semaphore, #tpu.memory_space<semaphore_mem>>
    %dma_wait3A_842 = arith.constant 0 : i32
    %dma_wait3A_843 = tpu.memref_slice %arg4[%add3A_815, %dma_wait3A_842] : memref<81920x128xf32, #tpu.memory_space<hbm>> -> memref<128x128xf32, #tpu.memory_space<hbm>>
    %dma_wait3A_844 = arith.constant 0 : i32
    %dma_wait3A_845 = arith.constant 0 : i32
    %dma_wait3A_846 = tpu.memref_slice %arg6[%dma_wait3A_832, %dma_wait3A_844, %dma_wait3A_845] : memref<2x128x128xf32, #tpu.memory_space<vmem>> -> memref<1x128x128xf32, #tpu.memory_space<vmem>>
    %dma_wait3A_847 = tpu.memref_squeeze %dma_wait3A_846 : memref<1x128x128xf32, #tpu.memory_space<vmem>> -> memref<128x128xf32, #tpu.memory_space<vmem>>
    tpu.wait_dma2 semaphore(%dma_wait3A_841 : memref<!tpu.dma_semaphore, #tpu.memory_space<semaphore_mem>>) src(%dma_wait3A_847 : memref<128x128xf32, #tpu.memory_space<vmem>>) dst(%dma_wait3A_843 : memref<128x128xf32, #tpu.memory_space<hbm>>)
    %dma_start3A_848 = arith.constant 14 : i32
    %dma_start3A_849 = arith.constant 0 : i32
    %dma_start3A_850 = arith.constant 0 : i32
    %dma_start3A_851 = arith.constant 0 : i32
    %dma_start3A_852 = arith.constant 0 : i32
    %dma_start3A_853 = tpu.memref_slice %arg6[%dma_start3A_849, %dma_start3A_851, %dma_start3A_852] : memref<2x128x128xf32, #tpu.memory_space<vmem>> -> memref<1x128x128xf32, #tpu.memory_space<vmem>>
    %dma_start3A_854 = tpu.memref_squeeze %dma_start3A_853 : memref<1x128x128xf32, #tpu.memory_space<vmem>> -> memref<128x128xf32, #tpu.memory_space<vmem>>
    %dma_start3A_855 = arith.constant 0 : i32
    %dma_start3A_856 = tpu.memref_slice %arg5[%dma_start3A_848, %dma_start3A_855] : memref<20x128xi32, #tpu.memory_space<vmem>> -> memref<1x128xi32, #tpu.memory_space<vmem>>
    %dma_start3A_857 = tpu.memref_squeeze %dma_start3A_856 : memref<1x128xi32, #tpu.memory_space<vmem>> -> memref<128xi32, #tpu.memory_space<vmem>>
    %dma_start3A_858 = arith.constant 0 : i32
    %dma_start3A_859 = arith.constant 0 : i32
    %dma_start3A_860 = tpu.memref_slice %arg3[%dma_start3A_858, %dma_start3A_859] : memref<500480x128xf32, #tpu.memory_space<hbm>> -> memref<500480x128xf32, #tpu.memory_space<hbm>>
    %dma_start3A_861 = tpu.memref_slice %arg7[%dma_start3A_850] : memref<2x!tpu.dma_semaphore, #tpu.memory_space<semaphore_mem>> -> memref<1x!tpu.dma_semaphore, #tpu.memory_space<semaphore_mem>>
    %dma_start3A_862 = tpu.memref_squeeze %dma_start3A_861 : memref<1x!tpu.dma_semaphore, #tpu.memory_space<semaphore_mem>> -> memref<!tpu.dma_semaphore, #tpu.memory_space<semaphore_mem>>
    tpu.enqueue_indirect_dma source(%dma_start3A_860 : memref<500480x128xf32, #tpu.memory_space<hbm>>) target(%dma_start3A_854 : memref<128x128xf32, #tpu.memory_space<vmem>>) offsets(%dma_start3A_857 : memref<128xi32, #tpu.memory_space<vmem>>) semaphore(%dma_start3A_862 : memref<!tpu.dma_semaphore, #tpu.memory_space<semaphore_mem>>)
    %dma_wait3A_863 = arith.constant 13 : i32
    %dma_wait3A_864 = arith.constant 1 : i32
    %dma_wait3A_865 = arith.constant 1 : i32
    %dma_wait3A_866 = arith.constant 0 : i32
    %dma_wait3A_867 = arith.constant 0 : i32
    %dma_wait3A_868 = tpu.memref_slice %arg6[%dma_wait3A_864, %dma_wait3A_866, %dma_wait3A_867] : memref<2x128x128xf32, #tpu.memory_space<vmem>> -> memref<1x128x128xf32, #tpu.memory_space<vmem>>
    %dma_wait3A_869 = tpu.memref_squeeze %dma_wait3A_868 : memref<1x128x128xf32, #tpu.memory_space<vmem>> -> memref<128x128xf32, #tpu.memory_space<vmem>>
    %dma_wait3A_870 = arith.constant 0 : i32
    %dma_wait3A_871 = tpu.memref_slice %arg5[%dma_wait3A_863, %dma_wait3A_870] : memref<20x128xi32, #tpu.memory_space<vmem>> -> memref<1x128xi32, #tpu.memory_space<vmem>>
    %dma_wait3A_872 = tpu.memref_squeeze %dma_wait3A_871 : memref<1x128xi32, #tpu.memory_space<vmem>> -> memref<128xi32, #tpu.memory_space<vmem>>
    %dma_wait3A_873 = arith.constant 0 : i32
    %dma_wait3A_874 = arith.constant 0 : i32
    %dma_wait3A_875 = tpu.memref_slice %arg3[%dma_wait3A_873, %dma_wait3A_874] : memref<500480x128xf32, #tpu.memory_space<hbm>> -> memref<500480x128xf32, #tpu.memory_space<hbm>>
    %dma_wait3A_876 = tpu.memref_slice %arg7[%dma_wait3A_865] : memref<2x!tpu.dma_semaphore, #tpu.memory_space<semaphore_mem>> -> memref<1x!tpu.dma_semaphore, #tpu.memory_space<semaphore_mem>>
    %dma_wait3A_877 = tpu.memref_squeeze %dma_wait3A_876 : memref<1x!tpu.dma_semaphore, #tpu.memory_space<semaphore_mem>> -> memref<!tpu.dma_semaphore, #tpu.memory_space<semaphore_mem>>
    tpu.wait_indirect_dma semaphore(%dma_wait3A_877 : memref<!tpu.dma_semaphore, #tpu.memory_space<semaphore_mem>>) src(%dma_wait3A_875 : memref<500480x128xf32, #tpu.memory_space<hbm>>) dst(%dma_wait3A_869 : memref<128x128xf32, #tpu.memory_space<vmem>>)
    %add3A_878 = arith.constant 1664 : i32
    %add3A_879 = arith.addi %mul3A_2, %add3A_878 : i32
    %dma_start3A_880 = arith.constant 1 : i32
    %dma_start3A_881 = arith.constant 1 : i32
    %dma_start3A_882 = arith.constant 0 : i32
    %dma_start3A_883 = arith.constant 0 : i32
    %dma_start3A_884 = tpu.memref_slice %arg6[%dma_start3A_880, %dma_start3A_882, %dma_start3A_883] : memref<2x128x128xf32, #tpu.memory_space<vmem>> -> memref<1x128x128xf32, #tpu.memory_space<vmem>>
    %dma_start3A_885 = tpu.memref_squeeze %dma_start3A_884 : memref<1x128x128xf32, #tpu.memory_space<vmem>> -> memref<128x128xf32, #tpu.memory_space<vmem>>
    %dma_start3A_886 = arith.constant 0 : i32
    %dma_start3A_887 = tpu.memref_slice %arg4[%add3A_879, %dma_start3A_886] : memref<81920x128xf32, #tpu.memory_space<hbm>> -> memref<128x128xf32, #tpu.memory_space<hbm>>
    %dma_start3A_888 = tpu.memref_slice %arg8[%dma_start3A_881] : memref<2x!tpu.dma_semaphore, #tpu.memory_space<semaphore_mem>> -> memref<1x!tpu.dma_semaphore, #tpu.memory_space<semaphore_mem>>
    %dma_start3A_889 = tpu.memref_squeeze %dma_start3A_888 : memref<1x!tpu.dma_semaphore, #tpu.memory_space<semaphore_mem>> -> memref<!tpu.dma_semaphore, #tpu.memory_space<semaphore_mem>>
    %dma_start3A_890 = arith.constant 0 : i32
    %dma_start3A_891 = tpu.memref_slice %arg4[%add3A_879, %dma_start3A_890] : memref<81920x128xf32, #tpu.memory_space<hbm>> -> memref<128x128xf32, #tpu.memory_space<hbm>>
    %dma_start3A_892 = arith.constant 0 : i32
    %dma_start3A_893 = arith.constant 0 : i32
    %dma_start3A_894 = tpu.memref_slice %arg6[%dma_start3A_880, %dma_start3A_892, %dma_start3A_893] : memref<2x128x128xf32, #tpu.memory_space<vmem>> -> memref<1x128x128xf32, #tpu.memory_space<vmem>>
    %dma_start3A_895 = tpu.memref_squeeze %dma_start3A_894 : memref<1x128x128xf32, #tpu.memory_space<vmem>> -> memref<128x128xf32, #tpu.memory_space<vmem>>
    tpu.enqueue_dma source(%dma_start3A_895 : memref<128x128xf32, #tpu.memory_space<vmem>>) target(%dma_start3A_891 : memref<128x128xf32, #tpu.memory_space<hbm>>) target_semaphore(%dma_start3A_889 : memref<!tpu.dma_semaphore, #tpu.memory_space<semaphore_mem>>)
    %dma_wait3A_896 = arith.constant 1 : i32
    %dma_wait3A_897 = arith.constant 1 : i32
    %dma_wait3A_898 = arith.constant 0 : i32
    %dma_wait3A_899 = arith.constant 0 : i32
    %dma_wait3A_900 = tpu.memref_slice %arg6[%dma_wait3A_896, %dma_wait3A_898, %dma_wait3A_899] : memref<2x128x128xf32, #tpu.memory_space<vmem>> -> memref<1x128x128xf32, #tpu.memory_space<vmem>>
    %dma_wait3A_901 = tpu.memref_squeeze %dma_wait3A_900 : memref<1x128x128xf32, #tpu.memory_space<vmem>> -> memref<128x128xf32, #tpu.memory_space<vmem>>
    %dma_wait3A_902 = arith.constant 0 : i32
    %dma_wait3A_903 = tpu.memref_slice %arg4[%add3A_879, %dma_wait3A_902] : memref<81920x128xf32, #tpu.memory_space<hbm>> -> memref<128x128xf32, #tpu.memory_space<hbm>>
    %dma_wait3A_904 = tpu.memref_slice %arg8[%dma_wait3A_897] : memref<2x!tpu.dma_semaphore, #tpu.memory_space<semaphore_mem>> -> memref<1x!tpu.dma_semaphore, #tpu.memory_space<semaphore_mem>>
    %dma_wait3A_905 = tpu.memref_squeeze %dma_wait3A_904 : memref<1x!tpu.dma_semaphore, #tpu.memory_space<semaphore_mem>> -> memref<!tpu.dma_semaphore, #tpu.memory_space<semaphore_mem>>
    %dma_wait3A_906 = arith.constant 0 : i32
    %dma_wait3A_907 = tpu.memref_slice %arg4[%add3A_879, %dma_wait3A_906] : memref<81920x128xf32, #tpu.memory_space<hbm>> -> memref<128x128xf32, #tpu.memory_space<hbm>>
    %dma_wait3A_908 = arith.constant 0 : i32
    %dma_wait3A_909 = arith.constant 0 : i32
    %dma_wait3A_910 = tpu.memref_slice %arg6[%dma_wait3A_896, %dma_wait3A_908, %dma_wait3A_909] : memref<2x128x128xf32, #tpu.memory_space<vmem>> -> memref<1x128x128xf32, #tpu.memory_space<vmem>>
    %dma_wait3A_911 = tpu.memref_squeeze %dma_wait3A_910 : memref<1x128x128xf32, #tpu.memory_space<vmem>> -> memref<128x128xf32, #tpu.memory_space<vmem>>
    tpu.wait_dma2 semaphore(%dma_wait3A_905 : memref<!tpu.dma_semaphore, #tpu.memory_space<semaphore_mem>>) src(%dma_wait3A_911 : memref<128x128xf32, #tpu.memory_space<vmem>>) dst(%dma_wait3A_907 : memref<128x128xf32, #tpu.memory_space<hbm>>)
    %dma_start3A_912 = arith.constant 15 : i32
    %dma_start3A_913 = arith.constant 1 : i32
    %dma_start3A_914 = arith.constant 1 : i32
    %dma_start3A_915 = arith.constant 0 : i32
    %dma_start3A_916 = arith.constant 0 : i32
    %dma_start3A_917 = tpu.memref_slice %arg6[%dma_start3A_913, %dma_start3A_915, %dma_start3A_916] : memref<2x128x128xf32, #tpu.memory_space<vmem>> -> memref<1x128x128xf32, #tpu.memory_space<vmem>>
    %dma_start3A_918 = tpu.memref_squeeze %dma_start3A_917 : memref<1x128x128xf32, #tpu.memory_space<vmem>> -> memref<128x128xf32, #tpu.memory_space<vmem>>
    %dma_start3A_919 = arith.constant 0 : i32
    %dma_start3A_920 = tpu.memref_slice %arg5[%dma_start3A_912, %dma_start3A_919] : memref<20x128xi32, #tpu.memory_space<vmem>> -> memref<1x128xi32, #tpu.memory_space<vmem>>
    %dma_start3A_921 = tpu.memref_squeeze %dma_start3A_920 : memref<1x128xi32, #tpu.memory_space<vmem>> -> memref<128xi32, #tpu.memory_space<vmem>>
    %dma_start3A_922 = arith.constant 0 : i32
    %dma_start3A_923 = arith.constant 0 : i32
    %dma_start3A_924 = tpu.memref_slice %arg3[%dma_start3A_922, %dma_start3A_923] : memref<500480x128xf32, #tpu.memory_space<hbm>> -> memref<500480x128xf32, #tpu.memory_space<hbm>>
    %dma_start3A_925 = tpu.memref_slice %arg7[%dma_start3A_914] : memref<2x!tpu.dma_semaphore, #tpu.memory_space<semaphore_mem>> -> memref<1x!tpu.dma_semaphore, #tpu.memory_space<semaphore_mem>>
    %dma_start3A_926 = tpu.memref_squeeze %dma_start3A_925 : memref<1x!tpu.dma_semaphore, #tpu.memory_space<semaphore_mem>> -> memref<!tpu.dma_semaphore, #tpu.memory_space<semaphore_mem>>
    tpu.enqueue_indirect_dma source(%dma_start3A_924 : memref<500480x128xf32, #tpu.memory_space<hbm>>) target(%dma_start3A_918 : memref<128x128xf32, #tpu.memory_space<vmem>>) offsets(%dma_start3A_921 : memref<128xi32, #tpu.memory_space<vmem>>) semaphore(%dma_start3A_926 : memref<!tpu.dma_semaphore, #tpu.memory_space<semaphore_mem>>)
    %dma_wait3A_927 = arith.constant 14 : i32
    %dma_wait3A_928 = arith.constant 0 : i32
    %dma_wait3A_929 = arith.constant 0 : i32
    %dma_wait3A_930 = arith.constant 0 : i32
    %dma_wait3A_931 = arith.constant 0 : i32
    %dma_wait3A_932 = tpu.memref_slice %arg6[%dma_wait3A_928, %dma_wait3A_930, %dma_wait3A_931] : memref<2x128x128xf32, #tpu.memory_space<vmem>> -> memref<1x128x128xf32, #tpu.memory_space<vmem>>
    %dma_wait3A_933 = tpu.memref_squeeze %dma_wait3A_932 : memref<1x128x128xf32, #tpu.memory_space<vmem>> -> memref<128x128xf32, #tpu.memory_space<vmem>>
    %dma_wait3A_934 = arith.constant 0 : i32
    %dma_wait3A_935 = tpu.memref_slice %arg5[%dma_wait3A_927, %dma_wait3A_934] : memref<20x128xi32, #tpu.memory_space<vmem>> -> memref<1x128xi32, #tpu.memory_space<vmem>>
    %dma_wait3A_936 = tpu.memref_squeeze %dma_wait3A_935 : memref<1x128xi32, #tpu.memory_space<vmem>> -> memref<128xi32, #tpu.memory_space<vmem>>
    %dma_wait3A_937 = arith.constant 0 : i32
    %dma_wait3A_938 = arith.constant 0 : i32
    %dma_wait3A_939 = tpu.memref_slice %arg3[%dma_wait3A_937, %dma_wait3A_938] : memref<500480x128xf32, #tpu.memory_space<hbm>> -> memref<500480x128xf32, #tpu.memory_space<hbm>>
    %dma_wait3A_940 = tpu.memref_slice %arg7[%dma_wait3A_929] : memref<2x!tpu.dma_semaphore, #tpu.memory_space<semaphore_mem>> -> memref<1x!tpu.dma_semaphore, #tpu.memory_space<semaphore_mem>>
    %dma_wait3A_941 = tpu.memref_squeeze %dma_wait3A_940 : memref<1x!tpu.dma_semaphore, #tpu.memory_space<semaphore_mem>> -> memref<!tpu.dma_semaphore, #tpu.memory_space<semaphore_mem>>
    tpu.wait_indirect_dma semaphore(%dma_wait3A_941 : memref<!tpu.dma_semaphore, #tpu.memory_space<semaphore_mem>>) src(%dma_wait3A_939 : memref<500480x128xf32, #tpu.memory_space<hbm>>) dst(%dma_wait3A_933 : memref<128x128xf32, #tpu.memory_space<vmem>>)
    %add3A_942 = arith.constant 1792 : i32
    %add3A_943 = arith.addi %mul3A_2, %add3A_942 : i32
    %dma_start3A_944 = arith.constant 0 : i32
    %dma_start3A_945 = arith.constant 0 : i32
    %dma_start3A_946 = arith.constant 0 : i32
    %dma_start3A_947 = arith.constant 0 : i32
    %dma_start3A_948 = tpu.memref_slice %arg6[%dma_start3A_944, %dma_start3A_946, %dma_start3A_947] : memref<2x128x128xf32, #tpu.memory_space<vmem>> -> memref<1x128x128xf32, #tpu.memory_space<vmem>>
    %dma_start3A_949 = tpu.memref_squeeze %dma_start3A_948 : memref<1x128x128xf32, #tpu.memory_space<vmem>> -> memref<128x128xf32, #tpu.memory_space<vmem>>
    %dma_start3A_950 = arith.constant 0 : i32
    %dma_start3A_951 = tpu.memref_slice %arg4[%add3A_943, %dma_start3A_950] : memref<81920x128xf32, #tpu.memory_space<hbm>> -> memref<128x128xf32, #tpu.memory_space<hbm>>
    %dma_start3A_952 = tpu.memref_slice %arg8[%dma_start3A_945] : memref<2x!tpu.dma_semaphore, #tpu.memory_space<semaphore_mem>> -> memref<1x!tpu.dma_semaphore, #tpu.memory_space<semaphore_mem>>
    %dma_start3A_953 = tpu.memref_squeeze %dma_start3A_952 : memref<1x!tpu.dma_semaphore, #tpu.memory_space<semaphore_mem>> -> memref<!tpu.dma_semaphore, #tpu.memory_space<semaphore_mem>>
    %dma_start3A_954 = arith.constant 0 : i32
    %dma_start3A_955 = tpu.memref_slice %arg4[%add3A_943, %dma_start3A_954] : memref<81920x128xf32, #tpu.memory_space<hbm>> -> memref<128x128xf32, #tpu.memory_space<hbm>>
    %dma_start3A_956 = arith.constant 0 : i32
    %dma_start3A_957 = arith.constant 0 : i32
    %dma_start3A_958 = tpu.memref_slice %arg6[%dma_start3A_944, %dma_start3A_956, %dma_start3A_957] : memref<2x128x128xf32, #tpu.memory_space<vmem>> -> memref<1x128x128xf32, #tpu.memory_space<vmem>>
    %dma_start3A_959 = tpu.memref_squeeze %dma_start3A_958 : memref<1x128x128xf32, #tpu.memory_space<vmem>> -> memref<128x128xf32, #tpu.memory_space<vmem>>
    tpu.enqueue_dma source(%dma_start3A_959 : memref<128x128xf32, #tpu.memory_space<vmem>>) target(%dma_start3A_955 : memref<128x128xf32, #tpu.memory_space<hbm>>) target_semaphore(%dma_start3A_953 : memref<!tpu.dma_semaphore, #tpu.memory_space<semaphore_mem>>)
    %dma_wait3A_960 = arith.constant 0 : i32
    %dma_wait3A_961 = arith.constant 0 : i32
    %dma_wait3A_962 = arith.constant 0 : i32
    %dma_wait3A_963 = arith.constant 0 : i32
    %dma_wait3A_964 = tpu.memref_slice %arg6[%dma_wait3A_960, %dma_wait3A_962, %dma_wait3A_963] : memref<2x128x128xf32, #tpu.memory_space<vmem>> -> memref<1x128x128xf32, #tpu.memory_space<vmem>>
    %dma_wait3A_965 = tpu.memref_squeeze %dma_wait3A_964 : memref<1x128x128xf32, #tpu.memory_space<vmem>> -> memref<128x128xf32, #tpu.memory_space<vmem>>
    %dma_wait3A_966 = arith.constant 0 : i32
    %dma_wait3A_967 = tpu.memref_slice %arg4[%add3A_943, %dma_wait3A_966] : memref<81920x128xf32, #tpu.memory_space<hbm>> -> memref<128x128xf32, #tpu.memory_space<hbm>>
    %dma_wait3A_968 = tpu.memref_slice %arg8[%dma_wait3A_961] : memref<2x!tpu.dma_semaphore, #tpu.memory_space<semaphore_mem>> -> memref<1x!tpu.dma_semaphore, #tpu.memory_space<semaphore_mem>>
    %dma_wait3A_969 = tpu.memref_squeeze %dma_wait3A_968 : memref<1x!tpu.dma_semaphore, #tpu.memory_space<semaphore_mem>> -> memref<!tpu.dma_semaphore, #tpu.memory_space<semaphore_mem>>
    %dma_wait3A_970 = arith.constant 0 : i32
    %dma_wait3A_971 = tpu.memref_slice %arg4[%add3A_943, %dma_wait3A_970] : memref<81920x128xf32, #tpu.memory_space<hbm>> -> memref<128x128xf32, #tpu.memory_space<hbm>>
    %dma_wait3A_972 = arith.constant 0 : i32
    %dma_wait3A_973 = arith.constant 0 : i32
    %dma_wait3A_974 = tpu.memref_slice %arg6[%dma_wait3A_960, %dma_wait3A_972, %dma_wait3A_973] : memref<2x128x128xf32, #tpu.memory_space<vmem>> -> memref<1x128x128xf32, #tpu.memory_space<vmem>>
    %dma_wait3A_975 = tpu.memref_squeeze %dma_wait3A_974 : memref<1x128x128xf32, #tpu.memory_space<vmem>> -> memref<128x128xf32, #tpu.memory_space<vmem>>
    tpu.wait_dma2 semaphore(%dma_wait3A_969 : memref<!tpu.dma_semaphore, #tpu.memory_space<semaphore_mem>>) src(%dma_wait3A_975 : memref<128x128xf32, #tpu.memory_space<vmem>>) dst(%dma_wait3A_971 : memref<128x128xf32, #tpu.memory_space<hbm>>)
    %dma_start3A_976 = arith.constant 16 : i32
    %dma_start3A_977 = arith.constant 0 : i32
    %dma_start3A_978 = arith.constant 0 : i32
    %dma_start3A_979 = arith.constant 0 : i32
    %dma_start3A_980 = arith.constant 0 : i32
    %dma_start3A_981 = tpu.memref_slice %arg6[%dma_start3A_977, %dma_start3A_979, %dma_start3A_980] : memref<2x128x128xf32, #tpu.memory_space<vmem>> -> memref<1x128x128xf32, #tpu.memory_space<vmem>>
    %dma_start3A_982 = tpu.memref_squeeze %dma_start3A_981 : memref<1x128x128xf32, #tpu.memory_space<vmem>> -> memref<128x128xf32, #tpu.memory_space<vmem>>
    %dma_start3A_983 = arith.constant 0 : i32
    %dma_start3A_984 = tpu.memref_slice %arg5[%dma_start3A_976, %dma_start3A_983] : memref<20x128xi32, #tpu.memory_space<vmem>> -> memref<1x128xi32, #tpu.memory_space<vmem>>
    %dma_start3A_985 = tpu.memref_squeeze %dma_start3A_984 : memref<1x128xi32, #tpu.memory_space<vmem>> -> memref<128xi32, #tpu.memory_space<vmem>>
    %dma_start3A_986 = arith.constant 0 : i32
    %dma_start3A_987 = arith.constant 0 : i32
    %dma_start3A_988 = tpu.memref_slice %arg3[%dma_start3A_986, %dma_start3A_987] : memref<500480x128xf32, #tpu.memory_space<hbm>> -> memref<500480x128xf32, #tpu.memory_space<hbm>>
    %dma_start3A_989 = tpu.memref_slice %arg7[%dma_start3A_978] : memref<2x!tpu.dma_semaphore, #tpu.memory_space<semaphore_mem>> -> memref<1x!tpu.dma_semaphore, #tpu.memory_space<semaphore_mem>>
    %dma_start3A_990 = tpu.memref_squeeze %dma_start3A_989 : memref<1x!tpu.dma_semaphore, #tpu.memory_space<semaphore_mem>> -> memref<!tpu.dma_semaphore, #tpu.memory_space<semaphore_mem>>
    tpu.enqueue_indirect_dma source(%dma_start3A_988 : memref<500480x128xf32, #tpu.memory_space<hbm>>) target(%dma_start3A_982 : memref<128x128xf32, #tpu.memory_space<vmem>>) offsets(%dma_start3A_985 : memref<128xi32, #tpu.memory_space<vmem>>) semaphore(%dma_start3A_990 : memref<!tpu.dma_semaphore, #tpu.memory_space<semaphore_mem>>)
    %dma_wait3A_991 = arith.constant 15 : i32
    %dma_wait3A_992 = arith.constant 1 : i32
    %dma_wait3A_993 = arith.constant 1 : i32
    %dma_wait3A_994 = arith.constant 0 : i32
    %dma_wait3A_995 = arith.constant 0 : i32
    %dma_wait3A_996 = tpu.memref_slice %arg6[%dma_wait3A_992, %dma_wait3A_994, %dma_wait3A_995] : memref<2x128x128xf32, #tpu.memory_space<vmem>> -> memref<1x128x128xf32, #tpu.memory_space<vmem>>
    %dma_wait3A_997 = tpu.memref_squeeze %dma_wait3A_996 : memref<1x128x128xf32, #tpu.memory_space<vmem>> -> memref<128x128xf32, #tpu.memory_space<vmem>>
    %dma_wait3A_998 = arith.constant 0 : i32
    %dma_wait3A_999 = tpu.memref_slice %arg5[%dma_wait3A_991, %dma_wait3A_998] : memref<20x128xi32, #tpu.memory_space<vmem>> -> memref<1x128xi32, #tpu.memory_space<vmem>>
    %dma_wait3A_1000 = tpu.memref_squeeze %dma_wait3A_999 : memref<1x128xi32, #tpu.memory_space<vmem>> -> memref<128xi32, #tpu.memory_space<vmem>>
    %dma_wait3A_1001 = arith.constant 0 : i32
    %dma_wait3A_1002 = arith.constant 0 : i32
    %dma_wait3A_1003 = tpu.memref_slice %arg3[%dma_wait3A_1001, %dma_wait3A_1002] : memref<500480x128xf32, #tpu.memory_space<hbm>> -> memref<500480x128xf32, #tpu.memory_space<hbm>>
    %dma_wait3A_1004 = tpu.memref_slice %arg7[%dma_wait3A_993] : memref<2x!tpu.dma_semaphore, #tpu.memory_space<semaphore_mem>> -> memref<1x!tpu.dma_semaphore, #tpu.memory_space<semaphore_mem>>
    %dma_wait3A_1005 = tpu.memref_squeeze %dma_wait3A_1004 : memref<1x!tpu.dma_semaphore, #tpu.memory_space<semaphore_mem>> -> memref<!tpu.dma_semaphore, #tpu.memory_space<semaphore_mem>>
    tpu.wait_indirect_dma semaphore(%dma_wait3A_1005 : memref<!tpu.dma_semaphore, #tpu.memory_space<semaphore_mem>>) src(%dma_wait3A_1003 : memref<500480x128xf32, #tpu.memory_space<hbm>>) dst(%dma_wait3A_997 : memref<128x128xf32, #tpu.memory_space<vmem>>)
    %add3A_1006 = arith.constant 1920 : i32
    %add3A_1007 = arith.addi %mul3A_2, %add3A_1006 : i32
    %dma_start3A_1008 = arith.constant 1 : i32
    %dma_start3A_1009 = arith.constant 1 : i32
    %dma_start3A_1010 = arith.constant 0 : i32
    %dma_start3A_1011 = arith.constant 0 : i32
    %dma_start3A_1012 = tpu.memref_slice %arg6[%dma_start3A_1008, %dma_start3A_1010, %dma_start3A_1011] : memref<2x128x128xf32, #tpu.memory_space<vmem>> -> memref<1x128x128xf32, #tpu.memory_space<vmem>>
    %dma_start3A_1013 = tpu.memref_squeeze %dma_start3A_1012 : memref<1x128x128xf32, #tpu.memory_space<vmem>> -> memref<128x128xf32, #tpu.memory_space<vmem>>
    %dma_start3A_1014 = arith.constant 0 : i32
    %dma_start3A_1015 = tpu.memref_slice %arg4[%add3A_1007, %dma_start3A_1014] : memref<81920x128xf32, #tpu.memory_space<hbm>> -> memref<128x128xf32, #tpu.memory_space<hbm>>
    %dma_start3A_1016 = tpu.memref_slice %arg8[%dma_start3A_1009] : memref<2x!tpu.dma_semaphore, #tpu.memory_space<semaphore_mem>> -> memref<1x!tpu.dma_semaphore, #tpu.memory_space<semaphore_mem>>
    %dma_start3A_1017 = tpu.memref_squeeze %dma_start3A_1016 : memref<1x!tpu.dma_semaphore, #tpu.memory_space<semaphore_mem>> -> memref<!tpu.dma_semaphore, #tpu.memory_space<semaphore_mem>>
    %dma_start3A_1018 = arith.constant 0 : i32
    %dma_start3A_1019 = tpu.memref_slice %arg4[%add3A_1007, %dma_start3A_1018] : memref<81920x128xf32, #tpu.memory_space<hbm>> -> memref<128x128xf32, #tpu.memory_space<hbm>>
    %dma_start3A_1020 = arith.constant 0 : i32
    %dma_start3A_1021 = arith.constant 0 : i32
    %dma_start3A_1022 = tpu.memref_slice %arg6[%dma_start3A_1008, %dma_start3A_1020, %dma_start3A_1021] : memref<2x128x128xf32, #tpu.memory_space<vmem>> -> memref<1x128x128xf32, #tpu.memory_space<vmem>>
    %dma_start3A_1023 = tpu.memref_squeeze %dma_start3A_1022 : memref<1x128x128xf32, #tpu.memory_space<vmem>> -> memref<128x128xf32, #tpu.memory_space<vmem>>
    tpu.enqueue_dma source(%dma_start3A_1023 : memref<128x128xf32, #tpu.memory_space<vmem>>) target(%dma_start3A_1019 : memref<128x128xf32, #tpu.memory_space<hbm>>) target_semaphore(%dma_start3A_1017 : memref<!tpu.dma_semaphore, #tpu.memory_space<semaphore_mem>>)
    %dma_wait3A_1024 = arith.constant 1 : i32
    %dma_wait3A_1025 = arith.constant 1 : i32
    %dma_wait3A_1026 = arith.constant 0 : i32
    %dma_wait3A_1027 = arith.constant 0 : i32
    %dma_wait3A_1028 = tpu.memref_slice %arg6[%dma_wait3A_1024, %dma_wait3A_1026, %dma_wait3A_1027] : memref<2x128x128xf32, #tpu.memory_space<vmem>> -> memref<1x128x128xf32, #tpu.memory_space<vmem>>
    %dma_wait3A_1029 = tpu.memref_squeeze %dma_wait3A_1028 : memref<1x128x128xf32, #tpu.memory_space<vmem>> -> memref<128x128xf32, #tpu.memory_space<vmem>>
    %dma_wait3A_1030 = arith.constant 0 : i32
    %dma_wait3A_1031 = tpu.memref_slice %arg4[%add3A_1007, %dma_wait3A_1030] : memref<81920x128xf32, #tpu.memory_space<hbm>> -> memref<128x128xf32, #tpu.memory_space<hbm>>
    %dma_wait3A_1032 = tpu.memref_slice %arg8[%dma_wait3A_1025] : memref<2x!tpu.dma_semaphore, #tpu.memory_space<semaphore_mem>> -> memref<1x!tpu.dma_semaphore, #tpu.memory_space<semaphore_mem>>
    %dma_wait3A_1033 = tpu.memref_squeeze %dma_wait3A_1032 : memref<1x!tpu.dma_semaphore, #tpu.memory_space<semaphore_mem>> -> memref<!tpu.dma_semaphore, #tpu.memory_space<semaphore_mem>>
    %dma_wait3A_1034 = arith.constant 0 : i32
    %dma_wait3A_1035 = tpu.memref_slice %arg4[%add3A_1007, %dma_wait3A_1034] : memref<81920x128xf32, #tpu.memory_space<hbm>> -> memref<128x128xf32, #tpu.memory_space<hbm>>
    %dma_wait3A_1036 = arith.constant 0 : i32
    %dma_wait3A_1037 = arith.constant 0 : i32
    %dma_wait3A_1038 = tpu.memref_slice %arg6[%dma_wait3A_1024, %dma_wait3A_1036, %dma_wait3A_1037] : memref<2x128x128xf32, #tpu.memory_space<vmem>> -> memref<1x128x128xf32, #tpu.memory_space<vmem>>
    %dma_wait3A_1039 = tpu.memref_squeeze %dma_wait3A_1038 : memref<1x128x128xf32, #tpu.memory_space<vmem>> -> memref<128x128xf32, #tpu.memory_space<vmem>>
    tpu.wait_dma2 semaphore(%dma_wait3A_1033 : memref<!tpu.dma_semaphore, #tpu.memory_space<semaphore_mem>>) src(%dma_wait3A_1039 : memref<128x128xf32, #tpu.memory_space<vmem>>) dst(%dma_wait3A_1035 : memref<128x128xf32, #tpu.memory_space<hbm>>)
    %dma_start3A_1040 = arith.constant 17 : i32
    %dma_start3A_1041 = arith.constant 1 : i32
    %dma_start3A_1042 = arith.constant 1 : i32
    %dma_start3A_1043 = arith.constant 0 : i32
    %dma_start3A_1044 = arith.constant 0 : i32
    %dma_start3A_1045 = tpu.memref_slice %arg6[%dma_start3A_1041, %dma_start3A_1043, %dma_start3A_1044] : memref<2x128x128xf32, #tpu.memory_space<vmem>> -> memref<1x128x128xf32, #tpu.memory_space<vmem>>
    %dma_start3A_1046 = tpu.memref_squeeze %dma_start3A_1045 : memref<1x128x128xf32, #tpu.memory_space<vmem>> -> memref<128x128xf32, #tpu.memory_space<vmem>>
    %dma_start3A_1047 = arith.constant 0 : i32
    %dma_start3A_1048 = tpu.memref_slice %arg5[%dma_start3A_1040, %dma_start3A_1047] : memref<20x128xi32, #tpu.memory_space<vmem>> -> memref<1x128xi32, #tpu.memory_space<vmem>>
    %dma_start3A_1049 = tpu.memref_squeeze %dma_start3A_1048 : memref<1x128xi32, #tpu.memory_space<vmem>> -> memref<128xi32, #tpu.memory_space<vmem>>
    %dma_start3A_1050 = arith.constant 0 : i32
    %dma_start3A_1051 = arith.constant 0 : i32
    %dma_start3A_1052 = tpu.memref_slice %arg3[%dma_start3A_1050, %dma_start3A_1051] : memref<500480x128xf32, #tpu.memory_space<hbm>> -> memref<500480x128xf32, #tpu.memory_space<hbm>>
    %dma_start3A_1053 = tpu.memref_slice %arg7[%dma_start3A_1042] : memref<2x!tpu.dma_semaphore, #tpu.memory_space<semaphore_mem>> -> memref<1x!tpu.dma_semaphore, #tpu.memory_space<semaphore_mem>>
    %dma_start3A_1054 = tpu.memref_squeeze %dma_start3A_1053 : memref<1x!tpu.dma_semaphore, #tpu.memory_space<semaphore_mem>> -> memref<!tpu.dma_semaphore, #tpu.memory_space<semaphore_mem>>
    tpu.enqueue_indirect_dma source(%dma_start3A_1052 : memref<500480x128xf32, #tpu.memory_space<hbm>>) target(%dma_start3A_1046 : memref<128x128xf32, #tpu.memory_space<vmem>>) offsets(%dma_start3A_1049 : memref<128xi32, #tpu.memory_space<vmem>>) semaphore(%dma_start3A_1054 : memref<!tpu.dma_semaphore, #tpu.memory_space<semaphore_mem>>)
    %dma_wait3A_1055 = arith.constant 16 : i32
    %dma_wait3A_1056 = arith.constant 0 : i32
    %dma_wait3A_1057 = arith.constant 0 : i32
    %dma_wait3A_1058 = arith.constant 0 : i32
    %dma_wait3A_1059 = arith.constant 0 : i32
    %dma_wait3A_1060 = tpu.memref_slice %arg6[%dma_wait3A_1056, %dma_wait3A_1058, %dma_wait3A_1059] : memref<2x128x128xf32, #tpu.memory_space<vmem>> -> memref<1x128x128xf32, #tpu.memory_space<vmem>>
    %dma_wait3A_1061 = tpu.memref_squeeze %dma_wait3A_1060 : memref<1x128x128xf32, #tpu.memory_space<vmem>> -> memref<128x128xf32, #tpu.memory_space<vmem>>
    %dma_wait3A_1062 = arith.constant 0 : i32
    %dma_wait3A_1063 = tpu.memref_slice %arg5[%dma_wait3A_1055, %dma_wait3A_1062] : memref<20x128xi32, #tpu.memory_space<vmem>> -> memref<1x128xi32, #tpu.memory_space<vmem>>
    %dma_wait3A_1064 = tpu.memref_squeeze %dma_wait3A_1063 : memref<1x128xi32, #tpu.memory_space<vmem>> -> memref<128xi32, #tpu.memory_space<vmem>>
    %dma_wait3A_1065 = arith.constant 0 : i32
    %dma_wait3A_1066 = arith.constant 0 : i32
    %dma_wait3A_1067 = tpu.memref_slice %arg3[%dma_wait3A_1065, %dma_wait3A_1066] : memref<500480x128xf32, #tpu.memory_space<hbm>> -> memref<500480x128xf32, #tpu.memory_space<hbm>>
    %dma_wait3A_1068 = tpu.memref_slice %arg7[%dma_wait3A_1057] : memref<2x!tpu.dma_semaphore, #tpu.memory_space<semaphore_mem>> -> memref<1x!tpu.dma_semaphore, #tpu.memory_space<semaphore_mem>>
    %dma_wait3A_1069 = tpu.memref_squeeze %dma_wait3A_1068 : memref<1x!tpu.dma_semaphore, #tpu.memory_space<semaphore_mem>> -> memref<!tpu.dma_semaphore, #tpu.memory_space<semaphore_mem>>
    tpu.wait_indirect_dma semaphore(%dma_wait3A_1069 : memref<!tpu.dma_semaphore, #tpu.memory_space<semaphore_mem>>) src(%dma_wait3A_1067 : memref<500480x128xf32, #tpu.memory_space<hbm>>) dst(%dma_wait3A_1061 : memref<128x128xf32, #tpu.memory_space<vmem>>)
    %add3A_1070 = arith.constant 2048 : i32
    %add3A_1071 = arith.addi %mul3A_2, %add3A_1070 : i32
    %dma_start3A_1072 = arith.constant 0 : i32
    %dma_start3A_1073 = arith.constant 0 : i32
    %dma_start3A_1074 = arith.constant 0 : i32
    %dma_start3A_1075 = arith.constant 0 : i32
    %dma_start3A_1076 = tpu.memref_slice %arg6[%dma_start3A_1072, %dma_start3A_1074, %dma_start3A_1075] : memref<2x128x128xf32, #tpu.memory_space<vmem>> -> memref<1x128x128xf32, #tpu.memory_space<vmem>>
    %dma_start3A_1077 = tpu.memref_squeeze %dma_start3A_1076 : memref<1x128x128xf32, #tpu.memory_space<vmem>> -> memref<128x128xf32, #tpu.memory_space<vmem>>
    %dma_start3A_1078 = arith.constant 0 : i32
    %dma_start3A_1079 = tpu.memref_slice %arg4[%add3A_1071, %dma_start3A_1078] : memref<81920x128xf32, #tpu.memory_space<hbm>> -> memref<128x128xf32, #tpu.memory_space<hbm>>
    %dma_start3A_1080 = tpu.memref_slice %arg8[%dma_start3A_1073] : memref<2x!tpu.dma_semaphore, #tpu.memory_space<semaphore_mem>> -> memref<1x!tpu.dma_semaphore, #tpu.memory_space<semaphore_mem>>
    %dma_start3A_1081 = tpu.memref_squeeze %dma_start3A_1080 : memref<1x!tpu.dma_semaphore, #tpu.memory_space<semaphore_mem>> -> memref<!tpu.dma_semaphore, #tpu.memory_space<semaphore_mem>>
    %dma_start3A_1082 = arith.constant 0 : i32
    %dma_start3A_1083 = tpu.memref_slice %arg4[%add3A_1071, %dma_start3A_1082] : memref<81920x128xf32, #tpu.memory_space<hbm>> -> memref<128x128xf32, #tpu.memory_space<hbm>>
    %dma_start3A_1084 = arith.constant 0 : i32
    %dma_start3A_1085 = arith.constant 0 : i32
    %dma_start3A_1086 = tpu.memref_slice %arg6[%dma_start3A_1072, %dma_start3A_1084, %dma_start3A_1085] : memref<2x128x128xf32, #tpu.memory_space<vmem>> -> memref<1x128x128xf32, #tpu.memory_space<vmem>>
    %dma_start3A_1087 = tpu.memref_squeeze %dma_start3A_1086 : memref<1x128x128xf32, #tpu.memory_space<vmem>> -> memref<128x128xf32, #tpu.memory_space<vmem>>
    tpu.enqueue_dma source(%dma_start3A_1087 : memref<128x128xf32, #tpu.memory_space<vmem>>) target(%dma_start3A_1083 : memref<128x128xf32, #tpu.memory_space<hbm>>) target_semaphore(%dma_start3A_1081 : memref<!tpu.dma_semaphore, #tpu.memory_space<semaphore_mem>>)
    %dma_wait3A_1088 = arith.constant 0 : i32
    %dma_wait3A_1089 = arith.constant 0 : i32
    %dma_wait3A_1090 = arith.constant 0 : i32
    %dma_wait3A_1091 = arith.constant 0 : i32
    %dma_wait3A_1092 = tpu.memref_slice %arg6[%dma_wait3A_1088, %dma_wait3A_1090, %dma_wait3A_1091] : memref<2x128x128xf32, #tpu.memory_space<vmem>> -> memref<1x128x128xf32, #tpu.memory_space<vmem>>
    %dma_wait3A_1093 = tpu.memref_squeeze %dma_wait3A_1092 : memref<1x128x128xf32, #tpu.memory_space<vmem>> -> memref<128x128xf32, #tpu.memory_space<vmem>>
    %dma_wait3A_1094 = arith.constant 0 : i32
    %dma_wait3A_1095 = tpu.memref_slice %arg4[%add3A_1071, %dma_wait3A_1094] : memref<81920x128xf32, #tpu.memory_space<hbm>> -> memref<128x128xf32, #tpu.memory_space<hbm>>
    %dma_wait3A_1096 = tpu.memref_slice %arg8[%dma_wait3A_1089] : memref<2x!tpu.dma_semaphore, #tpu.memory_space<semaphore_mem>> -> memref<1x!tpu.dma_semaphore, #tpu.memory_space<semaphore_mem>>
    %dma_wait3A_1097 = tpu.memref_squeeze %dma_wait3A_1096 : memref<1x!tpu.dma_semaphore, #tpu.memory_space<semaphore_mem>> -> memref<!tpu.dma_semaphore, #tpu.memory_space<semaphore_mem>>
    %dma_wait3A_1098 = arith.constant 0 : i32
    %dma_wait3A_1099 = tpu.memref_slice %arg4[%add3A_1071, %dma_wait3A_1098] : memref<81920x128xf32, #tpu.memory_space<hbm>> -> memref<128x128xf32, #tpu.memory_space<hbm>>
    %dma_wait3A_1100 = arith.constant 0 : i32
    %dma_wait3A_1101 = arith.constant 0 : i32
    %dma_wait3A_1102 = tpu.memref_slice %arg6[%dma_wait3A_1088, %dma_wait3A_1100, %dma_wait3A_1101] : memref<2x128x128xf32, #tpu.memory_space<vmem>> -> memref<1x128x128xf32, #tpu.memory_space<vmem>>
    %dma_wait3A_1103 = tpu.memref_squeeze %dma_wait3A_1102 : memref<1x128x128xf32, #tpu.memory_space<vmem>> -> memref<128x128xf32, #tpu.memory_space<vmem>>
    tpu.wait_dma2 semaphore(%dma_wait3A_1097 : memref<!tpu.dma_semaphore, #tpu.memory_space<semaphore_mem>>) src(%dma_wait3A_1103 : memref<128x128xf32, #tpu.memory_space<vmem>>) dst(%dma_wait3A_1099 : memref<128x128xf32, #tpu.memory_space<hbm>>)
    %dma_start3A_1104 = arith.constant 18 : i32
    %dma_start3A_1105 = arith.constant 0 : i32
    %dma_start3A_1106 = arith.constant 0 : i32
    %dma_start3A_1107 = arith.constant 0 : i32
    %dma_start3A_1108 = arith.constant 0 : i32
    %dma_start3A_1109 = tpu.memref_slice %arg6[%dma_start3A_1105, %dma_start3A_1107, %dma_start3A_1108] : memref<2x128x128xf32, #tpu.memory_space<vmem>> -> memref<1x128x128xf32, #tpu.memory_space<vmem>>
    %dma_start3A_1110 = tpu.memref_squeeze %dma_start3A_1109 : memref<1x128x128xf32, #tpu.memory_space<vmem>> -> memref<128x128xf32, #tpu.memory_space<vmem>>
    %dma_start3A_1111 = arith.constant 0 : i32
    %dma_start3A_1112 = tpu.memref_slice %arg5[%dma_start3A_1104, %dma_start3A_1111] : memref<20x128xi32, #tpu.memory_space<vmem>> -> memref<1x128xi32, #tpu.memory_space<vmem>>
    %dma_start3A_1113 = tpu.memref_squeeze %dma_start3A_1112 : memref<1x128xi32, #tpu.memory_space<vmem>> -> memref<128xi32, #tpu.memory_space<vmem>>
    %dma_start3A_1114 = arith.constant 0 : i32
    %dma_start3A_1115 = arith.constant 0 : i32
    %dma_start3A_1116 = tpu.memref_slice %arg3[%dma_start3A_1114, %dma_start3A_1115] : memref<500480x128xf32, #tpu.memory_space<hbm>> -> memref<500480x128xf32, #tpu.memory_space<hbm>>
    %dma_start3A_1117 = tpu.memref_slice %arg7[%dma_start3A_1106] : memref<2x!tpu.dma_semaphore, #tpu.memory_space<semaphore_mem>> -> memref<1x!tpu.dma_semaphore, #tpu.memory_space<semaphore_mem>>
    %dma_start3A_1118 = tpu.memref_squeeze %dma_start3A_1117 : memref<1x!tpu.dma_semaphore, #tpu.memory_space<semaphore_mem>> -> memref<!tpu.dma_semaphore, #tpu.memory_space<semaphore_mem>>
    tpu.enqueue_indirect_dma source(%dma_start3A_1116 : memref<500480x128xf32, #tpu.memory_space<hbm>>) target(%dma_start3A_1110 : memref<128x128xf32, #tpu.memory_space<vmem>>) offsets(%dma_start3A_1113 : memref<128xi32, #tpu.memory_space<vmem>>) semaphore(%dma_start3A_1118 : memref<!tpu.dma_semaphore, #tpu.memory_space<semaphore_mem>>)
    %dma_wait3A_1119 = arith.constant 17 : i32
    %dma_wait3A_1120 = arith.constant 1 : i32
    %dma_wait3A_1121 = arith.constant 1 : i32
    %dma_wait3A_1122 = arith.constant 0 : i32
    %dma_wait3A_1123 = arith.constant 0 : i32
    %dma_wait3A_1124 = tpu.memref_slice %arg6[%dma_wait3A_1120, %dma_wait3A_1122, %dma_wait3A_1123] : memref<2x128x128xf32, #tpu.memory_space<vmem>> -> memref<1x128x128xf32, #tpu.memory_space<vmem>>
    %dma_wait3A_1125 = tpu.memref_squeeze %dma_wait3A_1124 : memref<1x128x128xf32, #tpu.memory_space<vmem>> -> memref<128x128xf32, #tpu.memory_space<vmem>>
    %dma_wait3A_1126 = arith.constant 0 : i32
    %dma_wait3A_1127 = tpu.memref_slice %arg5[%dma_wait3A_1119, %dma_wait3A_1126] : memref<20x128xi32, #tpu.memory_space<vmem>> -> memref<1x128xi32, #tpu.memory_space<vmem>>
    %dma_wait3A_1128 = tpu.memref_squeeze %dma_wait3A_1127 : memref<1x128xi32, #tpu.memory_space<vmem>> -> memref<128xi32, #tpu.memory_space<vmem>>
    %dma_wait3A_1129 = arith.constant 0 : i32
    %dma_wait3A_1130 = arith.constant 0 : i32
    %dma_wait3A_1131 = tpu.memref_slice %arg3[%dma_wait3A_1129, %dma_wait3A_1130] : memref<500480x128xf32, #tpu.memory_space<hbm>> -> memref<500480x128xf32, #tpu.memory_space<hbm>>
    %dma_wait3A_1132 = tpu.memref_slice %arg7[%dma_wait3A_1121] : memref<2x!tpu.dma_semaphore, #tpu.memory_space<semaphore_mem>> -> memref<1x!tpu.dma_semaphore, #tpu.memory_space<semaphore_mem>>
    %dma_wait3A_1133 = tpu.memref_squeeze %dma_wait3A_1132 : memref<1x!tpu.dma_semaphore, #tpu.memory_space<semaphore_mem>> -> memref<!tpu.dma_semaphore, #tpu.memory_space<semaphore_mem>>
    tpu.wait_indirect_dma semaphore(%dma_wait3A_1133 : memref<!tpu.dma_semaphore, #tpu.memory_space<semaphore_mem>>) src(%dma_wait3A_1131 : memref<500480x128xf32, #tpu.memory_space<hbm>>) dst(%dma_wait3A_1125 : memref<128x128xf32, #tpu.memory_space<vmem>>)
    %add3A_1134 = arith.constant 2176 : i32
    %add3A_1135 = arith.addi %mul3A_2, %add3A_1134 : i32
    %dma_start3A_1136 = arith.constant 1 : i32
    %dma_start3A_1137 = arith.constant 1 : i32
    %dma_start3A_1138 = arith.constant 0 : i32
    %dma_start3A_1139 = arith.constant 0 : i32
    %dma_start3A_1140 = tpu.memref_slice %arg6[%dma_start3A_1136, %dma_start3A_1138, %dma_start3A_1139] : memref<2x128x128xf32, #tpu.memory_space<vmem>> -> memref<1x128x128xf32, #tpu.memory_space<vmem>>
    %dma_start3A_1141 = tpu.memref_squeeze %dma_start3A_1140 : memref<1x128x128xf32, #tpu.memory_space<vmem>> -> memref<128x128xf32, #tpu.memory_space<vmem>>
    %dma_start3A_1142 = arith.constant 0 : i32
    %dma_start3A_1143 = tpu.memref_slice %arg4[%add3A_1135, %dma_start3A_1142] : memref<81920x128xf32, #tpu.memory_space<hbm>> -> memref<128x128xf32, #tpu.memory_space<hbm>>
    %dma_start3A_1144 = tpu.memref_slice %arg8[%dma_start3A_1137] : memref<2x!tpu.dma_semaphore, #tpu.memory_space<semaphore_mem>> -> memref<1x!tpu.dma_semaphore, #tpu.memory_space<semaphore_mem>>
    %dma_start3A_1145 = tpu.memref_squeeze %dma_start3A_1144 : memref<1x!tpu.dma_semaphore, #tpu.memory_space<semaphore_mem>> -> memref<!tpu.dma_semaphore, #tpu.memory_space<semaphore_mem>>
    %dma_start3A_1146 = arith.constant 0 : i32
    %dma_start3A_1147 = tpu.memref_slice %arg4[%add3A_1135, %dma_start3A_1146] : memref<81920x128xf32, #tpu.memory_space<hbm>> -> memref<128x128xf32, #tpu.memory_space<hbm>>
    %dma_start3A_1148 = arith.constant 0 : i32
    %dma_start3A_1149 = arith.constant 0 : i32
    %dma_start3A_1150 = tpu.memref_slice %arg6[%dma_start3A_1136, %dma_start3A_1148, %dma_start3A_1149] : memref<2x128x128xf32, #tpu.memory_space<vmem>> -> memref<1x128x128xf32, #tpu.memory_space<vmem>>
    %dma_start3A_1151 = tpu.memref_squeeze %dma_start3A_1150 : memref<1x128x128xf32, #tpu.memory_space<vmem>> -> memref<128x128xf32, #tpu.memory_space<vmem>>
    tpu.enqueue_dma source(%dma_start3A_1151 : memref<128x128xf32, #tpu.memory_space<vmem>>) target(%dma_start3A_1147 : memref<128x128xf32, #tpu.memory_space<hbm>>) target_semaphore(%dma_start3A_1145 : memref<!tpu.dma_semaphore, #tpu.memory_space<semaphore_mem>>)
    %dma_wait3A_1152 = arith.constant 1 : i32
    %dma_wait3A_1153 = arith.constant 1 : i32
    %dma_wait3A_1154 = arith.constant 0 : i32
    %dma_wait3A_1155 = arith.constant 0 : i32
    %dma_wait3A_1156 = tpu.memref_slice %arg6[%dma_wait3A_1152, %dma_wait3A_1154, %dma_wait3A_1155] : memref<2x128x128xf32, #tpu.memory_space<vmem>> -> memref<1x128x128xf32, #tpu.memory_space<vmem>>
    %dma_wait3A_1157 = tpu.memref_squeeze %dma_wait3A_1156 : memref<1x128x128xf32, #tpu.memory_space<vmem>> -> memref<128x128xf32, #tpu.memory_space<vmem>>
    %dma_wait3A_1158 = arith.constant 0 : i32
    %dma_wait3A_1159 = tpu.memref_slice %arg4[%add3A_1135, %dma_wait3A_1158] : memref<81920x128xf32, #tpu.memory_space<hbm>> -> memref<128x128xf32, #tpu.memory_space<hbm>>
    %dma_wait3A_1160 = tpu.memref_slice %arg8[%dma_wait3A_1153] : memref<2x!tpu.dma_semaphore, #tpu.memory_space<semaphore_mem>> -> memref<1x!tpu.dma_semaphore, #tpu.memory_space<semaphore_mem>>
    %dma_wait3A_1161 = tpu.memref_squeeze %dma_wait3A_1160 : memref<1x!tpu.dma_semaphore, #tpu.memory_space<semaphore_mem>> -> memref<!tpu.dma_semaphore, #tpu.memory_space<semaphore_mem>>
    %dma_wait3A_1162 = arith.constant 0 : i32
    %dma_wait3A_1163 = tpu.memref_slice %arg4[%add3A_1135, %dma_wait3A_1162] : memref<81920x128xf32, #tpu.memory_space<hbm>> -> memref<128x128xf32, #tpu.memory_space<hbm>>
    %dma_wait3A_1164 = arith.constant 0 : i32
    %dma_wait3A_1165 = arith.constant 0 : i32
    %dma_wait3A_1166 = tpu.memref_slice %arg6[%dma_wait3A_1152, %dma_wait3A_1164, %dma_wait3A_1165] : memref<2x128x128xf32, #tpu.memory_space<vmem>> -> memref<1x128x128xf32, #tpu.memory_space<vmem>>
    %dma_wait3A_1167 = tpu.memref_squeeze %dma_wait3A_1166 : memref<1x128x128xf32, #tpu.memory_space<vmem>> -> memref<128x128xf32, #tpu.memory_space<vmem>>
    tpu.wait_dma2 semaphore(%dma_wait3A_1161 : memref<!tpu.dma_semaphore, #tpu.memory_space<semaphore_mem>>) src(%dma_wait3A_1167 : memref<128x128xf32, #tpu.memory_space<vmem>>) dst(%dma_wait3A_1163 : memref<128x128xf32, #tpu.memory_space<hbm>>)
    %dma_start3A_1168 = arith.constant 19 : i32
    %dma_start3A_1169 = arith.constant 1 : i32
    %dma_start3A_1170 = arith.constant 1 : i32
    %dma_start3A_1171 = arith.constant 0 : i32
    %dma_start3A_1172 = arith.constant 0 : i32
    %dma_start3A_1173 = tpu.memref_slice %arg6[%dma_start3A_1169, %dma_start3A_1171, %dma_start3A_1172] : memref<2x128x128xf32, #tpu.memory_space<vmem>> -> memref<1x128x128xf32, #tpu.memory_space<vmem>>
    %dma_start3A_1174 = tpu.memref_squeeze %dma_start3A_1173 : memref<1x128x128xf32, #tpu.memory_space<vmem>> -> memref<128x128xf32, #tpu.memory_space<vmem>>
    %dma_start3A_1175 = arith.constant 0 : i32
    %dma_start3A_1176 = tpu.memref_slice %arg5[%dma_start3A_1168, %dma_start3A_1175] : memref<20x128xi32, #tpu.memory_space<vmem>> -> memref<1x128xi32, #tpu.memory_space<vmem>>
    %dma_start3A_1177 = tpu.memref_squeeze %dma_start3A_1176 : memref<1x128xi32, #tpu.memory_space<vmem>> -> memref<128xi32, #tpu.memory_space<vmem>>
    %dma_start3A_1178 = arith.constant 0 : i32
    %dma_start3A_1179 = arith.constant 0 : i32
    %dma_start3A_1180 = tpu.memref_slice %arg3[%dma_start3A_1178, %dma_start3A_1179] : memref<500480x128xf32, #tpu.memory_space<hbm>> -> memref<500480x128xf32, #tpu.memory_space<hbm>>
    %dma_start3A_1181 = tpu.memref_slice %arg7[%dma_start3A_1170] : memref<2x!tpu.dma_semaphore, #tpu.memory_space<semaphore_mem>> -> memref<1x!tpu.dma_semaphore, #tpu.memory_space<semaphore_mem>>
    %dma_start3A_1182 = tpu.memref_squeeze %dma_start3A_1181 : memref<1x!tpu.dma_semaphore, #tpu.memory_space<semaphore_mem>> -> memref<!tpu.dma_semaphore, #tpu.memory_space<semaphore_mem>>
    tpu.enqueue_indirect_dma source(%dma_start3A_1180 : memref<500480x128xf32, #tpu.memory_space<hbm>>) target(%dma_start3A_1174 : memref<128x128xf32, #tpu.memory_space<vmem>>) offsets(%dma_start3A_1177 : memref<128xi32, #tpu.memory_space<vmem>>) semaphore(%dma_start3A_1182 : memref<!tpu.dma_semaphore, #tpu.memory_space<semaphore_mem>>)
    %dma_wait3A_1183 = arith.constant 18 : i32
    %dma_wait3A_1184 = arith.constant 0 : i32
    %dma_wait3A_1185 = arith.constant 0 : i32
    %dma_wait3A_1186 = arith.constant 0 : i32
    %dma_wait3A_1187 = arith.constant 0 : i32
    %dma_wait3A_1188 = tpu.memref_slice %arg6[%dma_wait3A_1184, %dma_wait3A_1186, %dma_wait3A_1187] : memref<2x128x128xf32, #tpu.memory_space<vmem>> -> memref<1x128x128xf32, #tpu.memory_space<vmem>>
    %dma_wait3A_1189 = tpu.memref_squeeze %dma_wait3A_1188 : memref<1x128x128xf32, #tpu.memory_space<vmem>> -> memref<128x128xf32, #tpu.memory_space<vmem>>
    %dma_wait3A_1190 = arith.constant 0 : i32
    %dma_wait3A_1191 = tpu.memref_slice %arg5[%dma_wait3A_1183, %dma_wait3A_1190] : memref<20x128xi32, #tpu.memory_space<vmem>> -> memref<1x128xi32, #tpu.memory_space<vmem>>
    %dma_wait3A_1192 = tpu.memref_squeeze %dma_wait3A_1191 : memref<1x128xi32, #tpu.memory_space<vmem>> -> memref<128xi32, #tpu.memory_space<vmem>>
    %dma_wait3A_1193 = arith.constant 0 : i32
    %dma_wait3A_1194 = arith.constant 0 : i32
    %dma_wait3A_1195 = tpu.memref_slice %arg3[%dma_wait3A_1193, %dma_wait3A_1194] : memref<500480x128xf32, #tpu.memory_space<hbm>> -> memref<500480x128xf32, #tpu.memory_space<hbm>>
    %dma_wait3A_1196 = tpu.memref_slice %arg7[%dma_wait3A_1185] : memref<2x!tpu.dma_semaphore, #tpu.memory_space<semaphore_mem>> -> memref<1x!tpu.dma_semaphore, #tpu.memory_space<semaphore_mem>>
    %dma_wait3A_1197 = tpu.memref_squeeze %dma_wait3A_1196 : memref<1x!tpu.dma_semaphore, #tpu.memory_space<semaphore_mem>> -> memref<!tpu.dma_semaphore, #tpu.memory_space<semaphore_mem>>
    tpu.wait_indirect_dma semaphore(%dma_wait3A_1197 : memref<!tpu.dma_semaphore, #tpu.memory_space<semaphore_mem>>) src(%dma_wait3A_1195 : memref<500480x128xf32, #tpu.memory_space<hbm>>) dst(%dma_wait3A_1189 : memref<128x128xf32, #tpu.memory_space<vmem>>)
    %add3A_1198 = arith.constant 2304 : i32
    %add3A_1199 = arith.addi %mul3A_2, %add3A_1198 : i32
    %dma_start3A_1200 = arith.constant 0 : i32
    %dma_start3A_1201 = arith.constant 0 : i32
    %dma_start3A_1202 = arith.constant 0 : i32
    %dma_start3A_1203 = arith.constant 0 : i32
    %dma_start3A_1204 = tpu.memref_slice %arg6[%dma_start3A_1200, %dma_start3A_1202, %dma_start3A_1203] : memref<2x128x128xf32, #tpu.memory_space<vmem>> -> memref<1x128x128xf32, #tpu.memory_space<vmem>>
    %dma_start3A_1205 = tpu.memref_squeeze %dma_start3A_1204 : memref<1x128x128xf32, #tpu.memory_space<vmem>> -> memref<128x128xf32, #tpu.memory_space<vmem>>
    %dma_start3A_1206 = arith.constant 0 : i32
    %dma_start3A_1207 = tpu.memref_slice %arg4[%add3A_1199, %dma_start3A_1206] : memref<81920x128xf32, #tpu.memory_space<hbm>> -> memref<128x128xf32, #tpu.memory_space<hbm>>
    %dma_start3A_1208 = tpu.memref_slice %arg8[%dma_start3A_1201] : memref<2x!tpu.dma_semaphore, #tpu.memory_space<semaphore_mem>> -> memref<1x!tpu.dma_semaphore, #tpu.memory_space<semaphore_mem>>
    %dma_start3A_1209 = tpu.memref_squeeze %dma_start3A_1208 : memref<1x!tpu.dma_semaphore, #tpu.memory_space<semaphore_mem>> -> memref<!tpu.dma_semaphore, #tpu.memory_space<semaphore_mem>>
    %dma_start3A_1210 = arith.constant 0 : i32
    %dma_start3A_1211 = tpu.memref_slice %arg4[%add3A_1199, %dma_start3A_1210] : memref<81920x128xf32, #tpu.memory_space<hbm>> -> memref<128x128xf32, #tpu.memory_space<hbm>>
    %dma_start3A_1212 = arith.constant 0 : i32
    %dma_start3A_1213 = arith.constant 0 : i32
    %dma_start3A_1214 = tpu.memref_slice %arg6[%dma_start3A_1200, %dma_start3A_1212, %dma_start3A_1213] : memref<2x128x128xf32, #tpu.memory_space<vmem>> -> memref<1x128x128xf32, #tpu.memory_space<vmem>>
    %dma_start3A_1215 = tpu.memref_squeeze %dma_start3A_1214 : memref<1x128x128xf32, #tpu.memory_space<vmem>> -> memref<128x128xf32, #tpu.memory_space<vmem>>
    tpu.enqueue_dma source(%dma_start3A_1215 : memref<128x128xf32, #tpu.memory_space<vmem>>) target(%dma_start3A_1211 : memref<128x128xf32, #tpu.memory_space<hbm>>) target_semaphore(%dma_start3A_1209 : memref<!tpu.dma_semaphore, #tpu.memory_space<semaphore_mem>>)
    %dma_wait3A_1216 = arith.constant 19 : i32
    %dma_wait3A_1217 = arith.constant 1 : i32
    %dma_wait3A_1218 = arith.constant 1 : i32
    %dma_wait3A_1219 = arith.constant 0 : i32
    %dma_wait3A_1220 = arith.constant 0 : i32
    %dma_wait3A_1221 = tpu.memref_slice %arg6[%dma_wait3A_1217, %dma_wait3A_1219, %dma_wait3A_1220] : memref<2x128x128xf32, #tpu.memory_space<vmem>> -> memref<1x128x128xf32, #tpu.memory_space<vmem>>
    %dma_wait3A_1222 = tpu.memref_squeeze %dma_wait3A_1221 : memref<1x128x128xf32, #tpu.memory_space<vmem>> -> memref<128x128xf32, #tpu.memory_space<vmem>>
    %dma_wait3A_1223 = arith.constant 0 : i32
    %dma_wait3A_1224 = tpu.memref_slice %arg5[%dma_wait3A_1216, %dma_wait3A_1223] : memref<20x128xi32, #tpu.memory_space<vmem>> -> memref<1x128xi32, #tpu.memory_space<vmem>>
    %dma_wait3A_1225 = tpu.memref_squeeze %dma_wait3A_1224 : memref<1x128xi32, #tpu.memory_space<vmem>> -> memref<128xi32, #tpu.memory_space<vmem>>
    %dma_wait3A_1226 = arith.constant 0 : i32
    %dma_wait3A_1227 = arith.constant 0 : i32
    %dma_wait3A_1228 = tpu.memref_slice %arg3[%dma_wait3A_1226, %dma_wait3A_1227] : memref<500480x128xf32, #tpu.memory_space<hbm>> -> memref<500480x128xf32, #tpu.memory_space<hbm>>
    %dma_wait3A_1229 = tpu.memref_slice %arg7[%dma_wait3A_1218] : memref<2x!tpu.dma_semaphore, #tpu.memory_space<semaphore_mem>> -> memref<1x!tpu.dma_semaphore, #tpu.memory_space<semaphore_mem>>
    %dma_wait3A_1230 = tpu.memref_squeeze %dma_wait3A_1229 : memref<1x!tpu.dma_semaphore, #tpu.memory_space<semaphore_mem>> -> memref<!tpu.dma_semaphore, #tpu.memory_space<semaphore_mem>>
    tpu.wait_indirect_dma semaphore(%dma_wait3A_1230 : memref<!tpu.dma_semaphore, #tpu.memory_space<semaphore_mem>>) src(%dma_wait3A_1228 : memref<500480x128xf32, #tpu.memory_space<hbm>>) dst(%dma_wait3A_1222 : memref<128x128xf32, #tpu.memory_space<vmem>>)
    %add3A_1231 = arith.constant 2432 : i32
    %add3A_1232 = arith.addi %mul3A_2, %add3A_1231 : i32
    %dma_start3A_1233 = arith.constant 1 : i32
    %dma_start3A_1234 = arith.constant 1 : i32
    %dma_start3A_1235 = arith.constant 0 : i32
    %dma_start3A_1236 = arith.constant 0 : i32
    %dma_start3A_1237 = tpu.memref_slice %arg6[%dma_start3A_1233, %dma_start3A_1235, %dma_start3A_1236] : memref<2x128x128xf32, #tpu.memory_space<vmem>> -> memref<1x128x128xf32, #tpu.memory_space<vmem>>
    %dma_start3A_1238 = tpu.memref_squeeze %dma_start3A_1237 : memref<1x128x128xf32, #tpu.memory_space<vmem>> -> memref<128x128xf32, #tpu.memory_space<vmem>>
    %dma_start3A_1239 = arith.constant 0 : i32
    %dma_start3A_1240 = tpu.memref_slice %arg4[%add3A_1232, %dma_start3A_1239] : memref<81920x128xf32, #tpu.memory_space<hbm>> -> memref<128x128xf32, #tpu.memory_space<hbm>>
    %dma_start3A_1241 = tpu.memref_slice %arg8[%dma_start3A_1234] : memref<2x!tpu.dma_semaphore, #tpu.memory_space<semaphore_mem>> -> memref<1x!tpu.dma_semaphore, #tpu.memory_space<semaphore_mem>>
    %dma_start3A_1242 = tpu.memref_squeeze %dma_start3A_1241 : memref<1x!tpu.dma_semaphore, #tpu.memory_space<semaphore_mem>> -> memref<!tpu.dma_semaphore, #tpu.memory_space<semaphore_mem>>
    %dma_start3A_1243 = arith.constant 0 : i32
    %dma_start3A_1244 = tpu.memref_slice %arg4[%add3A_1232, %dma_start3A_1243] : memref<81920x128xf32, #tpu.memory_space<hbm>> -> memref<128x128xf32, #tpu.memory_space<hbm>>
    %dma_start3A_1245 = arith.constant 0 : i32
    %dma_start3A_1246 = arith.constant 0 : i32
    %dma_start3A_1247 = tpu.memref_slice %arg6[%dma_start3A_1233, %dma_start3A_1245, %dma_start3A_1246] : memref<2x128x128xf32, #tpu.memory_space<vmem>> -> memref<1x128x128xf32, #tpu.memory_space<vmem>>
    %dma_start3A_1248 = tpu.memref_squeeze %dma_start3A_1247 : memref<1x128x128xf32, #tpu.memory_space<vmem>> -> memref<128x128xf32, #tpu.memory_space<vmem>>
    tpu.enqueue_dma source(%dma_start3A_1248 : memref<128x128xf32, #tpu.memory_space<vmem>>) target(%dma_start3A_1244 : memref<128x128xf32, #tpu.memory_space<hbm>>) target_semaphore(%dma_start3A_1242 : memref<!tpu.dma_semaphore, #tpu.memory_space<semaphore_mem>>)
    %dma_wait3A_1249 = arith.constant 0 : i32
    %dma_wait3A_1250 = arith.constant 0 : i32
    %dma_wait3A_1251 = arith.constant 0 : i32
    %dma_wait3A_1252 = arith.constant 0 : i32
    %dma_wait3A_1253 = tpu.memref_slice %arg6[%dma_wait3A_1249, %dma_wait3A_1251, %dma_wait3A_1252] : memref<2x128x128xf32, #tpu.memory_space<vmem>> -> memref<1x128x128xf32, #tpu.memory_space<vmem>>
    %dma_wait3A_1254 = tpu.memref_squeeze %dma_wait3A_1253 : memref<1x128x128xf32, #tpu.memory_space<vmem>> -> memref<128x128xf32, #tpu.memory_space<vmem>>
    %dma_wait3A_1255 = arith.constant 0 : i32
    %dma_wait3A_1256 = tpu.memref_slice %arg4[%add3A_1199, %dma_wait3A_1255] : memref<81920x128xf32, #tpu.memory_space<hbm>> -> memref<128x128xf32, #tpu.memory_space<hbm>>
    %dma_wait3A_1257 = tpu.memref_slice %arg8[%dma_wait3A_1250] : memref<2x!tpu.dma_semaphore, #tpu.memory_space<semaphore_mem>> -> memref<1x!tpu.dma_semaphore, #tpu.memory_space<semaphore_mem>>
    %dma_wait3A_1258 = tpu.memref_squeeze %dma_wait3A_1257 : memref<1x!tpu.dma_semaphore, #tpu.memory_space<semaphore_mem>> -> memref<!tpu.dma_semaphore, #tpu.memory_space<semaphore_mem>>
    %dma_wait3A_1259 = arith.constant 0 : i32
    %dma_wait3A_1260 = tpu.memref_slice %arg4[%add3A_1199, %dma_wait3A_1259] : memref<81920x128xf32, #tpu.memory_space<hbm>> -> memref<128x128xf32, #tpu.memory_space<hbm>>
    %dma_wait3A_1261 = arith.constant 0 : i32
    %dma_wait3A_1262 = arith.constant 0 : i32
    %dma_wait3A_1263 = tpu.memref_slice %arg6[%dma_wait3A_1249, %dma_wait3A_1261, %dma_wait3A_1262] : memref<2x128x128xf32, #tpu.memory_space<vmem>> -> memref<1x128x128xf32, #tpu.memory_space<vmem>>
    %dma_wait3A_1264 = tpu.memref_squeeze %dma_wait3A_1263 : memref<1x128x128xf32, #tpu.memory_space<vmem>> -> memref<128x128xf32, #tpu.memory_space<vmem>>
    tpu.wait_dma2 semaphore(%dma_wait3A_1258 : memref<!tpu.dma_semaphore, #tpu.memory_space<semaphore_mem>>) src(%dma_wait3A_1264 : memref<128x128xf32, #tpu.memory_space<vmem>>) dst(%dma_wait3A_1260 : memref<128x128xf32, #tpu.memory_space<hbm>>)
    %dma_wait3A_1265 = arith.constant 1 : i32
    %dma_wait3A_1266 = arith.constant 1 : i32
    %dma_wait3A_1267 = arith.constant 0 : i32
    %dma_wait3A_1268 = arith.constant 0 : i32
    %dma_wait3A_1269 = tpu.memref_slice %arg6[%dma_wait3A_1265, %dma_wait3A_1267, %dma_wait3A_1268] : memref<2x128x128xf32, #tpu.memory_space<vmem>> -> memref<1x128x128xf32, #tpu.memory_space<vmem>>
    %dma_wait3A_1270 = tpu.memref_squeeze %dma_wait3A_1269 : memref<1x128x128xf32, #tpu.memory_space<vmem>> -> memref<128x128xf32, #tpu.memory_space<vmem>>
    %dma_wait3A_1271 = arith.constant 0 : i32
    %dma_wait3A_1272 = tpu.memref_slice %arg4[%add3A_1232, %dma_wait3A_1271] : memref<81920x128xf32, #tpu.memory_space<hbm>> -> memref<128x128xf32, #tpu.memory_space<hbm>>
    %dma_wait3A_1273 = tpu.memref_slice %arg8[%dma_wait3A_1266] : memref<2x!tpu.dma_semaphore, #tpu.memory_space<semaphore_mem>> -> memref<1x!tpu.dma_semaphore, #tpu.memory_space<semaphore_mem>>
    %dma_wait3A_1274 = tpu.memref_squeeze %dma_wait3A_1273 : memref<1x!tpu.dma_semaphore, #tpu.memory_space<semaphore_mem>> -> memref<!tpu.dma_semaphore, #tpu.memory_space<semaphore_mem>>
    %dma_wait3A_1275 = arith.constant 0 : i32
    %dma_wait3A_1276 = tpu.memref_slice %arg4[%add3A_1232, %dma_wait3A_1275] : memref<81920x128xf32, #tpu.memory_space<hbm>> -> memref<128x128xf32, #tpu.memory_space<hbm>>
    %dma_wait3A_1277 = arith.constant 0 : i32
    %dma_wait3A_1278 = arith.constant 0 : i32
    %dma_wait3A_1279 = tpu.memref_slice %arg6[%dma_wait3A_1265, %dma_wait3A_1277, %dma_wait3A_1278] : memref<2x128x128xf32, #tpu.memory_space<vmem>> -> memref<1x128x128xf32, #tpu.memory_space<vmem>>
    %dma_wait3A_1280 = tpu.memref_squeeze %dma_wait3A_1279 : memref<1x128x128xf32, #tpu.memory_space<vmem>> -> memref<128x128xf32, #tpu.memory_space<vmem>>
    tpu.wait_dma2 semaphore(%dma_wait3A_1274 : memref<!tpu.dma_semaphore, #tpu.memory_space<semaphore_mem>>) src(%dma_wait3A_1280 : memref<128x128xf32, #tpu.memory_space<vmem>>) dst(%dma_wait3A_1276 : memref<128x128xf32, #tpu.memory_space<hbm>>)
    return
  }
}

module attributes {stable_mosaic.version = 14 : i64} {
  func.func @body(%arg0: i32, %arg1: memref<64x4352xf32, #tpu.memory_space<vmem>>, %arg2: memref<64x4352xf32, #tpu.memory_space<vmem>>, %arg3: memref<4352x128xf32, #tpu.memory_space<vmem>>) attributes {dimension_semantics = [#tpu.dimension_semantics<arbitrary>], iteration_bounds = array<i64: 115>, scalar_prefetch = 0 : i64, scratch_operands = 0 : i64, tpu.core_type = #tpu.core_type<tc>, window_params = [{transform_indices = @transform_0, window_bounds = array<i64: 64, 4352>}, {transform_indices = @transform_1, window_bounds = array<i64: 64, 4352>}, {transform_indices = @transform_2, window_bounds = array<i64: 4352, 128>}]} {
    %get3A = arith.constant 0 : index
    %get3A_0 = arith.constant 0 : index
    %get3A_1 = vector.load %arg1[%get3A, %get3A_0] : memref<64x4352xf32, #tpu.memory_space<vmem>>, vector<64x4352xf32>
    %transpose3A = tpu.transpose %get3A_1, [1, 0] : vector<64x4352xf32> -> vector<4352x64xf32>
    %get3A_2 = arith.constant 0 : index
    %get3A_3 = arith.constant 0 : index
    %get3A_4 = vector.load %arg2[%get3A_2, %get3A_3] : memref<64x4352xf32, #tpu.memory_space<vmem>>, vector<64x4352xf32>
    %transpose3A_5 = tpu.transpose %get3A_4, [1, 0] : vector<64x4352xf32> -> vector<4352x64xf32>
    %concatenate3A = tpu.concatenate %transpose3A, %transpose3A_5 in 1 : vector<4352x64xf32>, vector<4352x64xf32> -> vector<4352x128xf32>
    %swap3A = arith.constant 0 : index
    %swap3A_6 = arith.constant 0 : index
    %swap3A_7 = vector.load %arg3[%swap3A, %swap3A_6] : memref<4352x128xf32, #tpu.memory_space<vmem>>, vector<4352x128xf32>
    tpu.vector_store %arg3[%swap3A, %swap3A_6], %concatenate3A {strides = array<i32>} : memref<4352x128xf32, #tpu.memory_space<vmem>>, vector<4352x128xf32>,
    return
  }
  func.func @transform_0(%arg0: i32) -> (i32, i32) {
    %c0_i32 = arith.constant 0 : i32
    %c0_i32_0 = arith.constant 0 : i32
    return %c0_i32, %arg0 : i32, i32
  }
  func.func @transform_1(%arg0: i32) -> (i32, i32) {
    %add3A = arith.constant 115 : i32
    %add3A_0 = arith.addi %arg0, %add3A : i32
    %c0_i32 = arith.constant 0 : i32
    %c0_i32_1 = arith.constant 0 : i32
    return %c0_i32, %add3A_0 : i32, i32
  }
  func.func @transform_2(%arg0: i32) -> (i32, i32) {
    %c0_i32 = arith.constant 0 : i32
    %c0_i32_0 = arith.constant 0 : i32
    return %arg0, %c0_i32 : i32, i32
  }
}

module attributes {stable_mosaic.version = 14 : i64} {
  func.func @_mlp_body(%arg0: i32, %arg1: memref<2048x640xf32, #tpu.memory_space<vmem>>, %arg2: memref<2048x8xf32, #tpu.memory_space<vmem>>, %arg3: memref<192x256xf32, #tpu.memory_space<vmem>>, %arg4: memref<1x256xf32, #tpu.memory_space<vmem>>, %arg5: memref<256x8xf32, #tpu.memory_space<vmem>>, %arg6: memref<1x8xf32, #tpu.memory_space<vmem>>, %arg7: memref<2048x1xf32, #tpu.memory_space<vmem>>, %arg8: memref<2048x2xf32, #tpu.memory_space<vmem>>, %arg9: memref<2048x1xf32, #tpu.memory_space<vmem>>, %arg10: memref<2048x2xf32, #tpu.memory_space<vmem>>, %arg11: memref<2048x1xf32, #tpu.memory_space<vmem>>, %arg12: memref<2048x2xf32, #tpu.memory_space<vmem>>) attributes {dimension_semantics = [#tpu.dimension_semantics<arbitrary>], iteration_bounds = array<i64: 8>, scalar_prefetch = 0 : i64, scratch_operands = 0 : i64, tpu.core_type = #tpu.core_type<tc>, window_params = [{transform_indices = @transform_0, window_bounds = array<i64: 2048, 640>}, {transform_indices = @transform_1, window_bounds = array<i64: 2048, 8>}, {pipeline_mode = #tpu.pipeline_mode<synchronous>, transform_indices = @transform_2, window_bounds = array<i64: 192, 256>}, {pipeline_mode = #tpu.pipeline_mode<synchronous>, transform_indices = @transform_3, window_bounds = array<i64: 1, 256>}, {pipeline_mode = #tpu.pipeline_mode<synchronous>, transform_indices = @transform_4, window_bounds = array<i64: 256, 8>}, {pipeline_mode = #tpu.pipeline_mode<synchronous>, transform_indices = @transform_5, window_bounds = array<i64: 1, 8>}, {transform_indices = @transform_6, window_bounds = array<i64: 2048, 1>}, {transform_indices = @transform_7, window_bounds = array<i64: 2048, 2>}, {transform_indices = @transform_8, window_bounds = array<i64: 2048, 1>}, {transform_indices = @transform_9, window_bounds = array<i64: 2048, 2>}, {transform_indices = @transform_10, window_bounds = array<i64: 2048, 1>}, {transform_indices = @transform_11, window_bounds = array<i64: 2048, 2>}]} {
    %get3A = arith.constant 0 : index
    %get3A_0 = arith.constant 0 : index
    %get3A_1 = vector.load %arg1[%get3A, %get3A_0] : memref<2048x640xf32, #tpu.memory_space<vmem>>, vector<2048x128xf32>
    %get3A_2 = arith.constant 0 : index
    %get3A_3 = arith.constant 0 : index
    %get3A_4 = vector.load %arg2[%get3A_2, %get3A_3] : memref<2048x8xf32, #tpu.memory_space<vmem>>, vector<2048x1xf32>
    %gt3A = arith.constant 5.000000e-01 : f32
    %gt3A_5 = vector.broadcast %gt3A : f32 to vector<2048x1xf32>
    %gt3A_6 = arith.cmpf ogt, %get3A_4, %gt3A_5 : vector<2048x1xf32>
    %slice3A = vector.extract_strided_slice %get3A_1 {offsets = [0, 64], sizes = [2048, 64], strides = [1, 1]} : vector<2048x128xf32> to vector<2048x64xf32>
    %slice3A_7 = vector.extract_strided_slice %get3A_1 {offsets = [0, 0], sizes = [2048, 64], strides = [1, 1]} : vector<2048x128xf32> to vector<2048x64xf32>
    %broadcast_in_dim3A = vector.shape_cast %gt3A_6 : vector<2048x1xi1> to vector<2048x1xi1>
    %broadcast_in_dim3A_8 = vector.broadcast %broadcast_in_dim3A : vector<2048x1xi1> to vector<2048x64xi1>
    %select_n3A = arith.select %broadcast_in_dim3A_8, %slice3A, %slice3A_7 : vector<2048x64xi1>, vector<2048x64xf32>
    %get3A_9 = arith.constant 0 : index
    %get3A_10 = arith.constant 128 : index
    %get3A_11 = vector.load %arg1[%get3A_9, %get3A_10] : memref<2048x640xf32, #tpu.memory_space<vmem>>, vector<2048x128xf32>
    %get3A_12 = arith.constant 0 : index
    %get3A_13 = arith.constant 1 : index
    %get3A_14 = vector.load %arg2[%get3A_12, %get3A_13] : memref<2048x8xf32, #tpu.memory_space<vmem>>, vector<2048x1xf32>
    %gt3A_15 = arith.constant 5.000000e-01 : f32
    %gt3A_16 = vector.broadcast %gt3A_15 : f32 to vector<2048x1xf32>
    %gt3A_17 = arith.cmpf ogt, %get3A_14, %gt3A_16 : vector<2048x1xf32>
    %slice3A_18 = vector.extract_strided_slice %get3A_11 {offsets = [0, 64], sizes = [2048, 64], strides = [1, 1]} : vector<2048x128xf32> to vector<2048x64xf32>
    %slice3A_19 = vector.extract_strided_slice %get3A_11 {offsets = [0, 0], sizes = [2048, 64], strides = [1, 1]} : vector<2048x128xf32> to vector<2048x64xf32>
    %broadcast_in_dim3A_20 = vector.shape_cast %gt3A_17 : vector<2048x1xi1> to vector<2048x1xi1>
    %broadcast_in_dim3A_21 = vector.broadcast %broadcast_in_dim3A_20 : vector<2048x1xi1> to vector<2048x64xi1>
    %select_n3A_22 = arith.select %broadcast_in_dim3A_21, %slice3A_18, %slice3A_19 : vector<2048x64xi1>, vector<2048x64xf32>
    %concatenate3A = tpu.concatenate %select_n3A, %select_n3A_22 in 1 : vector<2048x64xf32>, vector<2048x64xf32> -> vector<2048x128xf32>
    %get3A_23 = arith.constant 0 : index
    %get3A_24 = arith.constant 0 : index
    %get3A_25 = vector.load %arg3[%get3A_23, %get3A_24] : memref<192x256xf32, #tpu.memory_space<vmem>>, vector<128x256xf32>
    %dot_general3A = arith.constant dense<0.000000e+00> : vector<2048x256xf32>
    %dot_general3A_26 = tpu.matmul %concatenate3A, %get3A_25, %dot_general3A {dimension_numbers = #tpu.dot_dimension_numbers<[1], [0], [0], [1], [0, 0, 1, 1], [], []>, transpose_lhs_hint = false} : vector<2048x128xf32>, vector<128x256xf32>, vector<2048x256xf32> -> vector<2048x256xf32>
    %get3A_27 = arith.constant 0 : index
    %get3A_28 = arith.constant 0 : index
    %get3A_29 = vector.load %arg4[%get3A_27, %get3A_28] : memref<1x256xf32, #tpu.memory_space<vmem>>, vector<1x256xf32>
    %get3A_30 = vector.shape_cast %get3A_29 : vector<1x256xf32> to vector<256xf32>
    %broadcast_in_dim3A_31 = vector.shape_cast %get3A_30 : vector<256xf32> to vector<1x256xf32>
    %add3A = vector.broadcast %broadcast_in_dim3A_31 : vector<1x256xf32> to vector<2048x256xf32>
    %add3A_32 = arith.addf %dot_general3A_26, %add3A : vector<2048x256xf32>
    %get3A_33 = arith.constant 128 : index
    %get3A_34 = arith.constant 0 : index
    %get3A_35 = vector.load %arg3[%get3A_33, %get3A_34] : memref<192x256xf32, #tpu.memory_space<vmem>>, vector<64x256xf32>
    %get3A_36 = arith.constant 0 : index
    %get3A_37 = arith.constant 256 : index
    %get3A_38 = vector.load %arg1[%get3A_36, %get3A_37] : memref<2048x640xf32, #tpu.memory_space<vmem>>, vector<2048x128xf32>
    %get3A_39 = arith.constant 0 : index
    %get3A_40 = arith.constant 2 : index
    %get3A_41 = vector.load %arg2[%get3A_39, %get3A_40] : memref<2048x8xf32, #tpu.memory_space<vmem>>, vector<2048x1xf32>
    %gt3A_42 = arith.constant 5.000000e-01 : f32
    %gt3A_43 = vector.broadcast %gt3A_42 : f32 to vector<2048x1xf32>
    %gt3A_44 = arith.cmpf ogt, %get3A_41, %gt3A_43 : vector<2048x1xf32>
    %slice3A_45 = vector.extract_strided_slice %get3A_38 {offsets = [0, 64], sizes = [2048, 64], strides = [1, 1]} : vector<2048x128xf32> to vector<2048x64xf32>
    %slice3A_46 = vector.extract_strided_slice %get3A_38 {offsets = [0, 0], sizes = [2048, 64], strides = [1, 1]} : vector<2048x128xf32> to vector<2048x64xf32>
    %broadcast_in_dim3A_47 = vector.shape_cast %gt3A_44 : vector<2048x1xi1> to vector<2048x1xi1>
    %broadcast_in_dim3A_48 = vector.broadcast %broadcast_in_dim3A_47 : vector<2048x1xi1> to vector<2048x64xi1>
    %select_n3A_49 = arith.select %broadcast_in_dim3A_48, %slice3A_45, %slice3A_46 : vector<2048x64xi1>, vector<2048x64xf32>
    %dot_general3A_50 = arith.constant dense<0.000000e+00> : vector<2048x256xf32>
    %dot_general3A_51 = tpu.matmul %select_n3A_49, %get3A_35, %dot_general3A_50 {dimension_numbers = #tpu.dot_dimension_numbers<[1], [0], [0], [1], [0, 0, 1, 1], [], []>, transpose_lhs_hint = false} : vector<2048x64xf32>, vector<64x256xf32>, vector<2048x256xf32> -> vector<2048x256xf32>
    %add3A_52 = arith.addf %add3A_32, %dot_general3A_51 : vector<2048x256xf32>
    %jit3A = arith.constant -1.000000e+00 : f32
    %jit3A_53 = arith.constant 1.000000e+00 : f32
    %max3A = vector.broadcast %jit3A : f32 to vector<2048x256xf32>
    %max3A_54 = arith.maximumf %max3A, %add3A_52 : vector<2048x256xf32>
    %min3A = vector.broadcast %jit3A_53 : f32 to vector<2048x256xf32>
    %min3A_55 = arith.minimumf %min3A, %max3A_54 : vector<2048x256xf32>
    %get3A_56 = arith.constant 0 : index
    %get3A_57 = arith.constant 0 : index
    %get3A_58 = vector.load %arg5[%get3A_56, %get3A_57] : memref<256x8xf32, #tpu.memory_space<vmem>>, vector<256x8xf32>
    %dot_general3A_59 = arith.constant dense<0.000000e+00> : vector<2048x8xf32>
    %dot_general3A_60 = tpu.matmul %min3A_55, %get3A_58, %dot_general3A_59 {dimension_numbers = #tpu.dot_dimension_numbers<[1], [0], [0], [1], [0, 0, 1, 1], [], []>, transpose_lhs_hint = false} : vector<2048x256xf32>, vector<256x8xf32>, vector<2048x8xf32> -> vector<2048x8xf32>
    %get3A_61 = arith.constant 0 : index
    %get3A_62 = arith.constant 0 : index
    %get3A_63 = vector.load %arg6[%get3A_61, %get3A_62] : memref<1x8xf32, #tpu.memory_space<vmem>>, vector<1x8xf32>
    %get3A_64 = vector.shape_cast %get3A_63 : vector<1x8xf32> to vector<8xf32>
    %broadcast_in_dim3A_65 = vector.shape_cast %get3A_64 : vector<8xf32> to vector<1x8xf32>
    %add3A_66 = vector.broadcast %broadcast_in_dim3A_65 : vector<1x8xf32> to vector<2048x8xf32>
    %add3A_67 = arith.addf %dot_general3A_60, %add3A_66 : vector<2048x8xf32>
    %slice3A_68 = vector.extract_strided_slice %add3A_67 {offsets = [0, 0], sizes = [2048, 1], strides = [1, 1]} : vector<2048x8xf32> to vector<2048x1xf32>
    %swap3A = arith.constant 0 : index
    %swap3A_69 = arith.constant 0 : index
    %swap3A_70 = vector.load %arg7[%swap3A, %swap3A_69] : memref<2048x1xf32, #tpu.memory_space<vmem>>, vector<2048x1xf32>
    tpu.vector_store %arg7[%swap3A, %swap3A_69], %slice3A_68 {strides = array<i32>} : memref<2048x1xf32, #tpu.memory_space<vmem>>, vector<2048x1xf32>,
    %slice3A_71 = vector.extract_strided_slice %add3A_67 {offsets = [0, 1], sizes = [2048, 1], strides = [1, 1]} : vector<2048x8xf32> to vector<2048x1xf32>
    %slice3A_72 = vector.extract_strided_slice %add3A_67 {offsets = [0, 2], sizes = [2048, 1], strides = [1, 1]} : vector<2048x8xf32> to vector<2048x1xf32>
    %max3A_73 = arith.maximumf %slice3A_71, %slice3A_72 : vector<2048x1xf32>
    %sub3A = arith.subf %slice3A_71, %max3A_73 : vector<2048x1xf32>
    %exp3A = math.exp %sub3A : vector<2048x1xf32>
    %sub3A_74 = arith.subf %slice3A_72, %max3A_73 : vector<2048x1xf32>
    %exp3A_75 = math.exp %sub3A_74 : vector<2048x1xf32>
    %add3A_76 = arith.addf %exp3A, %exp3A_75 : vector<2048x1xf32>
    %div3A = arith.constant 1.000000e+00 : f32
    %div3A_77 = vector.broadcast %div3A : f32 to vector<2048x1xf32>
    %div3A_78 = arith.divf %div3A_77, %add3A_76 : vector<2048x1xf32>
    %mul3A = arith.mulf %exp3A, %div3A_78 : vector<2048x1xf32>
    %mul3A_79 = arith.mulf %exp3A_75, %div3A_78 : vector<2048x1xf32>
    %concatenate3A_80 = tpu.concatenate %mul3A, %mul3A_79 in 1 : vector<2048x1xf32>, vector<2048x1xf32> -> vector<2048x2xf32>
    %swap3A_81 = arith.constant 0 : index
    %swap3A_82 = arith.constant 0 : index
    %swap3A_83 = vector.load %arg8[%swap3A_81, %swap3A_82] : memref<2048x2xf32, #tpu.memory_space<vmem>>, vector<2048x2xf32>
    tpu.vector_store %arg8[%swap3A_81, %swap3A_82], %concatenate3A_80 {strides = array<i32>} : memref<2048x2xf32, #tpu.memory_space<vmem>>, vector<2048x2xf32>,
    %get3A_84 = arith.constant 0 : index
    %get3A_85 = arith.constant 384 : index
    %get3A_86 = vector.load %arg1[%get3A_84, %get3A_85] : memref<2048x640xf32, #tpu.memory_space<vmem>>, vector<2048x128xf32>
    %get3A_87 = arith.constant 0 : index
    %get3A_88 = arith.constant 3 : index
    %get3A_89 = vector.load %arg2[%get3A_87, %get3A_88] : memref<2048x8xf32, #tpu.memory_space<vmem>>, vector<2048x1xf32>
    %gt3A_90 = arith.constant 5.000000e-01 : f32
    %gt3A_91 = vector.broadcast %gt3A_90 : f32 to vector<2048x1xf32>
    %gt3A_92 = arith.cmpf ogt, %get3A_89, %gt3A_91 : vector<2048x1xf32>
    %slice3A_93 = vector.extract_strided_slice %get3A_86 {offsets = [0, 64], sizes = [2048, 64], strides = [1, 1]} : vector<2048x128xf32> to vector<2048x64xf32>
    %slice3A_94 = vector.extract_strided_slice %get3A_86 {offsets = [0, 0], sizes = [2048, 64], strides = [1, 1]} : vector<2048x128xf32> to vector<2048x64xf32>
    %broadcast_in_dim3A_95 = vector.shape_cast %gt3A_92 : vector<2048x1xi1> to vector<2048x1xi1>
    %broadcast_in_dim3A_96 = vector.broadcast %broadcast_in_dim3A_95 : vector<2048x1xi1> to vector<2048x64xi1>
    %select_n3A_97 = arith.select %broadcast_in_dim3A_96, %slice3A_93, %slice3A_94 : vector<2048x64xi1>, vector<2048x64xf32>
    %dot_general3A_98 = arith.constant dense<0.000000e+00> : vector<2048x256xf32>
    %dot_general3A_99 = tpu.matmul %select_n3A_97, %get3A_35, %dot_general3A_98 {dimension_numbers = #tpu.dot_dimension_numbers<[1], [0], [0], [1], [0, 0, 1, 1], [], []>, transpose_lhs_hint = false} : vector<2048x64xf32>, vector<64x256xf32>, vector<2048x256xf32> -> vector<2048x256xf32>
    %add3A_100 = arith.addf %add3A_32, %dot_general3A_99 : vector<2048x256xf32>
    %jit3A_101 = arith.constant -1.000000e+00 : f32
    %jit3A_102 = arith.constant 1.000000e+00 : f32
    %max3A_103 = vector.broadcast %jit3A_101 : f32 to vector<2048x256xf32>
    %max3A_104 = arith.maximumf %max3A_103, %add3A_100 : vector<2048x256xf32>
    %min3A_105 = vector.broadcast %jit3A_102 : f32 to vector<2048x256xf32>
    %min3A_106 = arith.minimumf %min3A_105, %max3A_104 : vector<2048x256xf32>
    %get3A_107 = arith.constant 0 : index
    %get3A_108 = arith.constant 0 : index
    %get3A_109 = vector.load %arg5[%get3A_107, %get3A_108] : memref<256x8xf32, #tpu.memory_space<vmem>>, vector<256x8xf32>
    %dot_general3A_110 = arith.constant dense<0.000000e+00> : vector<2048x8xf32>
    %dot_general3A_111 = tpu.matmul %min3A_106, %get3A_109, %dot_general3A_110 {dimension_numbers = #tpu.dot_dimension_numbers<[1], [0], [0], [1], [0, 0, 1, 1], [], []>, transpose_lhs_hint = false} : vector<2048x256xf32>, vector<256x8xf32>, vector<2048x8xf32> -> vector<2048x8xf32>
    %get3A_112 = arith.constant 0 : index
    %get3A_113 = arith.constant 0 : index
    %get3A_114 = vector.load %arg6[%get3A_112, %get3A_113] : memref<1x8xf32, #tpu.memory_space<vmem>>, vector<1x8xf32>
    %get3A_115 = vector.shape_cast %get3A_114 : vector<1x8xf32> to vector<8xf32>
    %broadcast_in_dim3A_116 = vector.shape_cast %get3A_115 : vector<8xf32> to vector<1x8xf32>
    %add3A_117 = vector.broadcast %broadcast_in_dim3A_116 : vector<1x8xf32> to vector<2048x8xf32>
    %add3A_118 = arith.addf %dot_general3A_111, %add3A_117 : vector<2048x8xf32>
    %slice3A_119 = vector.extract_strided_slice %add3A_118 {offsets = [0, 0], sizes = [2048, 1], strides = [1, 1]} : vector<2048x8xf32> to vector<2048x1xf32>
    %swap3A_120 = arith.constant 0 : index
    %swap3A_121 = arith.constant 0 : index
    %swap3A_122 = vector.load %arg9[%swap3A_120, %swap3A_121] : memref<2048x1xf32, #tpu.memory_space<vmem>>, vector<2048x1xf32>
    tpu.vector_store %arg9[%swap3A_120, %swap3A_121], %slice3A_119 {strides = array<i32>} : memref<2048x1xf32, #tpu.memory_space<vmem>>, vector<2048x1xf32>,
    %slice3A_123 = vector.extract_strided_slice %add3A_118 {offsets = [0, 1], sizes = [2048, 1], strides = [1, 1]} : vector<2048x8xf32> to vector<2048x1xf32>
    %slice3A_124 = vector.extract_strided_slice %add3A_118 {offsets = [0, 2], sizes = [2048, 1], strides = [1, 1]} : vector<2048x8xf32> to vector<2048x1xf32>
    %max3A_125 = arith.maximumf %slice3A_123, %slice3A_124 : vector<2048x1xf32>
    %sub3A_126 = arith.subf %slice3A_123, %max3A_125 : vector<2048x1xf32>
    %exp3A_127 = math.exp %sub3A_126 : vector<2048x1xf32>
    %sub3A_128 = arith.subf %slice3A_124, %max3A_125 : vector<2048x1xf32>
    %exp3A_129 = math.exp %sub3A_128 : vector<2048x1xf32>
    %add3A_130 = arith.addf %exp3A_127, %exp3A_129 : vector<2048x1xf32>
    %div3A_131 = arith.constant 1.000000e+00 : f32
    %div3A_132 = vector.broadcast %div3A_131 : f32 to vector<2048x1xf32>
    %div3A_133 = arith.divf %div3A_132, %add3A_130 : vector<2048x1xf32>
    %mul3A_134 = arith.mulf %exp3A_127, %div3A_133 : vector<2048x1xf32>
    %mul3A_135 = arith.mulf %exp3A_129, %div3A_133 : vector<2048x1xf32>
    %concatenate3A_136 = tpu.concatenate %mul3A_134, %mul3A_135 in 1 : vector<2048x1xf32>, vector<2048x1xf32> -> vector<2048x2xf32>
    %swap3A_137 = arith.constant 0 : index
    %swap3A_138 = arith.constant 0 : index
    %swap3A_139 = vector.load %arg10[%swap3A_137, %swap3A_138] : memref<2048x2xf32, #tpu.memory_space<vmem>>, vector<2048x2xf32>
    tpu.vector_store %arg10[%swap3A_137, %swap3A_138], %concatenate3A_136 {strides = array<i32>} : memref<2048x2xf32, #tpu.memory_space<vmem>>, vector<2048x2xf32>,
    %get3A_140 = arith.constant 0 : index
    %get3A_141 = arith.constant 512 : index
    %get3A_142 = vector.load %arg1[%get3A_140, %get3A_141] : memref<2048x640xf32, #tpu.memory_space<vmem>>, vector<2048x128xf32>
    %get3A_143 = arith.constant 0 : index
    %get3A_144 = arith.constant 4 : index
    %get3A_145 = vector.load %arg2[%get3A_143, %get3A_144] : memref<2048x8xf32, #tpu.memory_space<vmem>>, vector<2048x1xf32>
    %gt3A_146 = arith.constant 5.000000e-01 : f32
    %gt3A_147 = vector.broadcast %gt3A_146 : f32 to vector<2048x1xf32>
    %gt3A_148 = arith.cmpf ogt, %get3A_145, %gt3A_147 : vector<2048x1xf32>
    %slice3A_149 = vector.extract_strided_slice %get3A_142 {offsets = [0, 64], sizes = [2048, 64], strides = [1, 1]} : vector<2048x128xf32> to vector<2048x64xf32>
    %slice3A_150 = vector.extract_strided_slice %get3A_142 {offsets = [0, 0], sizes = [2048, 64], strides = [1, 1]} : vector<2048x128xf32> to vector<2048x64xf32>
    %broadcast_in_dim3A_151 = vector.shape_cast %gt3A_148 : vector<2048x1xi1> to vector<2048x1xi1>
    %broadcast_in_dim3A_152 = vector.broadcast %broadcast_in_dim3A_151 : vector<2048x1xi1> to vector<2048x64xi1>
    %select_n3A_153 = arith.select %broadcast_in_dim3A_152, %slice3A_149, %slice3A_150 : vector<2048x64xi1>, vector<2048x64xf32>
    %dot_general3A_154 = arith.constant dense<0.000000e+00> : vector<2048x256xf32>
    %dot_general3A_155 = tpu.matmul %select_n3A_153, %get3A_35, %dot_general3A_154 {dimension_numbers = #tpu.dot_dimension_numbers<[1], [0], [0], [1], [0, 0, 1, 1], [], []>, transpose_lhs_hint = false} : vector<2048x64xf32>, vector<64x256xf32>, vector<2048x256xf32> -> vector<2048x256xf32>
    %add3A_156 = arith.addf %add3A_32, %dot_general3A_155 : vector<2048x256xf32>
    %jit3A_157 = arith.constant -1.000000e+00 : f32
    %jit3A_158 = arith.constant 1.000000e+00 : f32
    %max3A_159 = vector.broadcast %jit3A_157 : f32 to vector<2048x256xf32>
    %max3A_160 = arith.maximumf %max3A_159, %add3A_156 : vector<2048x256xf32>
    %min3A_161 = vector.broadcast %jit3A_158 : f32 to vector<2048x256xf32>
    %min3A_162 = arith.minimumf %min3A_161, %max3A_160 : vector<2048x256xf32>
    %get3A_163 = arith.constant 0 : index
    %get3A_164 = arith.constant 0 : index
    %get3A_165 = vector.load %arg5[%get3A_163, %get3A_164] : memref<256x8xf32, #tpu.memory_space<vmem>>, vector<256x8xf32>
    %dot_general3A_166 = arith.constant dense<0.000000e+00> : vector<2048x8xf32>
    %dot_general3A_167 = tpu.matmul %min3A_162, %get3A_165, %dot_general3A_166 {dimension_numbers = #tpu.dot_dimension_numbers<[1], [0], [0], [1], [0, 0, 1, 1], [], []>, transpose_lhs_hint = false} : vector<2048x256xf32>, vector<256x8xf32>, vector<2048x8xf32> -> vector<2048x8xf32>
    %get3A_168 = arith.constant 0 : index
    %get3A_169 = arith.constant 0 : index
    %get3A_170 = vector.load %arg6[%get3A_168, %get3A_169] : memref<1x8xf32, #tpu.memory_space<vmem>>, vector<1x8xf32>
    %get3A_171 = vector.shape_cast %get3A_170 : vector<1x8xf32> to vector<8xf32>
    %broadcast_in_dim3A_172 = vector.shape_cast %get3A_171 : vector<8xf32> to vector<1x8xf32>
    %add3A_173 = vector.broadcast %broadcast_in_dim3A_172 : vector<1x8xf32> to vector<2048x8xf32>
    %add3A_174 = arith.addf %dot_general3A_167, %add3A_173 : vector<2048x8xf32>
    %slice3A_175 = vector.extract_strided_slice %add3A_174 {offsets = [0, 0], sizes = [2048, 1], strides = [1, 1]} : vector<2048x8xf32> to vector<2048x1xf32>
    %swap3A_176 = arith.constant 0 : index
    %swap3A_177 = arith.constant 0 : index
    %swap3A_178 = vector.load %arg11[%swap3A_176, %swap3A_177] : memref<2048x1xf32, #tpu.memory_space<vmem>>, vector<2048x1xf32>
    tpu.vector_store %arg11[%swap3A_176, %swap3A_177], %slice3A_175 {strides = array<i32>} : memref<2048x1xf32, #tpu.memory_space<vmem>>, vector<2048x1xf32>,
    %slice3A_179 = vector.extract_strided_slice %add3A_174 {offsets = [0, 1], sizes = [2048, 1], strides = [1, 1]} : vector<2048x8xf32> to vector<2048x1xf32>
    %slice3A_180 = vector.extract_strided_slice %add3A_174 {offsets = [0, 2], sizes = [2048, 1], strides = [1, 1]} : vector<2048x8xf32> to vector<2048x1xf32>
    %max3A_181 = arith.maximumf %slice3A_179, %slice3A_180 : vector<2048x1xf32>
    %sub3A_182 = arith.subf %slice3A_179, %max3A_181 : vector<2048x1xf32>
    %exp3A_183 = math.exp %sub3A_182 : vector<2048x1xf32>
    %sub3A_184 = arith.subf %slice3A_180, %max3A_181 : vector<2048x1xf32>
    %exp3A_185 = math.exp %sub3A_184 : vector<2048x1xf32>
    %add3A_186 = arith.addf %exp3A_183, %exp3A_185 : vector<2048x1xf32>
    %div3A_187 = arith.constant 1.000000e+00 : f32
    %div3A_188 = vector.broadcast %div3A_187 : f32 to vector<2048x1xf32>
    %div3A_189 = arith.divf %div3A_188, %add3A_186 : vector<2048x1xf32>
    %mul3A_190 = arith.mulf %exp3A_183, %div3A_189 : vector<2048x1xf32>
    %mul3A_191 = arith.mulf %exp3A_185, %div3A_189 : vector<2048x1xf32>
    %concatenate3A_192 = tpu.concatenate %mul3A_190, %mul3A_191 in 1 : vector<2048x1xf32>, vector<2048x1xf32> -> vector<2048x2xf32>
    %swap3A_193 = arith.constant 0 : index
    %swap3A_194 = arith.constant 0 : index
    %swap3A_195 = vector.load %arg12[%swap3A_193, %swap3A_194] : memref<2048x2xf32, #tpu.memory_space<vmem>>, vector<2048x2xf32>
    tpu.vector_store %arg12[%swap3A_193, %swap3A_194], %concatenate3A_192 {strides = array<i32>} : memref<2048x2xf32, #tpu.memory_space<vmem>>, vector<2048x2xf32>,
    return
  }
  func.func @transform_0(%arg0: i32) -> (i32, i32) {
    %c0_i32 = arith.constant 0 : i32
    %c0_i32_0 = arith.constant 0 : i32
    return %arg0, %c0_i32 : i32, i32
  }
  func.func @transform_1(%arg0: i32) -> (i32, i32) {
    %c0_i32 = arith.constant 0 : i32
    %c0_i32_0 = arith.constant 0 : i32
    return %arg0, %c0_i32 : i32, i32
  }
  func.func @transform_2(%arg0: i32) -> (i32, i32) {
    %c0_i32 = arith.constant 0 : i32
    %c0_i32_0 = arith.constant 0 : i32
    %c0_i32_1 = arith.constant 0 : i32
    return %c0_i32, %c0_i32_0 : i32, i32
  }
  func.func @transform_3(%arg0: i32) -> (i32, i32) {
    %c0_i32 = arith.constant 0 : i32
    %c0_i32_0 = arith.constant 0 : i32
    %c0_i32_1 = arith.constant 0 : i32
    return %c0_i32, %c0_i32_0 : i32, i32
  }
  func.func @transform_4(%arg0: i32) -> (i32, i32) {
    %c0_i32 = arith.constant 0 : i32
    %c0_i32_0 = arith.constant 0 : i32
    %c0_i32_1 = arith.constant 0 : i32
    return %c0_i32, %c0_i32_0 : i32, i32
  }
  func.func @transform_5(%arg0: i32) -> (i32, i32) {
    %c0_i32 = arith.constant 0 : i32
    %c0_i32_0 = arith.constant 0 : i32
    %c0_i32_1 = arith.constant 0 : i32
    return %c0_i32, %c0_i32_0 : i32, i32
  }
  func.func @transform_6(%arg0: i32) -> (i32, i32) {
    %c0_i32 = arith.constant 0 : i32
    %c0_i32_0 = arith.constant 0 : i32
    return %arg0, %c0_i32 : i32, i32
  }
  func.func @transform_7(%arg0: i32) -> (i32, i32) {
    %c0_i32 = arith.constant 0 : i32
    %c0_i32_0 = arith.constant 0 : i32
    return %arg0, %c0_i32 : i32, i32
  }
  func.func @transform_8(%arg0: i32) -> (i32, i32) {
    %c0_i32 = arith.constant 0 : i32
    %c0_i32_0 = arith.constant 0 : i32
    return %arg0, %c0_i32 : i32, i32
  }
  func.func @transform_9(%arg0: i32) -> (i32, i32) {
    %c0_i32 = arith.constant 0 : i32
    %c0_i32_0 = arith.constant 0 : i32
    return %arg0, %c0_i32 : i32, i32
  }
  func.func @transform_10(%arg0: i32) -> (i32, i32) {
    %c0_i32 = arith.constant 0 : i32
    %c0_i32_0 = arith.constant 0 : i32
    return %arg0, %c0_i32 : i32, i32
  }
  func.func @transform_11(%arg0: i32) -> (i32, i32) {
    %c0_i32 = arith.constant 0 : i32
    %c0_i32_0 = arith.constant 0 : i32
    return %arg0, %c0_i32 : i32, i32
  }
}

</mosaic_0001>

<sc_bundles>
// kernel: kernel.5.cloned.1.call-start
scs
__scs_entry_jumppad:
0x0: {  	(pc) =	sbr.rel $0x88, $3  }
0x1: {  	(tag) =	ssettag $0x0;
	lr =	simm.s32 $0x1  }
0x2: {  	[smem:$0x3F97] =	sst lr;
	_ =	strace $0xD0000000  }
0x3: {  	_ = 	snop  }
0x4: {  	_ = 	snop  }
0x5: {  	_ = 	snop  }
0x6: {  	_ = 	snop  }
0x7: {  	_ = 	snop  }
__scs_overlays_trampoline_lowered:
0x8: {  	[smem:$0x3FA6] =	sst s0  }
0x9: {  	[smem:$0x3FA7] =	sst s1  }
0xa: {  	[smem:$0x3FA8] =	sst s2  }
0xb: {  	[smem:$0x3FA9] =	sst s3  }
0xc: {  	[smem:$0x3FAA] =	sst s4  }
0xd: {  	[smem:$0x3FAB] =	sst s5  }
0xe: {  	[smem:$0x3FAC] =	sst s6  }
0xf: {  	[smem:$0x3FAD] =	sst s7  }
0x10: {  	[smem:$0x3FAE] =	sst s8  }
0x11: {  	[smem:$0x3FAF] =	sst s9;
	s0 =	simm.s32 @!p0 $0x0  }
0x12: {  	s1 =	sld [smem:$0x3F95];
	s0 =	simm.s32 @p0 $0x1  }
0x13: {  	[smem:$0x3FB0] =	sst s0;
	s0 =	simm.s32 @!p1 $0x0  }
0x14: {  	s2 =	sld [smem:$0x3F94];
	s0 =	simm.s32 @p1 $0x1  }
0x15: {  	[smem:$0x3FB1] =	sst s0;
	s0 =	simm.s32 @!p2 $0x0  }
0x16: {  	s3 =	sld [smem:$0x3FDB];
	s0 =	simm.s32 @p2 $0x1  }
0x17: {  	s4 =	simm.s32 $0x1BF5;
	[smem:$0x3FB3] =	sst s0  }
0x18: {  	s0 =	sld [smem:$0x3F96];
	_ =	swait.ge [sflag:s4], $0x0  }
0x19: {  	s7 =	sld [smem:$0x3F97]  }
0x1a: {  	s8 =	sadd.s32 $0xFFFFE003, lr  }
0x1b: {  	s9 =	sadd.s32 $0xFFFFFEF7, lr;
	s5 =	simm.s32 $0xFFFFFFFF;
	p2 =	slt.u32 s8, $0xFFFFF086  }
0x1c: {  	p1 =	slt.u32 s9, $0xF7A;
	s5 =	simm.s32 @!p2 $0x0  }
0x1d: {  	s5 =	simm.s32 @p1 $0x1;
	p0 =	seq.s32 s7, s2  }
0x1e: {  	s7 =	smul.u32 @!p0 $0xF7A, s2;
	p2 =	seq.s32 @!p0 s5, $0x0  }
0x1f: {  	s9 =	smul.u32 $0xF7A, s1;
	s8 =	simm.s32 @!p0 $0x1BF5;
	p2 =	por !p2, p0  }
0x20: {  	[sflag:s8] =	ssyncset.s32 @!p0 $0xFFFFF086;
	s6 =	sadd.s32 @!p0 s3, s7;
	s7 =	simm.s32 @!p0 $0x108  }
0x21: {  	s3 =	sadd.s32 s3, s9;
	s6 =	sadd.s32 @!p0 $0x88, s6;
	s7 =	simm.s32 @p2 $0x1082  }
0x22: {  	[simem:s7], [sflag:s8] =	dma.local @!p0 [hbm:s6], $0xF7A  }
0x23: {  	s9 =	sor.u32 $0xD0000000, s2;
	s6 =	simm.s32 $0x108;
	_ =	swait.ge @!p0 [sflag:s8], $0x0  }
0x24: {  	s3 =	sadd.s32 $0x88, s3;
	s6 =	simm.s32 @!p1 $0x1082;
	[sflag:s4] =	ssyncset.s32 $0xFFFFF086  }
0x25: {  	[simem:s6], [sflag:s4] =	dma.local [hbm:s3], $0xF7A  }
0x26: {  	[smem:$0x3F97] =	sst s1;
	(tag) =	ssettag s2;
	_ =	strace s9  }
0x27: {  	s1 =	sld [smem:$0x3FA7]  }
0x28: {  	s2 =	sld [smem:$0x3FA8]  }
0x29: {  	s4 =	sld [smem:$0x3FAA]  }
0x2a: {  	p0 =	seq.s32 s5, $0x0;
	s5 =	sld [smem:$0x3FAB]  }
0x2b: {  	s6 =	sld [smem:$0x3FAC]  }
0x2c: {  	s7 =	sld [smem:$0x3FAD]  }
0x2d: {  	s3 =	simm.s32 $0x108;
	s8 =	sld [smem:$0x3FAE]  }
0x2e: {  	s3 =	simm.s32 @!p0 $0x1082;
	s9 =	sld [smem:$0x3FAF]  }
0x2f: {  	lr =	sadd.s32 s0, s3;
	s0 =	sld [smem:$0x3FA6]  }
0x30: {  	s3 =	sld [smem:$0x3FA9]  }
0x31: {  	[smem:$0x3FB2] =	sst s10  }
0x32: {  	s10 =	sld [smem:$0x3FB0];
	_ =	sdelay $0x3  }
0x33: {  	p0 =	seq.s32 s10, $0x1;
	s10 =	sld [smem:$0x3FB2];
	_ =	sdelay $0x3  }
0x34: {  	[smem:$0x3FB2] =	sst s10  }
0x35: {  	s10 =	sld [smem:$0x3FB1];
	_ =	sdelay $0x3  }
0x36: {  	p1 =	seq.s32 s10, $0x1;
	s10 =	sld [smem:$0x3FB2];
	_ =	sdelay $0x3  }
0x37: {  	[smem:$0x3FB2] =	sst s10  }
0x38: {  	s10 =	sld [smem:$0x3FB3]  }
0x39: {  	_ = 	snop;
	(pc) =	sbr.ind lr, $3  }
0x3a: {  	_ = 	snop  }
0x3b: {  	_ = 	snop  }
0x3c: {  	p2 =	seq.s32 s10, $0x1;
	s10 =	sld [smem:$0x3FB2]  }
0x3d: {  	_ =	shalt  }
0x3e: {  	_ =	shalt  }
0x3f: {  	_ =	shalt  }
0x40: {  	_ =	shalt  }
0x41: {  	_ =	shalt  }
0x42: {  	_ =	shalt  }
0x43: {  	_ =	shalt  }
0x44: {  	_ =	shalt  }
0x45: {  	_ =	shalt  }
0x46: {  	_ =	shalt  }
0x47: {  	_ =	shalt  }
0x48: {  	_ =	shalt  }
0x49: {  	_ =	shalt  }
0x4a: {  	_ =	shalt  }
0x4b: {  	_ =	shalt  }
0x4c: {  	_ =	shalt  }
0x4d: {  	_ =	shalt  }
0x4e: {  	_ =	shalt  }
0x4f: {  	_ =	shalt  }
0x50: {  	_ =	shalt  }
0x51: {  	_ =	shalt  }
0x52: {  	_ =	shalt  }
0x53: {  	_ =	shalt  }
0x54: {  	_ =	shalt  }
0x55: {  	_ =	shalt  }
0x56: {  	_ =	shalt  }
0x57: {  	_ =	shalt  }
0x58: {  	_ =	shalt  }
0x59: {  	_ =	shalt  }
0x5a: {  	_ =	shalt  }
0x5b: {  	_ =	shalt  }
0x5c: {  	_ =	shalt  }
0x5d: {  	_ =	shalt  }
0x5e: {  	_ =	shalt  }
0x5f: {  	_ =	shalt  }
0x60: {  	_ =	shalt  }
0x61: {  	_ =	shalt  }
0x62: {  	_ =	shalt  }
0x63: {  	_ =	shalt  }
0x64: {  	_ =	shalt  }
0x65: {  	_ =	shalt  }
0x66: {  	_ =	shalt  }
0x67: {  	_ =	shalt  }
0x68: {  	_ =	shalt  }
0x69: {  	_ =	shalt  }
0x6a: {  	_ =	shalt  }
0x6b: {  	_ =	shalt  }
0x6c: {  	_ =	shalt  }
0x6d: {  	_ =	shalt  }
0x6e: {  	_ =	shalt  }
0x6f: {  	_ =	shalt  }
0x70: {  	_ =	shalt  }
0x71: {  	_ =	shalt  }
0x72: {  	_ =	shalt  }
0x73: {  	_ =	shalt  }
0x74: {  	_ =	shalt  }
0x75: {  	_ =	shalt  }
0x76: {  	_ =	shalt  }
0x77: {  	_ =	shalt  }
0x78: {  	_ =	shalt  }
0x79: {  	_ =	shalt  }
0x7a: {  	_ =	shalt  }
0x7b: {  	_ =	shalt  }
0x7c: {  	_ =	shalt  }
0x7d: {  	_ =	shalt  }
0x7e: {  	_ =	shalt  }
0x7f: {  	_ =	shalt  }
0x80: {  	_ =	shalt  }
0x81: {  	_ =	shalt  }
0x82: {  	_ =	shalt  }
0x83: {  	_ =	shalt  }
0x84: {  	_ =	shalt  }
0x85: {  	_ =	shalt  }
0x86: {  	_ =	shalt  }
0x87: {  	_ =	shalt  }
.Lfunc_end0:
.L_simem_size_0:
called_computation_lowered:
.L_overlay_start_0:
0x88: {  	s2 =	sld [smem:$0x3FD9]  }
0x89: {  	s3 =	sld [smem:$0x3FFE];
	_ =	sdelay $0x1  }
0x8a: {  	s1 =	srdreg.scid  }
0x8b: {  	s0 =	sand.u32 $0x1, s1  }
0x8c: {  	s16 =	sshll.u32 s0, $0xA;
	s2 =	sadd.s32 s3, s2  }
0x8d: {  	s2 =	sadd.s32 s2, s16  }
0x8e: {  	[smem:$0x3FBE] =	sst s2  }
0x8f: {  	_ = 	snop  }
0x90: {  	(tm) =	ssettm $0x1  }
0x91: {  	s17 =	sld [smem:$0x3FFB];
	_ =	sdelay $0x3  }
0x92: {  	_ =	strace s17  }
0x93: {  	s2 =	sld [smem:$0x3FFC];
	_ =	sdelay $0x3  }
0x94: {  	_ =	strace s2  }
0x95: {  	s2 =	sld [smem:$0x3FFD];
	_ =	sdelay $0x3  }
0x96: {  	_ =	strace s2  }
0x97: {  	_ =	strace $0x8FFFFFFF  }
0x98: {  	s18 =	sld [smem:$0x3FDB];
	_ =	sdelay $0x1  }
0x99: {  	s19 =	simm.s32 $_scs_section_size  }
0x9a: {  	s4 =	simm.s32 $_size__tile_overlayer_lowered;
	s5 =	simm.s32 $_tile_overlayer_lowered  }
0x9b: {  	s22 =	simm.s32 $0x1BFF;
	s21 =	sshll.u32 s5, $0x1;
	s2 =	sadd.s32 s19, s18  }
0x9c: {  	s6 =	simm.s32 $0x0;
	s20 =	sshll.u32 s4, $0x1;
	s4 =	sadd.s32 s21, s2  }
0x9d: {  	[timem:s6], [sflag:s22] =	dma.local [hbm:s4], s20  }
0x9e: {  	_ =	swait.ge [sflag:s22], s20  }
0x9f: {  	s3 =	ssub.s32 $0x0, s20;
	[sflag:s22] =	ssyncset.done $0x0  }
0xa0: {  	[sflag:s22] =	ssyncadd.s32 s3;
	_ =	sdelay $0x1  }
0xa1: {  	s23 =	simm.s32 $0x1B8B  }
0xa2: {  	_ =	swait.ge [sflag:s23], $0x1  }
0xa3: {  	[sflag:s23] =	ssyncset.done $0x0  }
0xa4: {  	s25 =	simm.s32 $0x1B8E;
	s24 =	sld [smem:$0x3FFE];
	[sflag:s23] =	ssyncadd.s32 $0xFFFFFFFF  }
0xa5: {  	s26 =	simm.s32 $execute0_lowered;
	[smem:$0x3FD2] =	sst s25  }
0xa6: {  	s4 =	sshll.u32 s26, $0x1;
	_ =	strace $0x80000046;
	[dreg:$0x1] =	wrdreg $0xFFFFFFFF  }
0xa7: {  	s28 =	simm.s32 $_size_execute0_lowered;
	s2 =	sadd.s32 s2, s4;
	[dreg:$0x0] =	wrdreg $0x0  }
0xa8: {  	s4 =	sshll.u32 s28, $0x1;
	[dreg:$0x2] =	wrdreg s2  }
0xa9: {  	[dreg:$0x3] =	wrdreg s4  }
0xaa: {  	[dreg:$0x4] =	wrdreg $0xC0  }
0xab: {  	_ =	task [dreg:s6], $0x5FFFF  }
0xac: {  	[dreg:$0x1] =	wrdreg $0xFFFFFFFF  }
0xad: {  	[dreg:$0x0] =	wrdreg $0x60  }
0xae: {  	[dreg:$0x2] =	wrdreg s24  }
0xaf: {  	[dreg:$0x3] =	wrdreg $0x9  }
0xb0: {  	_ =	task.clear_ibuf [dreg:s6], $0x4FFFF;
	_ =	strace $0x90000046  }
0xb1: {  	s29 =	simm.s32 $0x9;
	_ =	strace $0x80000048  }
0xb2: {  	_ =	swait.ge [sflag:s29], $0x1  }
0xb3: {  	[sflag:s29] =	ssyncadd.s32 $0xFFFFFFFF  }
0xb4: {  	_ =	strace $0x90000048  }
0xb5: {  	_ =	sfence  }
0xb6: {  	s30 =	sld [smem:$0x0];
	_ =	sdelay $0x2  }
0xb7: {  	s31 =	sshll.u32 s1, $0xD;
	s1 =	sshrl.u32 s1, $0x2  }
0xb8: {  	s3 =	sand.u32 $0x4000, s31;
	s1 =	sadd.s32 s1, s30  }
0xb9: {  	s0 =	sor.u32 s3, s0;
	s1 =	sshll.u32 s1, $0x11  }
0xba: {  	s0 =	sor.u32 s1, s0  }
0xbb: {  	s0 =	sadd.s32 $0x8F2B, s0  }
0xbc: {  	[sflag:s0] =	ssyncadd.remote.s32 $0x1  }
0xbd: {  	_ =	sfence.sel $0xFFFF  }
0xbe: {  	[dreg:$0x0] =	wrdreg $0xFFFFFFFF;
	(pc) =	sbr.abs _section_cstart, $3  }
0xbf: {  	[dreg:$0x1] =	wrdreg $0xFFFFFFFF  }
0xc0: {  	_ =	task.clear_ibuf [dreg:s6], $0x2FFFF;
	_ =	strace $0x9FFFFFFF  }
0xc1: {  	(tm) =	ssettm $0x7FFFFFFF  }
tec
execute0_lowered:
.L_overlay_start_1:
0x0: {  	(tag) =	ssettag $0x1  }
0x1: {  	s0 =	srdreg.scid;
	s1 =	stileid.u32  }
0x2: {  	s0 =	sand.u32 $0x1, s0;
	s1 =	sshll.u32 s1, $0x1  }
0x3: {  	s1 =	sor.u32 s0, s1  }
0x4: {  	s4 =	smul.u32 $0x140, s1  }
0x5: {  	s3 =	rddreg [dreg:$0x0];
	s2 =	simm.s32 $0x0;
	s5 =	smul.u32 $0xA000, s1  }
0x6: {  	[smem:$0x7FF] =	sst s2;
	s6 =	sadd.s32 $0x7E7C00, s3;
	s4 =	sadd.s32 s4, s3  }
0x7: {  	s1 =	smul.u32 $0x50000, s1;
	s22 =	sadd.s32 s6, s5;
	s4 =	sadd.s32 $0x42400, s4  }
0x8: {  	_ =	strace $0x80000047;
	s7 =	sadd.s32 $0x800, s22;
	[dreg:$0x2] =	wrdreg s4  }
0x9: {  	s1 =	sshrl.u32 s1, $0x3;
	s8 =	sadd.s32 $0x1000, s22;
	[dreg:$0x3] =	wrdreg s7  }
0xa: {  	s9 =	sadd.s32 $0x1800, s22;
	s1 =	sadd.s32 s6, s1;
	[dreg:$0x4] =	wrdreg s8  }
0xb: {  	s31 =	simm.s32 $0x5;
	[dreg:$0x5] =	wrdreg s9;
	s10 =	sadd.s32 $0x2000, s1  }
0xc: {  	s30 =	simm.s32 $0x100;
	s11 =	sadd.s32 $0x2800, s1;
	[dreg:$0x6] =	wrdreg s10  }
0xd: {  	s29 =	simm.s32 $0x180;
	s12 =	sadd.s32 $0x3000, s1;
	[dreg:$0x7] =	wrdreg s11  }
0xe: {  	s28 =	simm.s32 $0x200;
	s13 =	sadd.s32 $0x3800, s1;
	[dreg:$0x8] =	wrdreg s12  }
0xf: {  	p0 =	por $0x0, $0x0;
	s14 =	sadd.s32 $0x4000, s1;
	[dreg:$0x9] =	wrdreg s13  }
0x10: {  	s0 =	ssub.s32 $0x2, s0;
	s15 =	sadd.s32 $0x4800, s1;
	[dreg:$0xa] =	wrdreg s14  }
0x11: {  	s25 =	sshrl.u32 s0, $0x1;
	s16 =	sadd.s32 $0x5000, s1;
	[dreg:$0xb] =	wrdreg s15  }
0x12: {  	s0 =	ssub.s32 s0, s25;
	s17 =	sadd.s32 $0x5800, s1;
	[dreg:$0xc] =	wrdreg s16  }
0x13: {  	s25 =	simm.s32 $0x300;
	s18 =	sadd.s32 $0x6000, s1;
	[dreg:$0xd] =	wrdreg s17  }
0x14: {  	s0 =	smax.u32 s0, $0x1;
	s19 =	sadd.s32 $0x6800, s1;
	[dreg:$0xe] =	wrdreg s18  }
0x15: {  	s5 =	simm.s32 $0x4A00;
	s20 =	sadd.s32 $0x7000, s1;
	[dreg:$0xf] =	wrdreg s19  }
0x16: {  	s6 =	sadd.s32 $0x44C00, s3;
	s21 =	sadd.s32 $0x7800, s1;
	[dreg:$0x10] =	wrdreg s20  }
0x17: {  	s3 =	simm.s32 $0x3;
	s23 =	sadd.s32 $0x8000, s1;
	[dreg:$0x11] =	wrdreg s21  }
0x18: {  	p1 =	sne.s32 s0, $0x1;
	s24 =	sadd.s32 $0x8800, s1;
	[dreg:$0x12] =	wrdreg s23  }
0x19: {  	s26 =	sadd.s32 $0x9000, s1;
	s1 =	sadd.s32 $0x9800, s1;
	[dreg:$0x13] =	wrdreg s24  }
0x1a: {  	s7 =	simm.s32 $0xA00;
	s9 =	simm.s32 $0x1;
	[dreg:$0x14] =	wrdreg s26  }
0x1b: {  	s8 =	simm.s32 $0x2;
	s4 =	simm.s32 $0x4;
	[dreg:$0x15] =	wrdreg s1  }
0x1c: {  	s10 =	simm.s32 $0x80;
	s26 =	simm.s32 $0x280;
	s24 =	simm.s32 $0x380  }
.Ltmp0:
0x1d: {  	s23 =	simm.s32 $0x400;
	s21 =	simm.s32 $0x480;
	(pc) =	sbr.rel @!p1 .LBB2_3-.Ltmp0, $4  }
0x1e: {  	s20 =	simm.s32 $0x500;
	s19 =	simm.s32 $0x580;
	s18 =	simm.s32 $0x600  }
0x1f: {  	s17 =	simm.s32 $0x680;
	s1 =	sadd.s32 $0xFFFFFFFF, s0;
	s16 =	simm.s32 $0x700  }
0x20: {  	s15 =	simm.s32 $0x780;
	s14 =	simm.s32 $0x800;
	s13 =	simm.s32 $0x880  }
0x21: {  	s12 =	simm.s32 $0x900;
	s11 =	simm.s32 $0x980;
	s0 =	rddreg [dreg:$0x2]  }
0x22: {  	[tilespmem:s2], [sflag:$0x5] =	stream.linear.gather [hbm4b:s0+s2], $0xA00, $0x38;
	[tilespmem:$0x8A00] =	vst v63  }
0x23: {  	_ =	swait.ge [sflag:s31], $0xA00  }
0x24: {  	[sflag:s31] =	ssyncset.done $0x0  }
0x25: {  	[sflag:s31] =	ssyncadd.s32 $0xFFFFF600  }
0x26: {  	[tilespmem:s7], [sflag:$0x1] =	stream.indirect.gather [hbm4b:s6+s10], $0x80, s2, s10, $0xb8;
	[tilespmem:$0x8A00] =	vst v63  }
0x27: {  	_ = 	snop  }
0x28: {  	[tilespmem:s5], [sflag:$0x2] =	stream.indirect.gather [hbm4b:s6+s10], $0x80, s10, s10, $0xb8;
	[tilespmem:$0x8A00] =	vst v63  }
0x29: {  	_ =	swait.ge [sflag:s9], $0x4000  }
0x2a: {  	[sflag:s9] =	ssyncset.done $0x0  }
0x2b: {  	[sflag:s9] =	ssyncadd.s32 $0xFFFFC000  }
0x2c: {  	[hbm4b:s22+s2] =	stream.linear.scatter [tilespmem:s7], [sflag:$0x3], $0x4000, $0x38;
	[tilespmem:$0x8A00] =	vst v63  }
0x2d: {  	_ =	swait.ge [sflag:s3], $0x4000  }
0x2e: {  	[sflag:s3] =	ssyncset.done $0x0  }
0x2f: {  	[sflag:s3] =	ssyncadd.s32 $0xFFFFC000  }
0x30: {  	[tilespmem:s7], [sflag:$0x1] =	stream.indirect.gather [hbm4b:s6+s10], $0x80, s30, s10, $0xb8;
	[tilespmem:$0x8A00] =	vst v63  }
0x31: {  	_ =	swait.ge [sflag:s8], $0x4000  }
0x32: {  	[sflag:s8] =	ssyncset.done $0x0  }
0x33: {  	s0 =	rddreg [dreg:$0x3];
	[sflag:s8] =	ssyncadd.s32 $0xFFFFC000  }
0x34: {  	[hbm4b:s0+s2] =	stream.linear.scatter [tilespmem:s5], [sflag:$0x4], $0x4000, $0x38;
	[tilespmem:$0x8A00] =	vst v63  }
0x35: {  	_ =	swait.ge [sflag:s4], $0x4000  }
0x36: {  	[sflag:s4] =	ssyncset.done $0x0  }
0x37: {  	[sflag:s4] =	ssyncadd.s32 $0xFFFFC000  }
0x38: {  	[tilespmem:s5], [sflag:$0x2] =	stream.indirect.gather [hbm4b:s6+s10], $0x80, s29, s10, $0xb8;
	[tilespmem:$0x8A00] =	vst v63  }
0x39: {  	_ =	swait.ge [sflag:s9], $0x4000  }
0x3a: {  	[sflag:s9] =	ssyncset.done $0x0  }
0x3b: {  	s0 =	rddreg [dreg:$0x4];
	[sflag:s9] =	ssyncadd.s32 $0xFFFFC000  }
0x3c: {  	[hbm4b:s0+s2] =	stream.linear.scatter [tilespmem:s7], [sflag:$0x3], $0x4000, $0x38;
	[tilespmem:$0x8A00] =	vst v63  }
0x3d: {  	_ =	swait.ge [sflag:s3], $0x4000  }
0x3e: {  	[sflag:s3] =	ssyncset.done $0x0  }
0x3f: {  	[sflag:s3] =	ssyncadd.s32 $0xFFFFC000  }
0x40: {  	[tilespmem:s7], [sflag:$0x1] =	stream.indirect.gather [hbm4b:s6+s10], $0x80, s28, s10, $0xb8;
	[tilespmem:$0x8A00] =	vst v63  }
0x41: {  	_ =	swait.ge [sflag:s8], $0x4000  }
0x42: {  	[sflag:s8] =	ssyncset.done $0x0  }
0x43: {  	s0 =	rddreg [dreg:$0x5];
	[sflag:s8] =	ssyncadd.s32 $0xFFFFC000  }
0x44: {  	[hbm4b:s0+s2] =	stream.linear.scatter [tilespmem:s5], [sflag:$0x4], $0x4000, $0x38;
	[tilespmem:$0x8A00] =	vst v63  }
0x45: {  	_ =	swait.ge [sflag:s4], $0x4000  }
0x46: {  	[sflag:s4] =	ssyncset.done $0x0  }
0x47: {  	[sflag:s4] =	ssyncadd.s32 $0xFFFFC000  }
0x48: {  	[tilespmem:s5], [sflag:$0x2] =	stream.indirect.gather [hbm4b:s6+s10], $0x80, s26, s10, $0xb8;
	[tilespmem:$0x8A00] =	vst v63  }
0x49: {  	_ =	swait.ge [sflag:s9], $0x4000  }
0x4a: {  	[sflag:s9] =	ssyncset.done $0x0  }
0x4b: {  	s0 =	rddreg [dreg:$0x6];
	[sflag:s9] =	ssyncadd.s32 $0xFFFFC000  }
0x4c: {  	[hbm4b:s0+s2] =	stream.linear.scatter [tilespmem:s7], [sflag:$0x3], $0x4000, $0x38;
	[tilespmem:$0x8A00] =	vst v63  }
0x4d: {  	_ =	swait.ge [sflag:s3], $0x4000  }
0x4e: {  	[sflag:s3] =	ssyncset.done $0x0  }
0x4f: {  	[sflag:s3] =	ssyncadd.s32 $0xFFFFC000  }
0x50: {  	[tilespmem:s7], [sflag:$0x1] =	stream.indirect.gather [hbm4b:s6+s10], $0x80, s25, s10, $0xb8;
	[tilespmem:$0x8A00] =	vst v63  }
0x51: {  	_ =	swait.ge [sflag:s8], $0x4000  }
0x52: {  	[sflag:s8] =	ssyncset.done $0x0  }
0x53: {  	s0 =	rddreg [dreg:$0x7];
	[sflag:s8] =	ssyncadd.s32 $0xFFFFC000  }
0x54: {  	[hbm4b:s0+s2] =	stream.linear.scatter [tilespmem:s5], [sflag:$0x4], $0x4000, $0x38;
	[tilespmem:$0x8A00] =	vst v63  }
0x55: {  	_ =	swait.ge [sflag:s4], $0x4000  }
0x56: {  	[sflag:s4] =	ssyncset.done $0x0  }
0x57: {  	[sflag:s4] =	ssyncadd.s32 $0xFFFFC000  }
0x58: {  	[tilespmem:s5], [sflag:$0x2] =	stream.indirect.gather [hbm4b:s6+s10], $0x80, s24, s10, $0xb8;
	[tilespmem:$0x8A00] =	vst v63  }
0x59: {  	_ =	swait.ge [sflag:s9], $0x4000  }
0x5a: {  	[sflag:s9] =	ssyncset.done $0x0  }
0x5b: {  	s0 =	rddreg [dreg:$0x8];
	[sflag:s9] =	ssyncadd.s32 $0xFFFFC000  }
0x5c: {  	[hbm4b:s0+s2] =	stream.linear.scatter [tilespmem:s7], [sflag:$0x3], $0x4000, $0x38;
	[tilespmem:$0x8A00] =	vst v63  }
0x5d: {  	_ =	swait.ge [sflag:s3], $0x4000  }
0x5e: {  	[sflag:s3] =	ssyncset.done $0x0  }
0x5f: {  	[sflag:s3] =	ssyncadd.s32 $0xFFFFC000  }
0x60: {  	[tilespmem:s7], [sflag:$0x1] =	stream.indirect.gather [hbm4b:s6+s10], $0x80, s23, s10, $0xb8;
	[tilespmem:$0x8A00] =	vst v63  }
0x61: {  	_ =	swait.ge [sflag:s8], $0x4000  }
0x62: {  	[sflag:s8] =	ssyncset.done $0x0  }
0x63: {  	s0 =	rddreg [dreg:$0x9];
	[sflag:s8] =	ssyncadd.s32 $0xFFFFC000  }
0x64: {  	[hbm4b:s0+s2] =	stream.linear.scatter [tilespmem:s5], [sflag:$0x4], $0x4000, $0x38;
	[tilespmem:$0x8A00] =	vst v63  }
0x65: {  	_ =	swait.ge [sflag:s4], $0x4000  }
0x66: {  	[sflag:s4] =	ssyncset.done $0x0  }
0x67: {  	[sflag:s4] =	ssyncadd.s32 $0xFFFFC000  }
0x68: {  	[tilespmem:s5], [sflag:$0x2] =	stream.indirect.gather [hbm4b:s6+s10], $0x80, s21, s10, $0xb8;
	[tilespmem:$0x8A00] =	vst v63  }
0x69: {  	_ =	swait.ge [sflag:s9], $0x4000  }
0x6a: {  	[sflag:s9] =	ssyncset.done $0x0  }
0x6b: {  	s0 =	rddreg [dreg:$0xa];
	[sflag:s9] =	ssyncadd.s32 $0xFFFFC000  }
0x6c: {  	[hbm4b:s0+s2] =	stream.linear.scatter [tilespmem:s7], [sflag:$0x3], $0x4000, $0x38;
	[tilespmem:$0x8A00] =	vst v63  }
0x6d: {  	_ =	swait.ge [sflag:s3], $0x4000  }
0x6e: {  	[sflag:s3] =	ssyncset.done $0x0  }
0x6f: {  	[sflag:s3] =	ssyncadd.s32 $0xFFFFC000  }
0x70: {  	[tilespmem:s7], [sflag:$0x1] =	stream.indirect.gather [hbm4b:s6+s10], $0x80, s20, s10, $0xb8;
	[tilespmem:$0x8A00] =	vst v63  }
0x71: {  	_ =	swait.ge [sflag:s8], $0x4000  }
0x72: {  	[sflag:s8] =	ssyncset.done $0x0  }
0x73: {  	s0 =	rddreg [dreg:$0xb];
	[sflag:s8] =	ssyncadd.s32 $0xFFFFC000  }
0x74: {  	[hbm4b:s0+s2] =	stream.linear.scatter [tilespmem:s5], [sflag:$0x4], $0x4000, $0x38;
	[tilespmem:$0x8A00] =	vst v63  }
0x75: {  	_ =	swait.ge [sflag:s4], $0x4000  }
0x76: {  	[sflag:s4] =	ssyncset.done $0x0  }
0x77: {  	[sflag:s4] =	ssyncadd.s32 $0xFFFFC000  }
0x78: {  	[tilespmem:s5], [sflag:$0x2] =	stream.indirect.gather [hbm4b:s6+s10], $0x80, s19, s10, $0xb8;
	[tilespmem:$0x8A00] =	vst v63  }
0x79: {  	_ =	swait.ge [sflag:s9], $0x4000  }
0x7a: {  	[sflag:s9] =	ssyncset.done $0x0  }
0x7b: {  	s0 =	rddreg [dreg:$0xc];
	[sflag:s9] =	ssyncadd.s32 $0xFFFFC000  }
0x7c: {  	[hbm4b:s0+s2] =	stream.linear.scatter [tilespmem:s7], [sflag:$0x3], $0x4000, $0x38;
	[tilespmem:$0x8A00] =	vst v63  }
0x7d: {  	_ =	swait.ge [sflag:s3], $0x4000  }
0x7e: {  	[sflag:s3] =	ssyncset.done $0x0  }
0x7f: {  	[sflag:s3] =	ssyncadd.s32 $0xFFFFC000  }
0x80: {  	[tilespmem:s7], [sflag:$0x1] =	stream.indirect.gather [hbm4b:s6+s10], $0x80, s18, s10, $0xb8;
	[tilespmem:$0x8A00] =	vst v63  }
0x81: {  	_ =	swait.ge [sflag:s8], $0x4000  }
0x82: {  	[sflag:s8] =	ssyncset.done $0x0  }
0x83: {  	s0 =	rddreg [dreg:$0xd];
	[sflag:s8] =	ssyncadd.s32 $0xFFFFC000  }
0x84: {  	[hbm4b:s0+s2] =	stream.linear.scatter [tilespmem:s5], [sflag:$0x4], $0x4000, $0x38;
	[tilespmem:$0x8A00] =	vst v63  }
0x85: {  	_ =	swait.ge [sflag:s4], $0x4000  }
0x86: {  	[sflag:s4] =	ssyncset.done $0x0  }
0x87: {  	[sflag:s4] =	ssyncadd.s32 $0xFFFFC000  }
0x88: {  	[tilespmem:s5], [sflag:$0x2] =	stream.indirect.gather [hbm4b:s6+s10], $0x80, s17, s10, $0xb8;
	[tilespmem:$0x8A00] =	vst v63  }
0x89: {  	_ =	swait.ge [sflag:s9], $0x4000  }
0x8a: {  	[sflag:s9] =	ssyncset.done $0x0  }
0x8b: {  	s0 =	rddreg [dreg:$0xe];
	[sflag:s9] =	ssyncadd.s32 $0xFFFFC000  }
0x8c: {  	[hbm4b:s0+s2] =	stream.linear.scatter [tilespmem:s7], [sflag:$0x3], $0x4000, $0x38;
	[tilespmem:$0x8A00] =	vst v63  }
0x8d: {  	_ =	swait.ge [sflag:s3], $0x4000  }
0x8e: {  	[sflag:s3] =	ssyncset.done $0x0  }
0x8f: {  	[sflag:s3] =	ssyncadd.s32 $0xFFFFC000  }
0x90: {  	[tilespmem:s7], [sflag:$0x1] =	stream.indirect.gather [hbm4b:s6+s10], $0x80, s16, s10, $0xb8;
	[tilespmem:$0x8A00] =	vst v63  }
0x91: {  	_ =	swait.ge [sflag:s8], $0x4000  }
0x92: {  	[sflag:s8] =	ssyncset.done $0x0  }
0x93: {  	s0 =	rddreg [dreg:$0xf];
	[sflag:s8] =	ssyncadd.s32 $0xFFFFC000  }
0x94: {  	[hbm4b:s0+s2] =	stream.linear.scatter [tilespmem:s5], [sflag:$0x4], $0x4000, $0x38;
	[tilespmem:$0x8A00] =	vst v63  }
0x95: {  	_ =	swait.ge [sflag:s4], $0x4000  }
0x96: {  	[sflag:s4] =	ssyncset.done $0x0  }
0x97: {  	[sflag:s4] =	ssyncadd.s32 $0xFFFFC000  }
0x98: {  	[tilespmem:s5], [sflag:$0x2] =	stream.indirect.gather [hbm4b:s6+s10], $0x80, s15, s10, $0xb8;
	[tilespmem:$0x8A00] =	vst v63  }
0x99: {  	_ =	swait.ge [sflag:s9], $0x4000  }
0x9a: {  	[sflag:s9] =	ssyncset.done $0x0  }
0x9b: {  	s0 =	rddreg [dreg:$0x10];
	[sflag:s9] =	ssyncadd.s32 $0xFFFFC000  }
0x9c: {  	[hbm4b:s0+s2] =	stream.linear.scatter [tilespmem:s7], [sflag:$0x3], $0x4000, $0x38;
	[tilespmem:$0x8A00] =	vst v63  }
0x9d: {  	_ =	swait.ge [sflag:s3], $0x4000  }
0x9e: {  	[sflag:s3] =	ssyncset.done $0x0  }
0x9f: {  	[sflag:s3] =	ssyncadd.s32 $0xFFFFC000  }
0xa0: {  	[tilespmem:s7], [sflag:$0x1] =	stream.indirect.gather [hbm4b:s6+s10], $0x80, s14, s10, $0xb8;
	[tilespmem:$0x8A00] =	vst v63  }
0xa1: {  	_ =	swait.ge [sflag:s8], $0x4000  }
0xa2: {  	[sflag:s8] =	ssyncset.done $0x0  }
0xa3: {  	s0 =	rddreg [dreg:$0x11];
	[sflag:s8] =	ssyncadd.s32 $0xFFFFC000  }
0xa4: {  	[hbm4b:s0+s2] =	stream.linear.scatter [tilespmem:s5], [sflag:$0x4], $0x4000, $0x38;
	[tilespmem:$0x8A00] =	vst v63  }
0xa5: {  	_ =	swait.ge [sflag:s4], $0x4000  }
0xa6: {  	[sflag:s4] =	ssyncset.done $0x0  }
0xa7: {  	[sflag:s4] =	ssyncadd.s32 $0xFFFFC000  }
0xa8: {  	[tilespmem:s5], [sflag:$0x2] =	stream.indirect.gather [hbm4b:s6+s10], $0x80, s13, s10, $0xb8;
	[tilespmem:$0x8A00] =	vst v63  }
0xa9: {  	_ =	swait.ge [sflag:s9], $0x4000  }
0xaa: {  	[sflag:s9] =	ssyncset.done $0x0  }
0xab: {  	s0 =	rddreg [dreg:$0x12];
	[sflag:s9] =	ssyncadd.s32 $0xFFFFC000  }
0xac: {  	[hbm4b:s0+s2] =	stream.linear.scatter [tilespmem:s7], [sflag:$0x3], $0x4000, $0x38;
	[tilespmem:$0x8A00] =	vst v63  }
0xad: {  	_ =	swait.ge [sflag:s3], $0x4000  }
0xae: {  	[sflag:s3] =	ssyncset.done $0x0  }
0xaf: {  	[sflag:s3] =	ssyncadd.s32 $0xFFFFC000  }
0xb0: {  	[tilespmem:s7], [sflag:$0x1] =	stream.indirect.gather [hbm4b:s6+s10], $0x80, s12, s10, $0xb8;
	[tilespmem:$0x8A00] =	vst v63  }
0xb1: {  	_ =	swait.ge [sflag:s8], $0x4000  }
0xb2: {  	[sflag:s8] =	ssyncset.done $0x0  }
0xb3: {  	s0 =	rddreg [dreg:$0x13];
	[sflag:s8] =	ssyncadd.s32 $0xFFFFC000  }
0xb4: {  	[hbm4b:s0+s2] =	stream.linear.scatter [tilespmem:s5], [sflag:$0x4], $0x4000, $0x38;
	[tilespmem:$0x8A00] =	vst v63  }
0xb5: {  	_ =	swait.ge [sflag:s4], $0x4000  }
0xb6: {  	[sflag:s4] =	ssyncset.done $0x0  }
0xb7: {  	[sflag:s4] =	ssyncadd.s32 $0xFFFFC000  }
0xb8: {  	[tilespmem:s5], [sflag:$0x2] =	stream.indirect.gather [hbm4b:s6+s10], $0x80, s11, s10, $0xb8;
	[tilespmem:$0x8A00] =	vst v63  }
0xb9: {  	_ =	swait.ge [sflag:s9], $0x4000  }
0xba: {  	[sflag:s9] =	ssyncset.done $0x0  }
0xbb: {  	s0 =	rddreg [dreg:$0x14];
	[sflag:s9] =	ssyncadd.s32 $0xFFFFC000  }
0xbc: {  	[hbm4b:s0+s2] =	stream.linear.scatter [tilespmem:s7], [sflag:$0x3], $0x4000, $0x38;
	[tilespmem:$0x8A00] =	vst v63  }
0xbd: {  	_ =	swait.ge [sflag:s8], $0x4000  }
0xbe: {  	[sflag:s8] =	ssyncset.done $0x0  }
0xbf: {  	p1 =	sne.s32 s1, $0x1;
	s0 =	rddreg [dreg:$0x15];
	[sflag:s8] =	ssyncadd.s32 $0xFFFFC000  }
0xc0: {  	[hbm4b:s0+s2] =	stream.linear.scatter [tilespmem:s5], [sflag:$0x4], $0x4000, $0x38;
	[tilespmem:$0x8A00] =	vst v63  }
.Ltmp1:
0xc1: {  	_ =	swait.ge [sflag:s3], $0x4000;
	(pc) =	sbr.rel @!p1 .LBB2_3-.Ltmp1, $4  }
0xc2: {  	[sflag:s3] =	ssyncset.done $0x0  }
0xc3: {  	[sflag:s3] =	ssyncadd.s32 $0xFFFFC000  }
0xc4: {  	s1 =	sadd.s32 $0xFFFFFFFF, s1;
	_ =	swait.ge [sflag:s4], $0x4000  }
0xc5: {  	p0 =	por $0x1, $0x1;
	s0 =	rddreg [dreg:$0x2];
	[sflag:s4] =	ssyncset.done $0x0  }
.LBB2_2:
0xc6: {  	[sflag:s4] =	ssyncadd.s32 $0xFFFFC000  }
0xc7: {  	[tilespmem:s2], [sflag:$0x5] =	stream.linear.gather [hbm4b:s0+s2], $0xA00, $0x38;
	[tilespmem:$0x8A00] =	vst v63  }
0xc8: {  	_ =	swait.ge [sflag:s31], $0xA00  }
0xc9: {  	[sflag:s31] =	ssyncset.done $0x0  }
0xca: {  	[sflag:s31] =	ssyncadd.s32 $0xFFFFF600  }
0xcb: {  	[tilespmem:s7], [sflag:$0x1] =	stream.indirect.gather [hbm4b:s6+s10], $0x80, s2, s10, $0xb8;
	[tilespmem:$0x8A00] =	vst v63  }
0xcc: {  	_ = 	snop  }
0xcd: {  	[tilespmem:s5], [sflag:$0x2] =	stream.indirect.gather [hbm4b:s6+s10], $0x80, s10, s10, $0xb8;
	[tilespmem:$0x8A00] =	vst v63  }
0xce: {  	_ =	swait.ge [sflag:s9], $0x4000  }
0xcf: {  	[sflag:s9] =	ssyncset.done $0x0  }
0xd0: {  	[sflag:s9] =	ssyncadd.s32 $0xFFFFC000  }
0xd1: {  	[hbm4b:s22+s2] =	stream.linear.scatter [tilespmem:s7], [sflag:$0x3], $0x4000, $0x38;
	[tilespmem:$0x8A00] =	vst v63  }
0xd2: {  	_ =	swait.ge [sflag:s3], $0x4000  }
0xd3: {  	[sflag:s3] =	ssyncset.done $0x0  }
0xd4: {  	[sflag:s3] =	ssyncadd.s32 $0xFFFFC000  }
0xd5: {  	[tilespmem:s7], [sflag:$0x1] =	stream.indirect.gather [hbm4b:s6+s10], $0x80, s30, s10, $0xb8;
	[tilespmem:$0x8A00] =	vst v63  }
0xd6: {  	_ =	swait.ge [sflag:s8], $0x4000  }
0xd7: {  	[sflag:s8] =	ssyncset.done $0x0  }
0xd8: {  	s0 =	rddreg [dreg:$0x3];
	[sflag:s8] =	ssyncadd.s32 $0xFFFFC000  }
0xd9: {  	[hbm4b:s0+s2] =	stream.linear.scatter [tilespmem:s5], [sflag:$0x4], $0x4000, $0x38;
	[tilespmem:$0x8A00] =	vst v63  }
0xda: {  	_ =	swait.ge [sflag:s4], $0x4000  }
0xdb: {  	[sflag:s4] =	ssyncset.done $0x0  }
0xdc: {  	[sflag:s4] =	ssyncadd.s32 $0xFFFFC000  }
0xdd: {  	[tilespmem:s5], [sflag:$0x2] =	stream.indirect.gather [hbm4b:s6+s10], $0x80, s29, s10, $0xb8;
	[tilespmem:$0x8A00] =	vst v63  }
0xde: {  	_ =	swait.ge [sflag:s9], $0x4000  }
0xdf: {  	[sflag:s9] =	ssyncset.done $0x0  }
0xe0: {  	s0 =	rddreg [dreg:$0x4];
	[sflag:s9] =	ssyncadd.s32 $0xFFFFC000  }
0xe1: {  	[hbm4b:s0+s2] =	stream.linear.scatter [tilespmem:s7], [sflag:$0x3], $0x4000, $0x38;
	[tilespmem:$0x8A00] =	vst v63  }
0xe2: {  	_ =	swait.ge [sflag:s3], $0x4000  }
0xe3: {  	[sflag:s3] =	ssyncset.done $0x0  }
0xe4: {  	[sflag:s3] =	ssyncadd.s32 $0xFFFFC000  }
0xe5: {  	[tilespmem:s7], [sflag:$0x1] =	stream.indirect.gather [hbm4b:s6+s10], $0x80, s28, s10, $0xb8;
	[tilespmem:$0x8A00] =	vst v63  }
0xe6: {  	_ =	swait.ge [sflag:s8], $0x4000  }
0xe7: {  	[sflag:s8] =	ssyncset.done $0x0  }
0xe8: {  	s0 =	rddreg [dreg:$0x5];
	[sflag:s8] =	ssyncadd.s32 $0xFFFFC000  }
0xe9: {  	[hbm4b:s0+s2] =	stream.linear.scatter [tilespmem:s5], [sflag:$0x4], $0x4000, $0x38;
	[tilespmem:$0x8A00] =	vst v63  }
0xea: {  	_ =	swait.ge [sflag:s4], $0x4000  }
0xeb: {  	[sflag:s4] =	ssyncset.done $0x0  }
0xec: {  	[sflag:s4] =	ssyncadd.s32 $0xFFFFC000  }
0xed: {  	[tilespmem:s5], [sflag:$0x2] =	stream.indirect.gather [hbm4b:s6+s10], $0x80, s26, s10, $0xb8;
	[tilespmem:$0x8A00] =	vst v63  }
0xee: {  	_ =	swait.ge [sflag:s9], $0x4000  }
0xef: {  	[sflag:s9] =	ssyncset.done $0x0  }
0xf0: {  	s0 =	rddreg [dreg:$0x6];
	[sflag:s9] =	ssyncadd.s32 $0xFFFFC000  }
0xf1: {  	[hbm4b:s0+s2] =	stream.linear.scatter [tilespmem:s7], [sflag:$0x3], $0x4000, $0x38;
	[tilespmem:$0x8A00] =	vst v63  }
0xf2: {  	_ =	swait.ge [sflag:s3], $0x4000  }
0xf3: {  	[sflag:s3] =	ssyncset.done $0x0  }
0xf4: {  	[sflag:s3] =	ssyncadd.s32 $0xFFFFC000  }
0xf5: {  	[tilespmem:s7], [sflag:$0x1] =	stream.indirect.gather [hbm4b:s6+s10], $0x80, s25, s10, $0xb8;
	[tilespmem:$0x8A00] =	vst v63  }
0xf6: {  	_ =	swait.ge [sflag:s8], $0x4000  }
0xf7: {  	[sflag:s8] =	ssyncset.done $0x0  }
0xf8: {  	s0 =	rddreg [dreg:$0x7];
	[sflag:s8] =	ssyncadd.s32 $0xFFFFC000  }
0xf9: {  	[hbm4b:s0+s2] =	stream.linear.scatter [tilespmem:s5], [sflag:$0x4], $0x4000, $0x38;
	[tilespmem:$0x8A00] =	vst v63  }
0xfa: {  	_ =	swait.ge [sflag:s4], $0x4000  }
0xfb: {  	[sflag:s4] =	ssyncset.done $0x0  }
0xfc: {  	[sflag:s4] =	ssyncadd.s32 $0xFFFFC000  }
0xfd: {  	[tilespmem:s5], [sflag:$0x2] =	stream.indirect.gather [hbm4b:s6+s10], $0x80, s24, s10, $0xb8;
	[tilespmem:$0x8A00] =	vst v63  }
0xfe: {  	_ =	swait.ge [sflag:s9], $0x4000  }
0xff: {  	[sflag:s9] =	ssyncset.done $0x0  }
0x100: {  	s0 =	rddreg [dreg:$0x8];
	[sflag:s9] =	ssyncadd.s32 $0xFFFFC000  }
0x101: {  	[hbm4b:s0+s2] =	stream.linear.scatter [tilespmem:s7], [sflag:$0x3], $0x4000, $0x38;
	[tilespmem:$0x8A00] =	vst v63  }
0x102: {  	_ =	swait.ge [sflag:s3], $0x4000  }
0x103: {  	[sflag:s3] =	ssyncset.done $0x0  }
0x104: {  	[sflag:s3] =	ssyncadd.s32 $0xFFFFC000  }
0x105: {  	[tilespmem:s7], [sflag:$0x1] =	stream.indirect.gather [hbm4b:s6+s10], $0x80, s23, s10, $0xb8;
	[tilespmem:$0x8A00] =	vst v63  }
0x106: {  	_ =	swait.ge [sflag:s8], $0x4000  }
0x107: {  	[sflag:s8] =	ssyncset.done $0x0  }
0x108: {  	s0 =	rddreg [dreg:$0x9];
	[sflag:s8] =	ssyncadd.s32 $0xFFFFC000  }
0x109: {  	[hbm4b:s0+s2] =	stream.linear.scatter [tilespmem:s5], [sflag:$0x4], $0x4000, $0x38;
	[tilespmem:$0x8A00] =	vst v63  }
0x10a: {  	_ =	swait.ge [sflag:s4], $0x4000  }
0x10b: {  	[sflag:s4] =	ssyncset.done $0x0  }
0x10c: {  	[sflag:s4] =	ssyncadd.s32 $0xFFFFC000  }
0x10d: {  	[tilespmem:s5], [sflag:$0x2] =	stream.indirect.gather [hbm4b:s6+s10], $0x80, s21, s10, $0xb8;
	[tilespmem:$0x8A00] =	vst v63  }
0x10e: {  	_ =	swait.ge [sflag:s9], $0x4000  }
0x10f: {  	[sflag:s9] =	ssyncset.done $0x0  }
0x110: {  	s0 =	rddreg [dreg:$0xa];
	[sflag:s9] =	ssyncadd.s32 $0xFFFFC000  }
0x111: {  	[hbm4b:s0+s2] =	stream.linear.scatter [tilespmem:s7], [sflag:$0x3], $0x4000, $0x38;
	[tilespmem:$0x8A00] =	vst v63  }
0x112: {  	_ =	swait.ge [sflag:s3], $0x4000  }
0x113: {  	[sflag:s3] =	ssyncset.done $0x0  }
0x114: {  	[sflag:s3] =	ssyncadd.s32 $0xFFFFC000  }
0x115: {  	[tilespmem:s7], [sflag:$0x1] =	stream.indirect.gather [hbm4b:s6+s10], $0x80, s20, s10, $0xb8;
	[tilespmem:$0x8A00] =	vst v63  }
0x116: {  	_ =	swait.ge [sflag:s8], $0x4000  }
0x117: {  	[sflag:s8] =	ssyncset.done $0x0  }
0x118: {  	s0 =	rddreg [dreg:$0xb];
	[sflag:s8] =	ssyncadd.s32 $0xFFFFC000  }
0x119: {  	[hbm4b:s0+s2] =	stream.linear.scatter [tilespmem:s5], [sflag:$0x4], $0x4000, $0x38;
	[tilespmem:$0x8A00] =	vst v63  }
0x11a: {  	_ =	swait.ge [sflag:s4], $0x4000  }
0x11b: {  	[sflag:s4] =	ssyncset.done $0x0  }
0x11c: {  	[sflag:s4] =	ssyncadd.s32 $0xFFFFC000  }
0x11d: {  	[tilespmem:s5], [sflag:$0x2] =	stream.indirect.gather [hbm4b:s6+s10], $0x80, s19, s10, $0xb8;
	[tilespmem:$0x8A00] =	vst v63  }
0x11e: {  	_ =	swait.ge [sflag:s9], $0x4000  }
0x11f: {  	[sflag:s9] =	ssyncset.done $0x0  }
0x120: {  	s0 =	rddreg [dreg:$0xc];
	[sflag:s9] =	ssyncadd.s32 $0xFFFFC000  }
0x121: {  	[hbm4b:s0+s2] =	stream.linear.scatter [tilespmem:s7], [sflag:$0x3], $0x4000, $0x38;
	[tilespmem:$0x8A00] =	vst v63  }
0x122: {  	_ =	swait.ge [sflag:s3], $0x4000  }
0x123: {  	[sflag:s3] =	ssyncset.done $0x0  }
0x124: {  	[sflag:s3] =	ssyncadd.s32 $0xFFFFC000  }
0x125: {  	[tilespmem:s7], [sflag:$0x1] =	stream.indirect.gather [hbm4b:s6+s10], $0x80, s18, s10, $0xb8;
	[tilespmem:$0x8A00] =	vst v63  }
0x126: {  	_ =	swait.ge [sflag:s8], $0x4000  }
0x127: {  	[sflag:s8] =	ssyncset.done $0x0  }
0x128: {  	s0 =	rddreg [dreg:$0xd];
	[sflag:s8] =	ssyncadd.s32 $0xFFFFC000  }
0x129: {  	[hbm4b:s0+s2] =	stream.linear.scatter [tilespmem:s5], [sflag:$0x4], $0x4000, $0x38;
	[tilespmem:$0x8A00] =	vst v63  }
0x12a: {  	_ =	swait.ge [sflag:s4], $0x4000  }
0x12b: {  	[sflag:s4] =	ssyncset.done $0x0  }
0x12c: {  	[sflag:s4] =	ssyncadd.s32 $0xFFFFC000  }
0x12d: {  	[tilespmem:s5], [sflag:$0x2] =	stream.indirect.gather [hbm4b:s6+s10], $0x80, s17, s10, $0xb8;
	[tilespmem:$0x8A00] =	vst v63  }
0x12e: {  	_ =	swait.ge [sflag:s9], $0x4000  }
0x12f: {  	[sflag:s9] =	ssyncset.done $0x0  }
0x130: {  	s0 =	rddreg [dreg:$0xe];
	[sflag:s9] =	ssyncadd.s32 $0xFFFFC000  }
0x131: {  	[hbm4b:s0+s2] =	stream.linear.scatter [tilespmem:s7], [sflag:$0x3], $0x4000, $0x38;
	[tilespmem:$0x8A00] =	vst v63  }
0x132: {  	_ =	swait.ge [sflag:s3], $0x4000  }
0x133: {  	[sflag:s3] =	ssyncset.done $0x0  }
0x134: {  	[sflag:s3] =	ssyncadd.s32 $0xFFFFC000  }
0x135: {  	[tilespmem:s7], [sflag:$0x1] =	stream.indirect.gather [hbm4b:s6+s10], $0x80, s16, s10, $0xb8;
	[tilespmem:$0x8A00] =	vst v63  }
0x136: {  	_ =	swait.ge [sflag:s8], $0x4000  }
0x137: {  	[sflag:s8] =	ssyncset.done $0x0  }
0x138: {  	s0 =	rddreg [dreg:$0xf];
	[sflag:s8] =	ssyncadd.s32 $0xFFFFC000  }
0x139: {  	[hbm4b:s0+s2] =	stream.linear.scatter [tilespmem:s5], [sflag:$0x4], $0x4000, $0x38;
	[tilespmem:$0x8A00] =	vst v63  }
0x13a: {  	_ =	swait.ge [sflag:s4], $0x4000  }
0x13b: {  	[sflag:s4] =	ssyncset.done $0x0  }
0x13c: {  	[sflag:s4] =	ssyncadd.s32 $0xFFFFC000  }
0x13d: {  	[tilespmem:s5], [sflag:$0x2] =	stream.indirect.gather [hbm4b:s6+s10], $0x80, s15, s10, $0xb8;
	[tilespmem:$0x8A00] =	vst v63  }
0x13e: {  	_ =	swait.ge [sflag:s9], $0x4000  }
0x13f: {  	[sflag:s9] =	ssyncset.done $0x0  }
0x140: {  	s0 =	rddreg [dreg:$0x10];
	[sflag:s9] =	ssyncadd.s32 $0xFFFFC000  }
0x141: {  	[hbm4b:s0+s2] =	stream.linear.scatter [tilespmem:s7], [sflag:$0x3], $0x4000, $0x38;
	[tilespmem:$0x8A00] =	vst v63  }
0x142: {  	_ =	swait.ge [sflag:s3], $0x4000  }
0x143: {  	[sflag:s3] =	ssyncset.done $0x0  }
0x144: {  	[sflag:s3] =	ssyncadd.s32 $0xFFFFC000  }
0x145: {  	[tilespmem:s7], [sflag:$0x1] =	stream.indirect.gather [hbm4b:s6+s10], $0x80, s14, s10, $0xb8;
	[tilespmem:$0x8A00] =	vst v63  }
0x146: {  	_ =	swait.ge [sflag:s8], $0x4000  }
0x147: {  	[sflag:s8] =	ssyncset.done $0x0  }
0x148: {  	s0 =	rddreg [dreg:$0x11];
	[sflag:s8] =	ssyncadd.s32 $0xFFFFC000  }
0x149: {  	[hbm4b:s0+s2] =	stream.linear.scatter [tilespmem:s5], [sflag:$0x4], $0x4000, $0x38;
	[tilespmem:$0x8A00] =	vst v63  }
0x14a: {  	_ =	swait.ge [sflag:s4], $0x4000  }
0x14b: {  	[sflag:s4] =	ssyncset.done $0x0  }
0x14c: {  	[sflag:s4] =	ssyncadd.s32 $0xFFFFC000  }
0x14d: {  	[tilespmem:s5], [sflag:$0x2] =	stream.indirect.gather [hbm4b:s6+s10], $0x80, s13, s10, $0xb8;
	[tilespmem:$0x8A00] =	vst v63  }
0x14e: {  	_ =	swait.ge [sflag:s9], $0x4000  }
0x14f: {  	[sflag:s9] =	ssyncset.done $0x0  }
0x150: {  	s0 =	rddreg [dreg:$0x12];
	[sflag:s9] =	ssyncadd.s32 $0xFFFFC000  }
0x151: {  	[hbm4b:s0+s2] =	stream.linear.scatter [tilespmem:s7], [sflag:$0x3], $0x4000, $0x38;
	[tilespmem:$0x8A00] =	vst v63  }
0x152: {  	_ =	swait.ge [sflag:s3], $0x4000  }
0x153: {  	[sflag:s3] =	ssyncset.done $0x0  }
0x154: {  	[sflag:s3] =	ssyncadd.s32 $0xFFFFC000  }
0x155: {  	[tilespmem:s7], [sflag:$0x1] =	stream.indirect.gather [hbm4b:s6+s10], $0x80, s12, s10, $0xb8;
	[tilespmem:$0x8A00] =	vst v63  }
0x156: {  	_ =	swait.ge [sflag:s8], $0x4000  }
0x157: {  	[sflag:s8] =	ssyncset.done $0x0  }
0x158: {  	s0 =	rddreg [dreg:$0x13];
	[sflag:s8] =	ssyncadd.s32 $0xFFFFC000  }
0x159: {  	[hbm4b:s0+s2] =	stream.linear.scatter [tilespmem:s5], [sflag:$0x4], $0x4000, $0x38;
	[tilespmem:$0x8A00] =	vst v63  }
0x15a: {  	_ =	swait.ge [sflag:s4], $0x4000  }
0x15b: {  	[sflag:s4] =	ssyncset.done $0x0  }
0x15c: {  	[sflag:s4] =	ssyncadd.s32 $0xFFFFC000  }
0x15d: {  	[tilespmem:s5], [sflag:$0x2] =	stream.indirect.gather [hbm4b:s6+s10], $0x80, s11, s10, $0xb8;
	[tilespmem:$0x8A00] =	vst v63  }
0x15e: {  	_ =	swait.ge [sflag:s9], $0x4000  }
0x15f: {  	[sflag:s9] =	ssyncset.done $0x0  }
0x160: {  	s0 =	rddreg [dreg:$0x14];
	[sflag:s9] =	ssyncadd.s32 $0xFFFFC000  }
0x161: {  	[hbm4b:s0+s2] =	stream.linear.scatter [tilespmem:s7], [sflag:$0x3], $0x4000, $0x38;
	[tilespmem:$0x8A00] =	vst v63  }
0x162: {  	_ =	swait.ge [sflag:s8], $0x4000  }
0x163: {  	[sflag:s8] =	ssyncset.done $0x0  }
0x164: {  	p1 =	sne.s32 s1, $0x1;
	s0 =	rddreg [dreg:$0x15];
	[sflag:s8] =	ssyncadd.s32 $0xFFFFC000  }
0x165: {  	[hbm4b:s0+s2] =	stream.linear.scatter [tilespmem:s5], [sflag:$0x4], $0x4000, $0x38;
	[tilespmem:$0x8A00] =	vst v63  }
.Ltmp2:
0x166: {  	_ =	swait.ge [sflag:s3], $0x4000;
	(pc) =	sbr.rel @p1 .LBB2_2-.Ltmp2, $4  }
0x167: {  	[sflag:s3] =	ssyncset.done $0x0  }
0x168: {  	[sflag:s3] =	ssyncadd.s32 $0xFFFFC000  }
0x169: {  	_ =	swait.ge [sflag:s4], $0x4000  }
0x16a: {  	s1 =	sadd.s32 $0xFFFFFFFF, s1;
	s0 =	rddreg [dreg:$0x2];
	[sflag:s4] =	ssyncset.done $0x0  }
.LBB2_3:
0x16b: {  	[sflag:s4] =	ssyncadd.s32 @p0 $0xFFFFC000  }
0x16c: {  	[tilespmem:s2], [sflag:$0x5] =	stream.linear.gather [hbm4b:s0+s2], $0xA00, $0x38;
	[tilespmem:$0x8A00] =	vst v63  }
0x16d: {  	_ =	swait.ge [sflag:s31], $0xA00  }
0x16e: {  	[sflag:s31] =	ssyncset.done $0x0  }
0x16f: {  	[sflag:s31] =	ssyncadd.s32 $0xFFFFF600  }
0x170: {  	[tilespmem:s7], [sflag:$0x1] =	stream.indirect.gather [hbm4b:s6+s10], $0x80, s2, s10, $0xb8;
	[tilespmem:$0x8A00] =	vst v63  }
0x171: {  	_ = 	snop  }
0x172: {  	[tilespmem:s5], [sflag:$0x2] =	stream.indirect.gather [hbm4b:s6+s10], $0x80, s10, s10, $0xb8;
	[tilespmem:$0x8A00] =	vst v63  }
0x173: {  	_ =	swait.ge [sflag:s9], $0x4000  }
0x174: {  	[sflag:s9] =	ssyncset.done $0x0  }
0x175: {  	[sflag:s9] =	ssyncadd.s32 $0xFFFFC000  }
0x176: {  	[hbm4b:s22+s2] =	stream.linear.scatter [tilespmem:s7], [sflag:$0x3], $0x4000, $0x38;
	[tilespmem:$0x8A00] =	vst v63  }
0x177: {  	_ =	swait.ge [sflag:s3], $0x4000  }
0x178: {  	[sflag:s3] =	ssyncset.done $0x0  }
0x179: {  	[sflag:s3] =	ssyncadd.s32 $0xFFFFC000  }
0x17a: {  	[tilespmem:s7], [sflag:$0x1] =	stream.indirect.gather [hbm4b:s6+s10], $0x80, s30, s10, $0xb8;
	[tilespmem:$0x8A00] =	vst v63  }
0x17b: {  	_ =	swait.ge [sflag:s8], $0x4000  }
0x17c: {  	[sflag:s8] =	ssyncset.done $0x0  }
0x17d: {  	s31 =	rddreg [dreg:$0x3];
	[sflag:s8] =	ssyncadd.s32 $0xFFFFC000  }
0x17e: {  	[hbm4b:s31+s2] =	stream.linear.scatter [tilespmem:s5], [sflag:$0x4], $0x4000, $0x38;
	[tilespmem:$0x8A00] =	vst v63  }
0x17f: {  	_ =	swait.ge [sflag:s4], $0x4000  }
0x180: {  	[sflag:s4] =	ssyncset.done $0x0  }
0x181: {  	[sflag:s4] =	ssyncadd.s32 $0xFFFFC000  }
0x182: {  	[tilespmem:s5], [sflag:$0x2] =	stream.indirect.gather [hbm4b:s6+s10], $0x80, s29, s10, $0xb8;
	[tilespmem:$0x8A00] =	vst v63  }
0x183: {  	_ =	swait.ge [sflag:s9], $0x4000  }
0x184: {  	[sflag:s9] =	ssyncset.done $0x0  }
0x185: {  	s1 =	rddreg [dreg:$0x4];
	[sflag:s9] =	ssyncadd.s32 $0xFFFFC000  }
0x186: {  	[hbm4b:s1+s2] =	stream.linear.scatter [tilespmem:s7], [sflag:$0x3], $0x4000, $0x38;
	[tilespmem:$0x8A00] =	vst v63  }
0x187: {  	_ =	swait.ge [sflag:s3], $0x4000  }
0x188: {  	[sflag:s3] =	ssyncset.done $0x0  }
0x189: {  	[sflag:s3] =	ssyncadd.s32 $0xFFFFC000  }
0x18a: {  	[tilespmem:s7], [sflag:$0x1] =	stream.indirect.gather [hbm4b:s6+s10], $0x80, s28, s10, $0xb8;
	[tilespmem:$0x8A00] =	vst v63  }
0x18b: {  	_ =	swait.ge [sflag:s8], $0x4000  }
0x18c: {  	[sflag:s8] =	ssyncset.done $0x0  }
0x18d: {  	s22 =	rddreg [dreg:$0x5];
	[sflag:s8] =	ssyncadd.s32 $0xFFFFC000  }
0x18e: {  	[hbm4b:s22+s2] =	stream.linear.scatter [tilespmem:s5], [sflag:$0x4], $0x4000, $0x38;
	[tilespmem:$0x8A00] =	vst v63  }
0x18f: {  	_ =	swait.ge [sflag:s4], $0x4000  }
0x190: {  	[sflag:s4] =	ssyncset.done $0x0  }
0x191: {  	[sflag:s4] =	ssyncadd.s32 $0xFFFFC000  }
0x192: {  	[tilespmem:s5], [sflag:$0x2] =	stream.indirect.gather [hbm4b:s6+s10], $0x80, s26, s10, $0xb8;
	[tilespmem:$0x8A00] =	vst v63  }
0x193: {  	_ =	swait.ge [sflag:s9], $0x4000  }
0x194: {  	[sflag:s9] =	ssyncset.done $0x0  }
0x195: {  	s26 =	rddreg [dreg:$0x6];
	[sflag:s9] =	ssyncadd.s32 $0xFFFFC000  }
0x196: {  	[hbm4b:s26+s2] =	stream.linear.scatter [tilespmem:s7], [sflag:$0x3], $0x4000, $0x38;
	[tilespmem:$0x8A00] =	vst v63  }
0x197: {  	_ =	swait.ge [sflag:s3], $0x4000  }
0x198: {  	[sflag:s3] =	ssyncset.done $0x0  }
0x199: {  	[sflag:s3] =	ssyncadd.s32 $0xFFFFC000  }
0x19a: {  	[tilespmem:s7], [sflag:$0x1] =	stream.indirect.gather [hbm4b:s6+s10], $0x80, s25, s10, $0xb8;
	[tilespmem:$0x8A00] =	vst v63  }
0x19b: {  	_ =	swait.ge [sflag:s8], $0x4000  }
0x19c: {  	[sflag:s8] =	ssyncset.done $0x0  }
0x19d: {  	s28 =	rddreg [dreg:$0x7];
	[sflag:s8] =	ssyncadd.s32 $0xFFFFC000  }
0x19e: {  	[hbm4b:s28+s2] =	stream.linear.scatter [tilespmem:s5], [sflag:$0x4], $0x4000, $0x38;
	[tilespmem:$0x8A00] =	vst v63  }
0x19f: {  	_ =	swait.ge [sflag:s4], $0x4000  }
0x1a0: {  	[sflag:s4] =	ssyncset.done $0x0  }
0x1a1: {  	[sflag:s4] =	ssyncadd.s32 $0xFFFFC000  }
0x1a2: {  	[tilespmem:s5], [sflag:$0x2] =	stream.indirect.gather [hbm4b:s6+s10], $0x80, s24, s10, $0xb8;
	[tilespmem:$0x8A00] =	vst v63  }
0x1a3: {  	_ =	swait.ge [sflag:s9], $0x4000  }
0x1a4: {  	[sflag:s9] =	ssyncset.done $0x0  }
0x1a5: {  	s29 =	rddreg [dreg:$0x8];
	[sflag:s9] =	ssyncadd.s32 $0xFFFFC000  }
0x1a6: {  	[hbm4b:s29+s2] =	stream.linear.scatter [tilespmem:s7], [sflag:$0x3], $0x4000, $0x38;
	[tilespmem:$0x8A00] =	vst v63  }
0x1a7: {  	_ =	swait.ge [sflag:s3], $0x4000  }
0x1a8: {  	[sflag:s3] =	ssyncset.done $0x0  }
0x1a9: {  	[sflag:s3] =	ssyncadd.s32 $0xFFFFC000  }
0x1aa: {  	[tilespmem:s7], [sflag:$0x1] =	stream.indirect.gather [hbm4b:s6+s10], $0x80, s23, s10, $0xb8;
	[tilespmem:$0x8A00] =	vst v63  }
0x1ab: {  	_ =	swait.ge [sflag:s8], $0x4000  }
0x1ac: {  	[sflag:s8] =	ssyncset.done $0x0  }
0x1ad: {  	s30 =	rddreg [dreg:$0x9];
	[sflag:s8] =	ssyncadd.s32 $0xFFFFC000  }
0x1ae: {  	[hbm4b:s30+s2] =	stream.linear.scatter [tilespmem:s5], [sflag:$0x4], $0x4000, $0x38;
	[tilespmem:$0x8A00] =	vst v63  }
0x1af: {  	_ =	swait.ge [sflag:s4], $0x4000  }
0x1b0: {  	[sflag:s4] =	ssyncset.done $0x0  }
0x1b1: {  	[sflag:s4] =	ssyncadd.s32 $0xFFFFC000  }
0x1b2: {  	[tilespmem:s5], [sflag:$0x2] =	stream.indirect.gather [hbm4b:s6+s10], $0x80, s21, s10, $0xb8;
	[tilespmem:$0x8A00] =	vst v63  }
0x1b3: {  	_ =	swait.ge [sflag:s9], $0x4000  }
0x1b4: {  	[sflag:s9] =	ssyncset.done $0x0  }
0x1b5: {  	s31 =	rddreg [dreg:$0xa];
	[sflag:s9] =	ssyncadd.s32 $0xFFFFC000  }
0x1b6: {  	[hbm4b:s31+s2] =	stream.linear.scatter [tilespmem:s7], [sflag:$0x3], $0x4000, $0x38;
	[tilespmem:$0x8A00] =	vst v63  }
0x1b7: {  	_ =	swait.ge [sflag:s3], $0x4000  }
0x1b8: {  	[sflag:s3] =	ssyncset.done $0x0  }
0x1b9: {  	[sflag:s3] =	ssyncadd.s32 $0xFFFFC000  }
0x1ba: {  	[tilespmem:s7], [sflag:$0x1] =	stream.indirect.gather [hbm4b:s6+s10], $0x80, s20, s10, $0xb8;
	[tilespmem:$0x8A00] =	vst v63  }
0x1bb: {  	_ =	swait.ge [sflag:s8], $0x4000  }
0x1bc: {  	[sflag:s8] =	ssyncset.done $0x0  }
0x1bd: {  	s1 =	rddreg [dreg:$0xb];
	[sflag:s8] =	ssyncadd.s32 $0xFFFFC000  }
0x1be: {  	[hbm4b:s1+s2] =	stream.linear.scatter [tilespmem:s5], [sflag:$0x4], $0x4000, $0x38;
	[tilespmem:$0x8A00] =	vst v63  }
0x1bf: {  	_ =	swait.ge [sflag:s4], $0x4000  }
0x1c0: {  	[sflag:s4] =	ssyncset.done $0x0  }
0x1c1: {  	[sflag:s4] =	ssyncadd.s32 $0xFFFFC000  }
0x1c2: {  	[tilespmem:s5], [sflag:$0x2] =	stream.indirect.gather [hbm4b:s6+s10], $0x80, s19, s10, $0xb8;
	[tilespmem:$0x8A00] =	vst v63  }
0x1c3: {  	_ =	swait.ge [sflag:s9], $0x4000  }
0x1c4: {  	[sflag:s9] =	ssyncset.done $0x0  }
0x1c5: {  	s20 =	rddreg [dreg:$0xc];
	[sflag:s9] =	ssyncadd.s32 $0xFFFFC000  }
0x1c6: {  	[hbm4b:s20+s2] =	stream.linear.scatter [tilespmem:s7], [sflag:$0x3], $0x4000, $0x38;
	[tilespmem:$0x8A00] =	vst v63  }
0x1c7: {  	_ =	swait.ge [sflag:s3], $0x4000  }
0x1c8: {  	[sflag:s3] =	ssyncset.done $0x0  }
0x1c9: {  	[sflag:s3] =	ssyncadd.s32 $0xFFFFC000  }
0x1ca: {  	[tilespmem:s7], [sflag:$0x1] =	stream.indirect.gather [hbm4b:s6+s10], $0x80, s18, s10, $0xb8;
	[tilespmem:$0x8A00] =	vst v63  }
0x1cb: {  	_ =	swait.ge [sflag:s8], $0x4000  }
0x1cc: {  	[sflag:s8] =	ssyncset.done $0x0  }
0x1cd: {  	s21 =	rddreg [dreg:$0xd];
	[sflag:s8] =	ssyncadd.s32 $0xFFFFC000  }
0x1ce: {  	[hbm4b:s21+s2] =	stream.linear.scatter [tilespmem:s5], [sflag:$0x4], $0x4000, $0x38;
	[tilespmem:$0x8A00] =	vst v63  }
0x1cf: {  	_ =	swait.ge [sflag:s4], $0x4000  }
0x1d0: {  	[sflag:s4] =	ssyncset.done $0x0  }
0x1d1: {  	[sflag:s4] =	ssyncadd.s32 $0xFFFFC000  }
0x1d2: {  	[tilespmem:s5], [sflag:$0x2] =	stream.indirect.gather [hbm4b:s6+s10], $0x80, s17, s10, $0xb8;
	[tilespmem:$0x8A00] =	vst v63  }
0x1d3: {  	_ =	swait.ge [sflag:s9], $0x4000  }
0x1d4: {  	[sflag:s9] =	ssyncset.done $0x0  }
0x1d5: {  	s22 =	rddreg [dreg:$0xe];
	[sflag:s9] =	ssyncadd.s32 $0xFFFFC000  }
0x1d6: {  	[hbm4b:s22+s2] =	stream.linear.scatter [tilespmem:s7], [sflag:$0x3], $0x4000, $0x38;
	[tilespmem:$0x8A00] =	vst v63  }
0x1d7: {  	_ =	swait.ge [sflag:s3], $0x4000  }
0x1d8: {  	[sflag:s3] =	ssyncset.done $0x0  }
0x1d9: {  	[sflag:s3] =	ssyncadd.s32 $0xFFFFC000  }
0x1da: {  	[tilespmem:s7], [sflag:$0x1] =	stream.indirect.gather [hbm4b:s6+s10], $0x80, s16, s10, $0xb8;
	[tilespmem:$0x8A00] =	vst v63  }
0x1db: {  	_ =	swait.ge [sflag:s8], $0x4000  }
0x1dc: {  	[sflag:s8] =	ssyncset.done $0x0  }
0x1dd: {  	s23 =	rddreg [dreg:$0xf];
	[sflag:s8] =	ssyncadd.s32 $0xFFFFC000  }
0x1de: {  	[hbm4b:s23+s2] =	stream.linear.scatter [tilespmem:s5], [sflag:$0x4], $0x4000, $0x38;
	[tilespmem:$0x8A00] =	vst v63  }
0x1df: {  	_ =	swait.ge [sflag:s4], $0x4000  }
0x1e0: {  	[sflag:s4] =	ssyncset.done $0x0  }
0x1e1: {  	[sflag:s4] =	ssyncadd.s32 $0xFFFFC000  }
0x1e2: {  	[tilespmem:s5], [sflag:$0x2] =	stream.indirect.gather [hbm4b:s6+s10], $0x80, s15, s10, $0xb8;
	[tilespmem:$0x8A00] =	vst v63  }
0x1e3: {  	_ =	swait.ge [sflag:s9], $0x4000  }
0x1e4: {  	[sflag:s9] =	ssyncset.done $0x0  }
0x1e5: {  	s24 =	rddreg [dreg:$0x10];
	[sflag:s9] =	ssyncadd.s32 $0xFFFFC000  }
0x1e6: {  	[hbm4b:s24+s2] =	stream.linear.scatter [tilespmem:s7], [sflag:$0x3], $0x4000, $0x38;
	[tilespmem:$0x8A00] =	vst v63  }
0x1e7: {  	_ =	swait.ge [sflag:s3], $0x4000  }
0x1e8: {  	[sflag:s3] =	ssyncset.done $0x0  }
0x1e9: {  	[sflag:s3] =	ssyncadd.s32 $0xFFFFC000  }
0x1ea: {  	[tilespmem:s7], [sflag:$0x1] =	stream.indirect.gather [hbm4b:s6+s10], $0x80, s14, s10, $0xb8;
	[tilespmem:$0x8A00] =	vst v63  }
0x1eb: {  	_ =	swait.ge [sflag:s8], $0x4000  }
0x1ec: {  	[sflag:s8] =	ssyncset.done $0x0  }
0x1ed: {  	s25 =	rddreg [dreg:$0x11];
	[sflag:s8] =	ssyncadd.s32 $0xFFFFC000  }
0x1ee: {  	[hbm4b:s25+s2] =	stream.linear.scatter [tilespmem:s5], [sflag:$0x4], $0x4000, $0x38;
	[tilespmem:$0x8A00] =	vst v63  }
0x1ef: {  	_ =	swait.ge [sflag:s4], $0x4000  }
0x1f0: {  	[sflag:s4] =	ssyncset.done $0x0  }
0x1f1: {  	[sflag:s4] =	ssyncadd.s32 $0xFFFFC000  }
0x1f2: {  	[tilespmem:s5], [sflag:$0x2] =	stream.indirect.gather [hbm4b:s6+s10], $0x80, s13, s10, $0xb8;
	[tilespmem:$0x8A00] =	vst v63  }
0x1f3: {  	_ =	swait.ge [sflag:s9], $0x4000  }
0x1f4: {  	[sflag:s9] =	ssyncset.done $0x0  }
0x1f5: {  	s26 =	rddreg [dreg:$0x12];
	[sflag:s9] =	ssyncadd.s32 $0xFFFFC000  }
0x1f6: {  	[hbm4b:s26+s2] =	stream.linear.scatter [tilespmem:s7], [sflag:$0x3], $0x4000, $0x38;
	[tilespmem:$0x8A00] =	vst v63  }
0x1f7: {  	_ =	swait.ge [sflag:s3], $0x4000  }
0x1f8: {  	[sflag:s3] =	ssyncset.done $0x0  }
0x1f9: {  	[sflag:s3] =	ssyncadd.s32 $0xFFFFC000  }
0x1fa: {  	[tilespmem:s7], [sflag:$0x1] =	stream.indirect.gather [hbm4b:s6+s10], $0x80, s12, s10, $0xb8;
	[tilespmem:$0x8A00] =	vst v63  }
0x1fb: {  	_ =	swait.ge [sflag:s8], $0x4000  }
0x1fc: {  	[sflag:s8] =	ssyncset.done $0x0  }
0x1fd: {  	s28 =	rddreg [dreg:$0x13];
	[sflag:s8] =	ssyncadd.s32 $0xFFFFC000  }
0x1fe: {  	[hbm4b:s28+s2] =	stream.linear.scatter [tilespmem:s5], [sflag:$0x4], $0x4000, $0x38;
	[tilespmem:$0x8A00] =	vst v63  }
0x1ff: {  	_ =	swait.ge [sflag:s4], $0x4000  }
0x200: {  	[sflag:s4] =	ssyncset.done $0x0  }
0x201: {  	[sflag:s4] =	ssyncadd.s32 $0xFFFFC000  }
0x202: {  	[tilespmem:s5], [sflag:$0x2] =	stream.indirect.gather [hbm4b:s6+s10], $0x80, s11, s10, $0xb8;
	[tilespmem:$0x8A00] =	vst v63  }
0x203: {  	_ =	swait.ge [sflag:s9], $0x4000  }
0x204: {  	[sflag:s9] =	ssyncset.done $0x0  }
0x205: {  	s29 =	rddreg [dreg:$0x14];
	[sflag:s9] =	ssyncadd.s32 $0xFFFFC000  }
0x206: {  	[hbm4b:s29+s2] =	stream.linear.scatter [tilespmem:s7], [sflag:$0x3], $0x4000, $0x38;
	[tilespmem:$0x8A00] =	vst v63  }
0x207: {  	_ =	swait.ge [sflag:s8], $0x4000  }
0x208: {  	[sflag:s8] =	ssyncset.done $0x0  }
0x209: {  	s30 =	rddreg [dreg:$0x15];
	[sflag:s8] =	ssyncadd.s32 $0xFFFFC000  }
0x20a: {  	[hbm4b:s30+s2] =	stream.linear.scatter [tilespmem:s5], [sflag:$0x4], $0x4000, $0x38;
	[tilespmem:$0x8A00] =	vst v63  }
0x20b: {  	_ =	swait.ge [sflag:s3], $0x4000  }
0x20c: {  	[sflag:s3] =	ssyncset.done $0x0  }
0x20d: {  	[sflag:s3] =	ssyncadd.s32 $0xFFFFC000  }
0x20e: {  	_ =	swait.ge [sflag:s4], $0x4000  }
0x20f: {  	[sflag:s4] =	ssyncset.done $0x0  }
0x210: {  	[sflag:s4] =	ssyncadd.s32 $0xFFFFC000  }
0x211: {  	_ =	sfence.sel $0x180000  }
0x212: {  	[bflag:$0x0] =	sbarrier.arrive $0xFFFF  }
0x213: {  	_ =	strace $0x90000047  }
0x214: {  	s31 =	stileid.u32;
	[bflag:$0x2] =	sbarrier.arrive $0xFFFF  }
0x215: {  	p0 =	sne.s32 s31, $0x0;
	s0 =	rddreg [dreg:$0x1]  }
0x216: {  	s0 =	sadd.s32 @!p0 $0x100000, s0  }
0x217: {  	[sflag:s0] =	ssyncadd.tile.s32 @!p0 $0x1;
	_ =	shalt  }
.Lfunc_end2:
_tile_overlayer_lowered:
.L_overlay_start_2:
0x218: {  	(tag) =	ssettag $0x2  }
0x219: {  	s0 =	rddreg [dreg:$0x0];
	s2 =	stileid.u32  }
0x21a: {  	s1 =	rddreg [dreg:$0x1];
	p0 =	sne.s32 s2, $0x0  }
0x21b: {  	s3 =	rddreg [dreg:$0x2];
	[bflag:$0x3] =	sbarrier.arrive $0xFFFF;
	s2 =	simm.s32 @!p0 $0x1C05  }
0x21c: {  	[timem:s3], [sflag:s2] =	dma.local @!p0 [hbm:s0], s1  }
0x21d: {  	s0 =	simm.s32 @!p0 $0x5  }
0x21e: {  	_ =	swait.ge @!p0 [sflag:s0], s1  }
0x21f: {  	s1 =	ssub.s32 @!p0 $0x0, s1;
	[sflag:s0] =	ssyncset.done @!p0 $0x0  }
0x220: {  	[sflag:s0] =	ssyncadd.s32 @!p0 s1  }
0x221: {  	[bflag:$0x3] =	sbarrier.arrive $0xFFFF  }
0x222: {  	_ =	shalt  }

</sc_bundles>
